<compile_context>
chip_gen: v7x
topology: tpu7x:2x2x1
jax: 0.10.2.dev20260603
libtpu: 0.0.44.dev20260713+nightly
codegen_flags: <defaults>
</compile_context>

<pallas_src>
import functools

import jax
import jax.numpy as jnp
from jax import lax
from jax.experimental import pallas as pl
from jax.experimental.pallas import tpu as pltpu
from jax.experimental.pallas import tpu_sc as plsc

_N = 10000
_E = 160000
_K = 64
_NT = 16
_NCH = 160
_NSR = 2
_HCH = _NCH // _NSR
_P = 2
_EPAD = _NT * _NCH * _K
_NPAD = 10112
_ZPT = _NPAD // _NT


@functools.lru_cache(maxsize=None)
def _make_sc_agg(nblocks):
    nbpc = nblocks // 2
    mesh = plsc.VectorSubcoreMesh(core_axis_name="c", subcore_axis_name="s",
                                  num_cores=2, num_subcores=16)

    @functools.partial(
        pl.kernel,
        mesh=mesh,
        out_type=jax.ShapeDtypeStruct((nblocks, _NPAD, 128), jnp.float32),
        scratch_types=[
            pltpu.VMEM((_HCH, _K), jnp.int32),
            pltpu.VMEM((_HCH, _K), jnp.int32),
        ]
        + [pltpu.VMEM((_K, 128), jnp.float32) for _ in range(_P)]
        + [pltpu.VMEM_SHARED((_NPAD, 128), jnp.float32)]
        + [pltpu.SemaphoreType.DMA for _ in range(2 * _P)],
    )
    def agg(table, srcoff, dstc, zeros, out, src_v, dst_v, *bufs):
        rows = list(bufs[:_P])
        acc = bufs[_P]
        sem_g = list(bufs[_P + 1:2 * _P + 1])
        sem_s = list(bufs[2 * _P + 1:3 * _P + 1])
        c = lax.axis_index("c")
        s = lax.axis_index("s")
        for ib in range(nbpc):
            b = c * nbpc + ib
            pltpu.sync_copy(zeros.at[pl.ds(s * _ZPT, _ZPT)],
                            acc.at[pl.ds(s * _ZPT, _ZPT)])
            plsc.subcore_barrier()

            for sr in range(_NSR):
                pltpu.sync_copy(srcoff.at[b, s, pl.ds(sr * _HCH, _HCH)],
                                src_v)
                pltpu.sync_copy(dstc.at[s, pl.ds(sr * _HCH, _HCH)], dst_v)

                rows_a, rows_b = rows[0], rows[1]
                sem_a, sem_b = sem_g[0], sem_g[1]
                pltpu.async_copy(table.at[src_v.at[0]], rows_a, sem_a)

                def pair(i, carry):
                    j0 = 2 * i
                    j1 = j0 + 1
                    jn = jnp.minimum(j1 + 1, _HCH - 1)
                    pltpu.async_copy(table.at[src_v.at[j1]], rows_b, sem_b)
                    pltpu.make_async_copy(table.at[src_v.at[j0]],
                                          rows_a, sem_a).wait()
                    pltpu.sync_copy(rows_a, acc.at[dst_v.at[j0]], add=True)
                    pltpu.async_copy(table.at[src_v.at[jn]], rows_a, sem_a)
                    pltpu.make_async_copy(table.at[src_v.at[j1]],
                                          rows_b, sem_b).wait()
                    pltpu.sync_copy(rows_b, acc.at[dst_v.at[j1]], add=True)
                    return carry

                lax.fori_loop(0, _HCH // 2, pair, 0)
                pltpu.make_async_copy(table.at[src_v.at[0]],
                                      rows_a, sem_a).wait()
            plsc.subcore_barrier()
            pltpu.sync_copy(acc.at[pl.ds(s * _ZPT, _ZPT)],
                            out.at[b, pl.ds(s * _ZPT, _ZPT)])
            plsc.subcore_barrier()

    return agg


_TILE = 1000
_GRID = _N // _TILE


def _bdot(a, b):
    return jnp.dot(a, b, preferred_element_type=jnp.float32)


def _sage_stats_body(nblocks, x_ref, agg_ref, wl_ref, wr_ref, b_ref,
                     y_ref, st_ref):
    i = pl.program_id(0)
    acc = _bdot(x_ref[...], wr_ref[...]) + b_ref[...]
    for cb in range(nblocks):
        acc += _bdot(agg_ref[cb], wl_ref[cb])
    y_ref[...] = acc
    s = jnp.sum(acc, axis=0, keepdims=True)
    q = jnp.sum(acc * acc, axis=0, keepdims=True)
    st = jnp.concatenate([s, q, jnp.zeros((6, 512), jnp.float32)], axis=0)

    @pl.when(i == 0)
    def _():
        st_ref[...] = st

    @pl.when(i > 0)
    def _():
        st_ref[...] += st


def _sage_layer(nblocks, din, x, agg_blocks, wlT_blocks, wrT, bl):
    return pl.pallas_call(
        functools.partial(_sage_stats_body, nblocks),
        grid=(_GRID,),
        in_specs=[
            pl.BlockSpec((_TILE, din), lambda i: (i, 0)),
            pl.BlockSpec((nblocks, _TILE, 128), lambda i: (0, i, 0)),
            pl.BlockSpec((nblocks, 128, 512), lambda i: (0, 0, 0)),
            pl.BlockSpec((din, 512), lambda i: (0, 0)),
            pl.BlockSpec((1, 512), lambda i: (0, 0)),
        ],
        out_specs=[
            pl.BlockSpec((_TILE, 512), lambda i: (i, 0)),
            pl.BlockSpec((8, 512), lambda i: (0, 0)),
        ],
        out_shape=[
            jax.ShapeDtypeStruct((_N, 512), jnp.float32),
            jax.ShapeDtypeStruct((8, 512), jnp.float32),
        ],
    )(x, agg_blocks, wlT_blocks, wrT, bl)


def _bn_relu_body(y_ref, st_ref, g_ref, be_ref, h_ref):
    inv_n = 1.0 / _N
    mean = st_ref[0:1, :] * inv_n
    var = st_ref[1:2, :] * inv_n - mean * mean
    scale = g_ref[...] * lax.rsqrt(var + 1e-5)
    shift = be_ref[...] - mean * scale
    h_ref[...] = jnp.maximum(y_ref[...] * scale + shift, 0.0)


def _bn_relu(y, st, g, be):
    return pl.pallas_call(
        _bn_relu_body,
        grid=(_GRID,),
        in_specs=[
            pl.BlockSpec((_TILE, 512), lambda i: (i, 0)),
            pl.BlockSpec((8, 512), lambda i: (0, 0)),
            pl.BlockSpec((1, 512), lambda i: (0, 0)),
            pl.BlockSpec((1, 512), lambda i: (0, 0)),
        ],
        out_specs=pl.BlockSpec((_TILE, 512), lambda i: (i, 0)),
        out_shape=jax.ShapeDtypeStruct((_N, 512), jnp.float32),
    )(y, st, g, be)


def _head_body(y_ref, st_ref, g_ref, be_ref, w1_ref, b1_ref, w2_ref, b2_ref,
               o_ref):
    inv_n = 1.0 / _N
    mean = st_ref[0:1, :] * inv_n
    var = st_ref[1:2, :] * inv_n - mean * mean
    scale = g_ref[...] * lax.rsqrt(var + 1e-5)
    shift = be_ref[...] - mean * scale
    h1 = jnp.maximum(y_ref[...] * scale + shift, 0.0)
    h2 = jnp.maximum(_bdot(h1, w1_ref[...]) + b1_ref[...], 0.0)
    o_ref[...] = _bdot(h2, w2_ref[...]) + b2_ref[...]


def _head(y, st, g, be, w1T, b1, w2T, b2):
    return pl.pallas_call(
        _head_body,
        grid=(_GRID,),
        in_specs=[
            pl.BlockSpec((_TILE, 512), lambda i: (i, 0)),
            pl.BlockSpec((8, 512), lambda i: (0, 0)),
            pl.BlockSpec((1, 512), lambda i: (0, 0)),
            pl.BlockSpec((1, 512), lambda i: (0, 0)),
            pl.BlockSpec((512, 512), lambda i: (0, 0)),
            pl.BlockSpec((1, 512), lambda i: (0, 0)),
            pl.BlockSpec((512, 256), lambda i: (0, 0)),
            pl.BlockSpec((1, 256), lambda i: (0, 0)),
        ],
        out_specs=pl.BlockSpec((_TILE, 256), lambda i: (i, 0)),
        out_shape=jax.ShapeDtypeStruct((_N, 256), jnp.float32),
    )(y, st, g, be, w1T, b1, w2T, b2)


def kernel(x, edge_index, Wl0, bl0, Wr0, Wl1, bl1, Wr1, g0, be0, g1, be1,
           W1, b1, W2, b2):
    src = edge_index[0]
    dst = edge_index[1]
    pad = _EPAD - _E
    src_p = jnp.concatenate([src, jnp.zeros((pad,), jnp.int32)])
    dst_p = jnp.concatenate([dst, jnp.full((pad,), _N, jnp.int32)])
    dst_t = dst_p.reshape(_NT, _NCH, _K)
    off2 = jnp.arange(2, dtype=jnp.int32)[:, None]
    off4 = jnp.arange(4, dtype=jnp.int32)[:, None]
    srcoff2 = (src_p[None, :] * 2 + off2).reshape(2, _NT, _NCH, _K)
    srcoff4 = (src_p[None, :] * 4 + off4).reshape(4, _NT, _NCH, _K)
    zeros = jnp.zeros((_NPAD, 128), jnp.float32)

    wl0T = Wl0.T.reshape(2, 128, 512)
    wr0T = Wr0.T
    wl1T = Wl1.T.reshape(4, 128, 512)
    wr1T = Wr1.T
    w1T = W1.T
    w2T = W2.T
    bl0r = bl0.reshape(1, 512)
    bl1r = bl1.reshape(1, 512)
    g0r = g0.reshape(1, 512)
    be0r = be0.reshape(1, 512)
    g1r = g1.reshape(1, 512)
    be1r = be1.reshape(1, 512)
    b1r = b1.reshape(1, 512)
    b2r = b2.reshape(1, 256)

    agg0 = _make_sc_agg(2)(x.reshape(2 * _N, 128), srcoff2, dst_t, zeros)
    y0, st0 = _sage_layer(2, 256, x, agg0, wl0T, wr0T, bl0r)
    h0 = _bn_relu(y0, st0, g0r, be0r)

    agg1 = _make_sc_agg(4)(h0.reshape(4 * _N, 128), srcoff4, dst_t, zeros)
    y1, st1 = _sage_layer(4, 512, h0, agg1, wl1T, wr1T, bl1r)

    return _head(y1, st1, g1r, be1r, w1T, b1r, w2T, b2r)

# --- scband reference (transcript-rebuilt; emitter-appended) ---
"""Pipeline reference for scband-graph-sage-40321152975188 (READ-ONLY COPY).

The authoritative reference and input builder live on the scoring server;
editing this copy changes nothing except your own understanding.
"""

import jax, jax.numpy as jnp
import numpy as np

N = 10000
E = 160000
D_IN = 256
D_EMB = 512
D_OUT = 256


def setup_inputs(seed: int = 0) -> dict:
    key = jax.random.key(seed)
    ks = jax.random.split(key, 20)
    x = jax.random.normal(ks[0], (N, D_IN), dtype=jnp.float32)
    edge_index = jax.random.randint(ks[1], (2, E), 0, N, dtype=jnp.int32)
    s = 0.02
    Wl0 = jax.random.normal(ks[2], (D_EMB, D_IN), dtype=jnp.float32) * s
    bl0 = jnp.zeros((D_EMB,), dtype=jnp.float32)
    Wr0 = jax.random.normal(ks[3], (D_EMB, D_IN), dtype=jnp.float32) * s
    Wl1 = jax.random.normal(ks[4], (D_EMB, D_EMB), dtype=jnp.float32) * s
    bl1 = jnp.zeros((D_EMB,), dtype=jnp.float32)
    Wr1 = jax.random.normal(ks[5], (D_EMB, D_EMB), dtype=jnp.float32) * s
    g0 = jnp.ones((D_EMB,), dtype=jnp.float32)
    be0 = jnp.zeros((D_EMB,), dtype=jnp.float32)
    g1 = jnp.ones((D_EMB,), dtype=jnp.float32)
    be1 = jnp.zeros((D_EMB,), dtype=jnp.float32)
    W1 = jax.random.normal(ks[6], (D_EMB, D_EMB), dtype=jnp.float32) * s
    b1 = jnp.zeros((D_EMB,), dtype=jnp.float32)
    W2 = jax.random.normal(ks[7], (D_OUT, D_EMB), dtype=jnp.float32) * s
    b2 = jnp.zeros((D_OUT,), dtype=jnp.float32)
    return {"x": x, "edge_index": edge_index, "Wl0": Wl0, "bl0": bl0, "Wr0": Wr0,
            "Wl1": Wl1, "bl1": bl1, "Wr1": Wr1, "g0": g0, "be0": be0,
            "g1": g1, "be1": be1, "W1": W1, "b1": b1, "W2": W2, "b2": b2}


def _sage_conv(x, edge_index, Wl, bl, Wr):
    # SAGEConv(aggr='sum'): out_i = lin_l(sum_{j in N(i)} x_j) + lin_r(x_i)
    src = edge_index[0]
    dst = edge_index[1]
    msg = jnp.take(x, src, axis=0)
    agg = jnp.zeros((x.shape[0], x.shape[1]), dtype=x.dtype).at[dst].add(msg)
    return agg @ Wl.T + bl + x @ Wr.T


def _batch_norm(x, gamma, beta, eps=1e-5):
    m = jnp.mean(x, axis=0)
    v = jnp.var(x, axis=0)
    return gamma * (x - m) / jnp.sqrt(v + eps) + beta


def reference(x, edge_index, Wl0, bl0, Wr0, Wl1, bl1, Wr1, g0, be0, g1, be1, W1, b1, W2, b2):
    # forward zips convs with batch_norms (len num_layers-1=2), so only convs[0] and convs[1] run
    h = jax.nn.relu(_batch_norm(_sage_conv(x, edge_index, Wl0, bl0, Wr0), g0, be0))
    h = jax.nn.relu(_batch_norm(_sage_conv(h, edge_index, Wl1, bl1, Wr1), g1, be1))
    # dropout is identity in eval mode
    h = jax.nn.relu(h @ W1.T + b1)
    out = h @ W2.T + b2
    return out

if __name__ == "__main__":
    import jax
    _d = setup_inputs()
    print(jax.jit(kernel)(*tuple(_d.values())))

</pallas_src>

<mosaic_0001>
#map = affine_map<(d0, d1) -> (0, 0)>
#map1 = affine_map<(d0, d1) -> (0, 0, 0, 0)>
#map2 = affine_map<(d0, d1) -> (0, 0, 0)>
module attributes {stable_mosaic.version = 14 : i64} {
  func.func @agg(%arg0: i32, %arg1: i32, %arg2: memref<40000x128xf32, #tpu.memory_space<hbm>>, %arg3: memref<4x16x160x64xi32, #tpu.memory_space<hbm>>, %arg4: memref<16x160x64xi32, #tpu.memory_space<hbm>>, %arg5: memref<10112x128xf32, #tpu.memory_space<hbm>>, %arg6: memref<4x10112x128xf32, #tpu.memory_space<hbm>>, %arg7: memref<80x64xi32, #tpu.memory_space<vmem>>, %arg8: memref<80x64xi32, #tpu.memory_space<vmem>>, %arg9: memref<64x128xf32, #tpu.memory_space<vmem>>, %arg10: memref<64x128xf32, #tpu.memory_space<vmem>>, %arg11: memref<10112x128xf32, #tpu.memory_space<vmem_shared>>, %arg12: memref<!tpu.dma_semaphore, #tpu.memory_space<semaphore_mem>>, %arg13: memref<!tpu.dma_semaphore, #tpu.memory_space<semaphore_mem>>, %arg14: memref<!tpu.dma_semaphore, #tpu.memory_space<semaphore_mem>>, %arg15: memref<!tpu.dma_semaphore, #tpu.memory_space<semaphore_mem>>) attributes {dimension_semantics = [#tpu.dimension_semantics<core_parallel>, #tpu.dimension_semantics<subcore_parallel>], iteration_bounds = array<i64: 2, 16>, scalar_prefetch = 0 : i64, scratch_operands = 9 : i64, tpu.core_type = #tpu.core_type<sc_vector_subcore>, window_params = [{transform_indices = #map}, {transform_indices = #map1}, {transform_indices = #map2}, {transform_indices = #map}, {transform_indices = #map2}]} {
    %mul3A = arith.constant 2 : i32
    %mul3A_0 = arith.muli %arg0, %mul3A : i32
    %add3A = arith.constant 0 : i32
    %add3A_1 = arith.addi %mul3A_0, %add3A : i32
    %mul3A_2 = arith.constant 632 : i32
    %mul3A_3 = arith.muli %arg1, %mul3A_2 : i32
    %mul3A_4 = arith.constant 632 : i32
    %mul3A_5 = arith.muli %arg1, %mul3A_4 : i32
    "tpu.region"() ({
      %run_scoped3A = tpu.sem_alloc : memref<!tpu.dma_semaphore, #tpu.memory_space<semaphore_mem>>
      %dma_start3A_104 = arith.constant 0 : i32
      %dma_start3A_105 = tpu.memref_slice %arg11[%mul3A_5, %dma_start3A_104] : memref<10112x128xf32, #tpu.memory_space<vmem_shared>> -> memref<632x128xf32, #tpu.memory_space<vmem_shared>>
      %dma_start3A_106 = arith.constant 0 : i32
      %dma_start3A_107 = tpu.memref_slice %arg5[%mul3A_3, %dma_start3A_106] : memref<10112x128xf32, #tpu.memory_space<hbm>> -> memref<632x128xf32, #tpu.memory_space<hbm>>
      tpu.enqueue_dma source(%dma_start3A_107 : memref<632x128xf32, #tpu.memory_space<hbm>>) target(%dma_start3A_105 : memref<632x128xf32, #tpu.memory_space<vmem_shared>>) target_semaphore(%run_scoped3A : memref<!tpu.dma_semaphore, #tpu.memory_space<semaphore_mem>>)
      %dma_wait3A_108 = arith.constant 0 : i32
      %dma_wait3A_109 = tpu.memref_slice %arg11[%mul3A_5, %dma_wait3A_108] : memref<10112x128xf32, #tpu.memory_space<vmem_shared>> -> memref<632x128xf32, #tpu.memory_space<vmem_shared>>
      %dma_wait3A_110 = arith.constant 0 : i32
      %dma_wait3A_111 = tpu.memref_slice %arg5[%mul3A_3, %dma_wait3A_110] : memref<10112x128xf32, #tpu.memory_space<hbm>> -> memref<632x128xf32, #tpu.memory_space<hbm>>
      tpu.wait_dma2 semaphore(%run_scoped3A : memref<!tpu.dma_semaphore, #tpu.memory_space<semaphore_mem>>) src(%dma_wait3A_111 : memref<632x128xf32, #tpu.memory_space<hbm>>) dst(%dma_wait3A_109 : memref<632x128xf32, #tpu.memory_space<vmem_shared>>)
      tpu.yield
    }) : () -> ()
    %barrier3A = arith.constant 0 : index
    tpu.barrier barrier_id(%barrier3A)
    "tpu.region"() ({
      %run_scoped3A = tpu.sem_alloc : memref<!tpu.dma_semaphore, #tpu.memory_space<semaphore_mem>>
      %dma_start3A_104 = arith.constant 0 : i32
      %dma_start3A_105 = arith.constant 0 : i32
      %dma_start3A_106 = tpu.memref_slice %arg3[%add3A_1, %arg1, %dma_start3A_104, %dma_start3A_105] : memref<4x16x160x64xi32, #tpu.memory_space<hbm>> -> memref<1x1x80x64xi32, #tpu.memory_space<hbm>>
      %dma_start3A_107 = tpu.memref_squeeze %dma_start3A_106 : memref<1x1x80x64xi32, #tpu.memory_space<hbm>> -> memref<80x64xi32, #tpu.memory_space<hbm>>
      %dma_start3A_108 = arith.constant 0 : i32
      %dma_start3A_109 = arith.constant 0 : i32
      %dma_start3A_110 = tpu.memref_slice %arg3[%add3A_1, %arg1, %dma_start3A_108, %dma_start3A_109] : memref<4x16x160x64xi32, #tpu.memory_space<hbm>> -> memref<1x1x80x64xi32, #tpu.memory_space<hbm>>
      %dma_start3A_111 = tpu.memref_squeeze %dma_start3A_110 : memref<1x1x80x64xi32, #tpu.memory_space<hbm>> -> memref<80x64xi32, #tpu.memory_space<hbm>>
      tpu.enqueue_dma source(%dma_start3A_111 : memref<80x64xi32, #tpu.memory_space<hbm>>) target(%arg7 : memref<80x64xi32, #tpu.memory_space<vmem>>) target_semaphore(%run_scoped3A : memref<!tpu.dma_semaphore, #tpu.memory_space<semaphore_mem>>)
      %dma_wait3A_112 = arith.constant 0 : i32
      %dma_wait3A_113 = arith.constant 0 : i32
      %dma_wait3A_114 = tpu.memref_slice %arg3[%add3A_1, %arg1, %dma_wait3A_112, %dma_wait3A_113] : memref<4x16x160x64xi32, #tpu.memory_space<hbm>> -> memref<1x1x80x64xi32, #tpu.memory_space<hbm>>
      %dma_wait3A_115 = tpu.memref_squeeze %dma_wait3A_114 : memref<1x1x80x64xi32, #tpu.memory_space<hbm>> -> memref<80x64xi32, #tpu.memory_space<hbm>>
      %dma_wait3A_116 = arith.constant 0 : i32
      %dma_wait3A_117 = arith.constant 0 : i32
      %dma_wait3A_118 = tpu.memref_slice %arg3[%add3A_1, %arg1, %dma_wait3A_116, %dma_wait3A_117] : memref<4x16x160x64xi32, #tpu.memory_space<hbm>> -> memref<1x1x80x64xi32, #tpu.memory_space<hbm>>
      %dma_wait3A_119 = tpu.memref_squeeze %dma_wait3A_118 : memref<1x1x80x64xi32, #tpu.memory_space<hbm>> -> memref<80x64xi32, #tpu.memory_space<hbm>>
      tpu.wait_dma2 semaphore(%run_scoped3A : memref<!tpu.dma_semaphore, #tpu.memory_space<semaphore_mem>>) src(%dma_wait3A_119 : memref<80x64xi32, #tpu.memory_space<hbm>>) dst(%arg7 : memref<80x64xi32, #tpu.memory_space<vmem>>)
      tpu.yield
    }) : () -> ()
    "tpu.region"() ({
      %run_scoped3A = tpu.sem_alloc : memref<!tpu.dma_semaphore, #tpu.memory_space<semaphore_mem>>
      %dma_start3A_104 = arith.constant 0 : i32
      %dma_start3A_105 = arith.constant 0 : i32
      %dma_start3A_106 = tpu.memref_slice %arg4[%arg1, %dma_start3A_104, %dma_start3A_105] : memref<16x160x64xi32, #tpu.memory_space<hbm>> -> memref<1x80x64xi32, #tpu.memory_space<hbm>>
      %dma_start3A_107 = tpu.memref_squeeze %dma_start3A_106 : memref<1x80x64xi32, #tpu.memory_space<hbm>> -> memref<80x64xi32, #tpu.memory_space<hbm>>
      %dma_start3A_108 = arith.constant 0 : i32
      %dma_start3A_109 = arith.constant 0 : i32
      %dma_start3A_110 = tpu.memref_slice %arg4[%arg1, %dma_start3A_108, %dma_start3A_109] : memref<16x160x64xi32, #tpu.memory_space<hbm>> -> memref<1x80x64xi32, #tpu.memory_space<hbm>>
      %dma_start3A_111 = tpu.memref_squeeze %dma_start3A_110 : memref<1x80x64xi32, #tpu.memory_space<hbm>> -> memref<80x64xi32, #tpu.memory_space<hbm>>
      tpu.enqueue_dma source(%dma_start3A_111 : memref<80x64xi32, #tpu.memory_space<hbm>>) target(%arg8 : memref<80x64xi32, #tpu.memory_space<vmem>>) target_semaphore(%run_scoped3A : memref<!tpu.dma_semaphore, #tpu.memory_space<semaphore_mem>>)
      %dma_wait3A_112 = arith.constant 0 : i32
      %dma_wait3A_113 = arith.constant 0 : i32
      %dma_wait3A_114 = tpu.memref_slice %arg4[%arg1, %dma_wait3A_112, %dma_wait3A_113] : memref<16x160x64xi32, #tpu.memory_space<hbm>> -> memref<1x80x64xi32, #tpu.memory_space<hbm>>
      %dma_wait3A_115 = tpu.memref_squeeze %dma_wait3A_114 : memref<1x80x64xi32, #tpu.memory_space<hbm>> -> memref<80x64xi32, #tpu.memory_space<hbm>>
      %dma_wait3A_116 = arith.constant 0 : i32
      %dma_wait3A_117 = arith.constant 0 : i32
      %dma_wait3A_118 = tpu.memref_slice %arg4[%arg1, %dma_wait3A_116, %dma_wait3A_117] : memref<16x160x64xi32, #tpu.memory_space<hbm>> -> memref<1x80x64xi32, #tpu.memory_space<hbm>>
      %dma_wait3A_119 = tpu.memref_squeeze %dma_wait3A_118 : memref<1x80x64xi32, #tpu.memory_space<hbm>> -> memref<80x64xi32, #tpu.memory_space<hbm>>
      tpu.wait_dma2 semaphore(%run_scoped3A : memref<!tpu.dma_semaphore, #tpu.memory_space<semaphore_mem>>) src(%dma_wait3A_119 : memref<80x64xi32, #tpu.memory_space<hbm>>) dst(%arg8 : memref<80x64xi32, #tpu.memory_space<vmem>>)
      tpu.yield
    }) : () -> ()
    %dma_start3A = arith.constant 0 : i32
    %dma_start3A_6 = arith.constant 0 : i32
    %dma_start3A_7 = tpu.memref_slice %arg7[%dma_start3A, %dma_start3A_6] : memref<80x64xi32, #tpu.memory_space<vmem>> -> memref<1x64xi32, #tpu.memory_space<vmem>>
    %dma_start3A_8 = tpu.memref_squeeze %dma_start3A_7 : memref<1x64xi32, #tpu.memory_space<vmem>> -> memref<64xi32, #tpu.memory_space<vmem>>
    %dma_start3A_9 = arith.constant 0 : i32
    %dma_start3A_10 = arith.constant 0 : i32
    %dma_start3A_11 = tpu.memref_slice %arg2[%dma_start3A_9, %dma_start3A_10] : memref<40000x128xf32, #tpu.memory_space<hbm>> -> memref<40000x128xf32, #tpu.memory_space<hbm>>
    tpu.enqueue_indirect_dma source(%dma_start3A_11 : memref<40000x128xf32, #tpu.memory_space<hbm>>) target(%arg9 : memref<64x128xf32, #tpu.memory_space<vmem>>) offsets(%dma_start3A_8 : memref<64xi32, #tpu.memory_space<vmem>>) semaphore(%arg12 : memref<!tpu.dma_semaphore, #tpu.memory_space<semaphore_mem>>)
    %scan3A = arith.constant 0 : i32
    %scan3A_12 = arith.constant 0 : i32
    %scan3A_13 = arith.constant 40 : i32
    %scan3A_14 = arith.addi %scan3A_12, %scan3A_13 : i32
    %scan3A_15 = arith.constant 1 : i32
    scf.for %scan3A_104 = %scan3A_12 to %scan3A_14 step %scan3A_15  : i32 {
      %mul3A_105 = arith.constant 2 : i32
      %mul3A_106 = arith.muli %mul3A_105, %scan3A_104 : i32
      %add3A_107 = arith.constant 1 : i32
      %add3A_108 = arith.addi %mul3A_106, %add3A_107 : i32
      %add3A_109 = arith.constant 1 : i32
      %add3A_110 = arith.addi %add3A_108, %add3A_109 : i32
      %min3A = arith.constant 79 : i32
      %min3A_111 = arith.minsi %add3A_110, %min3A : i32
      %dma_start3A_112 = arith.constant 0 : i32
      %dma_start3A_113 = tpu.memref_slice %arg7[%add3A_108, %dma_start3A_112] : memref<80x64xi32, #tpu.memory_space<vmem>> -> memref<1x64xi32, #tpu.memory_space<vmem>>
      %dma_start3A_114 = tpu.memref_squeeze %dma_start3A_113 : memref<1x64xi32, #tpu.memory_space<vmem>> -> memref<64xi32, #tpu.memory_space<vmem>>
      %dma_start3A_115 = arith.constant 0 : i32
      %dma_start3A_116 = arith.constant 0 : i32
      %dma_start3A_117 = tpu.memref_slice %arg2[%dma_start3A_115, %dma_start3A_116] : memref<40000x128xf32, #tpu.memory_space<hbm>> -> memref<40000x128xf32, #tpu.memory_space<hbm>>
      tpu.enqueue_indirect_dma source(%dma_start3A_117 : memref<40000x128xf32, #tpu.memory_space<hbm>>) target(%arg10 : memref<64x128xf32, #tpu.memory_space<vmem>>) offsets(%dma_start3A_114 : memref<64xi32, #tpu.memory_space<vmem>>) semaphore(%arg13 : memref<!tpu.dma_semaphore, #tpu.memory_space<semaphore_mem>>)
      %dma_wait3A_118 = arith.constant 0 : i32
      %dma_wait3A_119 = tpu.memref_slice %arg7[%mul3A_106, %dma_wait3A_118] : memref<80x64xi32, #tpu.memory_space<vmem>> -> memref<1x64xi32, #tpu.memory_space<vmem>>
      %dma_wait3A_120 = tpu.memref_squeeze %dma_wait3A_119 : memref<1x64xi32, #tpu.memory_space<vmem>> -> memref<64xi32, #tpu.memory_space<vmem>>
      %dma_wait3A_121 = arith.constant 0 : i32
      %dma_wait3A_122 = arith.constant 0 : i32
      %dma_wait3A_123 = tpu.memref_slice %arg2[%dma_wait3A_121, %dma_wait3A_122] : memref<40000x128xf32, #tpu.memory_space<hbm>> -> memref<40000x128xf32, #tpu.memory_space<hbm>>
      tpu.wait_indirect_dma semaphore(%arg12 : memref<!tpu.dma_semaphore, #tpu.memory_space<semaphore_mem>>) src(%dma_wait3A_123 : memref<40000x128xf32, #tpu.memory_space<hbm>>) dst(%arg9 : memref<64x128xf32, #tpu.memory_space<vmem>>)
      "tpu.region"() ({
        %run_scoped3A = tpu.sem_alloc : memref<!tpu.dma_semaphore, #tpu.memory_space<semaphore_mem>>
        %dma_start3A_136 = arith.constant 0 : i32
        %dma_start3A_137 = tpu.memref_slice %arg8[%mul3A_106, %dma_start3A_136] : memref<80x64xi32, #tpu.memory_space<vmem>> -> memref<1x64xi32, #tpu.memory_space<vmem>>
        %dma_start3A_138 = tpu.memref_squeeze %dma_start3A_137 : memref<1x64xi32, #tpu.memory_space<vmem>> -> memref<64xi32, #tpu.memory_space<vmem>>
        %dma_start3A_139 = arith.constant 0 : i32
        %dma_start3A_140 = arith.constant 0 : i32
        %dma_start3A_141 = tpu.memref_slice %arg11[%dma_start3A_139, %dma_start3A_140] : memref<10112x128xf32, #tpu.memory_space<vmem_shared>> -> memref<10112x128xf32, #tpu.memory_space<vmem_shared>>
        tpu.enqueue_indirect_dma source(%arg9 : memref<64x128xf32, #tpu.memory_space<vmem>>) target(%dma_start3A_141 : memref<10112x128xf32, #tpu.memory_space<vmem_shared>>) offsets(%dma_start3A_138 : memref<64xi32, #tpu.memory_space<vmem>>) semaphore(%run_scoped3A : memref<!tpu.dma_semaphore, #tpu.memory_space<semaphore_mem>>) {add = true}
        %dma_wait3A_142 = arith.constant 0 : i32
        %dma_wait3A_143 = tpu.memref_slice %arg8[%mul3A_106, %dma_wait3A_142] : memref<80x64xi32, #tpu.memory_space<vmem>> -> memref<1x64xi32, #tpu.memory_space<vmem>>
        %dma_wait3A_144 = tpu.memref_squeeze %dma_wait3A_143 : memref<1x64xi32, #tpu.memory_space<vmem>> -> memref<64xi32, #tpu.memory_space<vmem>>
        %dma_wait3A_145 = arith.constant 0 : i32
        %dma_wait3A_146 = arith.constant 0 : i32
        %dma_wait3A_147 = tpu.memref_slice %arg11[%dma_wait3A_145, %dma_wait3A_146] : memref<10112x128xf32, #tpu.memory_space<vmem_shared>> -> memref<10112x128xf32, #tpu.memory_space<vmem_shared>>
        tpu.wait_indirect_dma semaphore(%run_scoped3A : memref<!tpu.dma_semaphore, #tpu.memory_space<semaphore_mem>>) src(%arg9 : memref<64x128xf32, #tpu.memory_space<vmem>>) dst(%dma_wait3A_147 : memref<10112x128xf32, #tpu.memory_space<vmem_shared>>)
        tpu.yield
      }) : () -> ()
      %dma_start3A_124 = arith.constant 0 : i32
      %dma_start3A_125 = tpu.memref_slice %arg7[%min3A_111, %dma_start3A_124] : memref<80x64xi32, #tpu.memory_space<vmem>> -> memref<1x64xi32, #tpu.memory_space<vmem>>
      %dma_start3A_126 = tpu.memref_squeeze %dma_start3A_125 : memref<1x64xi32, #tpu.memory_space<vmem>> -> memref<64xi32, #tpu.memory_space<vmem>>
      %dma_start3A_127 = arith.constant 0 : i32
      %dma_start3A_128 = arith.constant 0 : i32
      %dma_start3A_129 = tpu.memref_slice %arg2[%dma_start3A_127, %dma_start3A_128] : memref<40000x128xf32, #tpu.memory_space<hbm>> -> memref<40000x128xf32, #tpu.memory_space<hbm>>
      tpu.enqueue_indirect_dma source(%dma_start3A_129 : memref<40000x128xf32, #tpu.memory_space<hbm>>) target(%arg9 : memref<64x128xf32, #tpu.memory_space<vmem>>) offsets(%dma_start3A_126 : memref<64xi32, #tpu.memory_space<vmem>>) semaphore(%arg12 : memref<!tpu.dma_semaphore, #tpu.memory_space<semaphore_mem>>)
      %dma_wait3A_130 = arith.constant 0 : i32
      %dma_wait3A_131 = tpu.memref_slice %arg7[%add3A_108, %dma_wait3A_130] : memref<80x64xi32, #tpu.memory_space<vmem>> -> memref<1x64xi32, #tpu.memory_space<vmem>>
      %dma_wait3A_132 = tpu.memref_squeeze %dma_wait3A_131 : memref<1x64xi32, #tpu.memory_space<vmem>> -> memref<64xi32, #tpu.memory_space<vmem>>
      %dma_wait3A_133 = arith.constant 0 : i32
      %dma_wait3A_134 = arith.constant 0 : i32
      %dma_wait3A_135 = tpu.memref_slice %arg2[%dma_wait3A_133, %dma_wait3A_134] : memref<40000x128xf32, #tpu.memory_space<hbm>> -> memref<40000x128xf32, #tpu.memory_space<hbm>>
      tpu.wait_indirect_dma semaphore(%arg13 : memref<!tpu.dma_semaphore, #tpu.memory_space<semaphore_mem>>) src(%dma_wait3A_135 : memref<40000x128xf32, #tpu.memory_space<hbm>>) dst(%arg10 : memref<64x128xf32, #tpu.memory_space<vmem>>)
      "tpu.region"() ({
        %run_scoped3A = tpu.sem_alloc : memref<!tpu.dma_semaphore, #tpu.memory_space<semaphore_mem>>
        %dma_start3A_136 = arith.constant 0 : i32
        %dma_start3A_137 = tpu.memref_slice %arg8[%add3A_108, %dma_start3A_136] : memref<80x64xi32, #tpu.memory_space<vmem>> -> memref<1x64xi32, #tpu.memory_space<vmem>>
        %dma_start3A_138 = tpu.memref_squeeze %dma_start3A_137 : memref<1x64xi32, #tpu.memory_space<vmem>> -> memref<64xi32, #tpu.memory_space<vmem>>
        %dma_start3A_139 = arith.constant 0 : i32
        %dma_start3A_140 = arith.constant 0 : i32
        %dma_start3A_141 = tpu.memref_slice %arg11[%dma_start3A_139, %dma_start3A_140] : memref<10112x128xf32, #tpu.memory_space<vmem_shared>> -> memref<10112x128xf32, #tpu.memory_space<vmem_shared>>
        tpu.enqueue_indirect_dma source(%arg10 : memref<64x128xf32, #tpu.memory_space<vmem>>) target(%dma_start3A_141 : memref<10112x128xf32, #tpu.memory_space<vmem_shared>>) offsets(%dma_start3A_138 : memref<64xi32, #tpu.memory_space<vmem>>) semaphore(%run_scoped3A : memref<!tpu.dma_semaphore, #tpu.memory_space<semaphore_mem>>) {add = true}
        %dma_wait3A_142 = arith.constant 0 : i32
        %dma_wait3A_143 = tpu.memref_slice %arg8[%add3A_108, %dma_wait3A_142] : memref<80x64xi32, #tpu.memory_space<vmem>> -> memref<1x64xi32, #tpu.memory_space<vmem>>
        %dma_wait3A_144 = tpu.memref_squeeze %dma_wait3A_143 : memref<1x64xi32, #tpu.memory_space<vmem>> -> memref<64xi32, #tpu.memory_space<vmem>>
        %dma_wait3A_145 = arith.constant 0 : i32
        %dma_wait3A_146 = arith.constant 0 : i32
        %dma_wait3A_147 = tpu.memref_slice %arg11[%dma_wait3A_145, %dma_wait3A_146] : memref<10112x128xf32, #tpu.memory_space<vmem_shared>> -> memref<10112x128xf32, #tpu.memory_space<vmem_shared>>
        tpu.wait_indirect_dma semaphore(%run_scoped3A : memref<!tpu.dma_semaphore, #tpu.memory_space<semaphore_mem>>) src(%arg10 : memref<64x128xf32, #tpu.memory_space<vmem>>) dst(%dma_wait3A_147 : memref<10112x128xf32, #tpu.memory_space<vmem_shared>>)
        tpu.yield
      }) : () -> ()
    }
    %scan3A_16 = arith.constant 40 : i32
    %dma_wait3A = arith.constant 0 : i32
    %dma_wait3A_17 = arith.constant 0 : i32
    %dma_wait3A_18 = tpu.memref_slice %arg7[%dma_wait3A, %dma_wait3A_17] : memref<80x64xi32, #tpu.memory_space<vmem>> -> memref<1x64xi32, #tpu.memory_space<vmem>>
    %dma_wait3A_19 = tpu.memref_squeeze %dma_wait3A_18 : memref<1x64xi32, #tpu.memory_space<vmem>> -> memref<64xi32, #tpu.memory_space<vmem>>
    %dma_wait3A_20 = arith.constant 0 : i32
    %dma_wait3A_21 = arith.constant 0 : i32
    %dma_wait3A_22 = tpu.memref_slice %arg2[%dma_wait3A_20, %dma_wait3A_21] : memref<40000x128xf32, #tpu.memory_space<hbm>> -> memref<40000x128xf32, #tpu.memory_space<hbm>>
    tpu.wait_indirect_dma semaphore(%arg12 : memref<!tpu.dma_semaphore, #tpu.memory_space<semaphore_mem>>) src(%dma_wait3A_22 : memref<40000x128xf32, #tpu.memory_space<hbm>>) dst(%arg9 : memref<64x128xf32, #tpu.memory_space<vmem>>)
    "tpu.region"() ({
      %run_scoped3A = tpu.sem_alloc : memref<!tpu.dma_semaphore, #tpu.memory_space<semaphore_mem>>
      %dma_start3A_104 = arith.constant 80 : i32
      %dma_start3A_105 = arith.constant 0 : i32
      %dma_start3A_106 = tpu.memref_slice %arg3[%add3A_1, %arg1, %dma_start3A_104, %dma_start3A_105] : memref<4x16x160x64xi32, #tpu.memory_space<hbm>> -> memref<1x1x80x64xi32, #tpu.memory_space<hbm>>
      %dma_start3A_107 = tpu.memref_squeeze %dma_start3A_106 : memref<1x1x80x64xi32, #tpu.memory_space<hbm>> -> memref<80x64xi32, #tpu.memory_space<hbm>>
      %dma_start3A_108 = arith.constant 80 : i32
      %dma_start3A_109 = arith.constant 0 : i32
      %dma_start3A_110 = tpu.memref_slice %arg3[%add3A_1, %arg1, %dma_start3A_108, %dma_start3A_109] : memref<4x16x160x64xi32, #tpu.memory_space<hbm>> -> memref<1x1x80x64xi32, #tpu.memory_space<hbm>>
      %dma_start3A_111 = tpu.memref_squeeze %dma_start3A_110 : memref<1x1x80x64xi32, #tpu.memory_space<hbm>> -> memref<80x64xi32, #tpu.memory_space<hbm>>
      tpu.enqueue_dma source(%dma_start3A_111 : memref<80x64xi32, #tpu.memory_space<hbm>>) target(%arg7 : memref<80x64xi32, #tpu.memory_space<vmem>>) target_semaphore(%run_scoped3A : memref<!tpu.dma_semaphore, #tpu.memory_space<semaphore_mem>>)
      %dma_wait3A_112 = arith.constant 80 : i32
      %dma_wait3A_113 = arith.constant 0 : i32
      %dma_wait3A_114 = tpu.memref_slice %arg3[%add3A_1, %arg1, %dma_wait3A_112, %dma_wait3A_113] : memref<4x16x160x64xi32, #tpu.memory_space<hbm>> -> memref<1x1x80x64xi32, #tpu.memory_space<hbm>>
      %dma_wait3A_115 = tpu.memref_squeeze %dma_wait3A_114 : memref<1x1x80x64xi32, #tpu.memory_space<hbm>> -> memref<80x64xi32, #tpu.memory_space<hbm>>
      %dma_wait3A_116 = arith.constant 80 : i32
      %dma_wait3A_117 = arith.constant 0 : i32
      %dma_wait3A_118 = tpu.memref_slice %arg3[%add3A_1, %arg1, %dma_wait3A_116, %dma_wait3A_117] : memref<4x16x160x64xi32, #tpu.memory_space<hbm>> -> memref<1x1x80x64xi32, #tpu.memory_space<hbm>>
      %dma_wait3A_119 = tpu.memref_squeeze %dma_wait3A_118 : memref<1x1x80x64xi32, #tpu.memory_space<hbm>> -> memref<80x64xi32, #tpu.memory_space<hbm>>
      tpu.wait_dma2 semaphore(%run_scoped3A : memref<!tpu.dma_semaphore, #tpu.memory_space<semaphore_mem>>) src(%dma_wait3A_119 : memref<80x64xi32, #tpu.memory_space<hbm>>) dst(%arg7 : memref<80x64xi32, #tpu.memory_space<vmem>>)
      tpu.yield
    }) : () -> ()
    "tpu.region"() ({
      %run_scoped3A = tpu.sem_alloc : memref<!tpu.dma_semaphore, #tpu.memory_space<semaphore_mem>>
      %dma_start3A_104 = arith.constant 80 : i32
      %dma_start3A_105 = arith.constant 0 : i32
      %dma_start3A_106 = tpu.memref_slice %arg4[%arg1, %dma_start3A_104, %dma_start3A_105] : memref<16x160x64xi32, #tpu.memory_space<hbm>> -> memref<1x80x64xi32, #tpu.memory_space<hbm>>
      %dma_start3A_107 = tpu.memref_squeeze %dma_start3A_106 : memref<1x80x64xi32, #tpu.memory_space<hbm>> -> memref<80x64xi32, #tpu.memory_space<hbm>>
      %dma_start3A_108 = arith.constant 80 : i32
      %dma_start3A_109 = arith.constant 0 : i32
      %dma_start3A_110 = tpu.memref_slice %arg4[%arg1, %dma_start3A_108, %dma_start3A_109] : memref<16x160x64xi32, #tpu.memory_space<hbm>> -> memref<1x80x64xi32, #tpu.memory_space<hbm>>
      %dma_start3A_111 = tpu.memref_squeeze %dma_start3A_110 : memref<1x80x64xi32, #tpu.memory_space<hbm>> -> memref<80x64xi32, #tpu.memory_space<hbm>>
      tpu.enqueue_dma source(%dma_start3A_111 : memref<80x64xi32, #tpu.memory_space<hbm>>) target(%arg8 : memref<80x64xi32, #tpu.memory_space<vmem>>) target_semaphore(%run_scoped3A : memref<!tpu.dma_semaphore, #tpu.memory_space<semaphore_mem>>)
      %dma_wait3A_112 = arith.constant 80 : i32
      %dma_wait3A_113 = arith.constant 0 : i32
      %dma_wait3A_114 = tpu.memref_slice %arg4[%arg1, %dma_wait3A_112, %dma_wait3A_113] : memref<16x160x64xi32, #tpu.memory_space<hbm>> -> memref<1x80x64xi32, #tpu.memory_space<hbm>>
      %dma_wait3A_115 = tpu.memref_squeeze %dma_wait3A_114 : memref<1x80x64xi32, #tpu.memory_space<hbm>> -> memref<80x64xi32, #tpu.memory_space<hbm>>
      %dma_wait3A_116 = arith.constant 80 : i32
      %dma_wait3A_117 = arith.constant 0 : i32
      %dma_wait3A_118 = tpu.memref_slice %arg4[%arg1, %dma_wait3A_116, %dma_wait3A_117] : memref<16x160x64xi32, #tpu.memory_space<hbm>> -> memref<1x80x64xi32, #tpu.memory_space<hbm>>
      %dma_wait3A_119 = tpu.memref_squeeze %dma_wait3A_118 : memref<1x80x64xi32, #tpu.memory_space<hbm>> -> memref<80x64xi32, #tpu.memory_space<hbm>>
      tpu.wait_dma2 semaphore(%run_scoped3A : memref<!tpu.dma_semaphore, #tpu.memory_space<semaphore_mem>>) src(%dma_wait3A_119 : memref<80x64xi32, #tpu.memory_space<hbm>>) dst(%arg8 : memref<80x64xi32, #tpu.memory_space<vmem>>)
      tpu.yield
    }) : () -> ()
    %dma_start3A_23 = arith.constant 0 : i32
    %dma_start3A_24 = arith.constant 0 : i32
    %dma_start3A_25 = tpu.memref_slice %arg7[%dma_start3A_23, %dma_start3A_24] : memref<80x64xi32, #tpu.memory_space<vmem>> -> memref<1x64xi32, #tpu.memory_space<vmem>>
    %dma_start3A_26 = tpu.memref_squeeze %dma_start3A_25 : memref<1x64xi32, #tpu.memory_space<vmem>> -> memref<64xi32, #tpu.memory_space<vmem>>
    %dma_start3A_27 = arith.constant 0 : i32
    %dma_start3A_28 = arith.constant 0 : i32
    %dma_start3A_29 = tpu.memref_slice %arg2[%dma_start3A_27, %dma_start3A_28] : memref<40000x128xf32, #tpu.memory_space<hbm>> -> memref<40000x128xf32, #tpu.memory_space<hbm>>
    tpu.enqueue_indirect_dma source(%dma_start3A_29 : memref<40000x128xf32, #tpu.memory_space<hbm>>) target(%arg9 : memref<64x128xf32, #tpu.memory_space<vmem>>) offsets(%dma_start3A_26 : memref<64xi32, #tpu.memory_space<vmem>>) semaphore(%arg12 : memref<!tpu.dma_semaphore, #tpu.memory_space<semaphore_mem>>)
    %scan3A_30 = arith.constant 0 : i32
    %scan3A_31 = arith.constant 0 : i32
    %scan3A_32 = arith.constant 40 : i32
    %scan3A_33 = arith.addi %scan3A_31, %scan3A_32 : i32
    %scan3A_34 = arith.constant 1 : i32
    scf.for %scan3A_104 = %scan3A_31 to %scan3A_33 step %scan3A_34  : i32 {
      %mul3A_105 = arith.constant 2 : i32
      %mul3A_106 = arith.muli %mul3A_105, %scan3A_104 : i32
      %add3A_107 = arith.constant 1 : i32
      %add3A_108 = arith.addi %mul3A_106, %add3A_107 : i32
      %add3A_109 = arith.constant 1 : i32
      %add3A_110 = arith.addi %add3A_108, %add3A_109 : i32
      %min3A = arith.constant 79 : i32
      %min3A_111 = arith.minsi %add3A_110, %min3A : i32
      %dma_start3A_112 = arith.constant 0 : i32
      %dma_start3A_113 = tpu.memref_slice %arg7[%add3A_108, %dma_start3A_112] : memref<80x64xi32, #tpu.memory_space<vmem>> -> memref<1x64xi32, #tpu.memory_space<vmem>>
      %dma_start3A_114 = tpu.memref_squeeze %dma_start3A_113 : memref<1x64xi32, #tpu.memory_space<vmem>> -> memref<64xi32, #tpu.memory_space<vmem>>
      %dma_start3A_115 = arith.constant 0 : i32
      %dma_start3A_116 = arith.constant 0 : i32
      %dma_start3A_117 = tpu.memref_slice %arg2[%dma_start3A_115, %dma_start3A_116] : memref<40000x128xf32, #tpu.memory_space<hbm>> -> memref<40000x128xf32, #tpu.memory_space<hbm>>
      tpu.enqueue_indirect_dma source(%dma_start3A_117 : memref<40000x128xf32, #tpu.memory_space<hbm>>) target(%arg10 : memref<64x128xf32, #tpu.memory_space<vmem>>) offsets(%dma_start3A_114 : memref<64xi32, #tpu.memory_space<vmem>>) semaphore(%arg13 : memref<!tpu.dma_semaphore, #tpu.memory_space<semaphore_mem>>)
      %dma_wait3A_118 = arith.constant 0 : i32
      %dma_wait3A_119 = tpu.memref_slice %arg7[%mul3A_106, %dma_wait3A_118] : memref<80x64xi32, #tpu.memory_space<vmem>> -> memref<1x64xi32, #tpu.memory_space<vmem>>
      %dma_wait3A_120 = tpu.memref_squeeze %dma_wait3A_119 : memref<1x64xi32, #tpu.memory_space<vmem>> -> memref<64xi32, #tpu.memory_space<vmem>>
      %dma_wait3A_121 = arith.constant 0 : i32
      %dma_wait3A_122 = arith.constant 0 : i32
      %dma_wait3A_123 = tpu.memref_slice %arg2[%dma_wait3A_121, %dma_wait3A_122] : memref<40000x128xf32, #tpu.memory_space<hbm>> -> memref<40000x128xf32, #tpu.memory_space<hbm>>
      tpu.wait_indirect_dma semaphore(%arg12 : memref<!tpu.dma_semaphore, #tpu.memory_space<semaphore_mem>>) src(%dma_wait3A_123 : memref<40000x128xf32, #tpu.memory_space<hbm>>) dst(%arg9 : memref<64x128xf32, #tpu.memory_space<vmem>>)
      "tpu.region"() ({
        %run_scoped3A = tpu.sem_alloc : memref<!tpu.dma_semaphore, #tpu.memory_space<semaphore_mem>>
        %dma_start3A_136 = arith.constant 0 : i32
        %dma_start3A_137 = tpu.memref_slice %arg8[%mul3A_106, %dma_start3A_136] : memref<80x64xi32, #tpu.memory_space<vmem>> -> memref<1x64xi32, #tpu.memory_space<vmem>>
        %dma_start3A_138 = tpu.memref_squeeze %dma_start3A_137 : memref<1x64xi32, #tpu.memory_space<vmem>> -> memref<64xi32, #tpu.memory_space<vmem>>
        %dma_start3A_139 = arith.constant 0 : i32
        %dma_start3A_140 = arith.constant 0 : i32
        %dma_start3A_141 = tpu.memref_slice %arg11[%dma_start3A_139, %dma_start3A_140] : memref<10112x128xf32, #tpu.memory_space<vmem_shared>> -> memref<10112x128xf32, #tpu.memory_space<vmem_shared>>
        tpu.enqueue_indirect_dma source(%arg9 : memref<64x128xf32, #tpu.memory_space<vmem>>) target(%dma_start3A_141 : memref<10112x128xf32, #tpu.memory_space<vmem_shared>>) offsets(%dma_start3A_138 : memref<64xi32, #tpu.memory_space<vmem>>) semaphore(%run_scoped3A : memref<!tpu.dma_semaphore, #tpu.memory_space<semaphore_mem>>) {add = true}
        %dma_wait3A_142 = arith.constant 0 : i32
        %dma_wait3A_143 = tpu.memref_slice %arg8[%mul3A_106, %dma_wait3A_142] : memref<80x64xi32, #tpu.memory_space<vmem>> -> memref<1x64xi32, #tpu.memory_space<vmem>>
        %dma_wait3A_144 = tpu.memref_squeeze %dma_wait3A_143 : memref<1x64xi32, #tpu.memory_space<vmem>> -> memref<64xi32, #tpu.memory_space<vmem>>
        %dma_wait3A_145 = arith.constant 0 : i32
        %dma_wait3A_146 = arith.constant 0 : i32
        %dma_wait3A_147 = tpu.memref_slice %arg11[%dma_wait3A_145, %dma_wait3A_146] : memref<10112x128xf32, #tpu.memory_space<vmem_shared>> -> memref<10112x128xf32, #tpu.memory_space<vmem_shared>>
        tpu.wait_indirect_dma semaphore(%run_scoped3A : memref<!tpu.dma_semaphore, #tpu.memory_space<semaphore_mem>>) src(%arg9 : memref<64x128xf32, #tpu.memory_space<vmem>>) dst(%dma_wait3A_147 : memref<10112x128xf32, #tpu.memory_space<vmem_shared>>)
        tpu.yield
      }) : () -> ()
      %dma_start3A_124 = arith.constant 0 : i32
      %dma_start3A_125 = tpu.memref_slice %arg7[%min3A_111, %dma_start3A_124] : memref<80x64xi32, #tpu.memory_space<vmem>> -> memref<1x64xi32, #tpu.memory_space<vmem>>
      %dma_start3A_126 = tpu.memref_squeeze %dma_start3A_125 : memref<1x64xi32, #tpu.memory_space<vmem>> -> memref<64xi32, #tpu.memory_space<vmem>>
      %dma_start3A_127 = arith.constant 0 : i32
      %dma_start3A_128 = arith.constant 0 : i32
      %dma_start3A_129 = tpu.memref_slice %arg2[%dma_start3A_127, %dma_start3A_128] : memref<40000x128xf32, #tpu.memory_space<hbm>> -> memref<40000x128xf32, #tpu.memory_space<hbm>>
      tpu.enqueue_indirect_dma source(%dma_start3A_129 : memref<40000x128xf32, #tpu.memory_space<hbm>>) target(%arg9 : memref<64x128xf32, #tpu.memory_space<vmem>>) offsets(%dma_start3A_126 : memref<64xi32, #tpu.memory_space<vmem>>) semaphore(%arg12 : memref<!tpu.dma_semaphore, #tpu.memory_space<semaphore_mem>>)
      %dma_wait3A_130 = arith.constant 0 : i32
      %dma_wait3A_131 = tpu.memref_slice %arg7[%add3A_108, %dma_wait3A_130] : memref<80x64xi32, #tpu.memory_space<vmem>> -> memref<1x64xi32, #tpu.memory_space<vmem>>
      %dma_wait3A_132 = tpu.memref_squeeze %dma_wait3A_131 : memref<1x64xi32, #tpu.memory_space<vmem>> -> memref<64xi32, #tpu.memory_space<vmem>>
      %dma_wait3A_133 = arith.constant 0 : i32
      %dma_wait3A_134 = arith.constant 0 : i32
      %dma_wait3A_135 = tpu.memref_slice %arg2[%dma_wait3A_133, %dma_wait3A_134] : memref<40000x128xf32, #tpu.memory_space<hbm>> -> memref<40000x128xf32, #tpu.memory_space<hbm>>
      tpu.wait_indirect_dma semaphore(%arg13 : memref<!tpu.dma_semaphore, #tpu.memory_space<semaphore_mem>>) src(%dma_wait3A_135 : memref<40000x128xf32, #tpu.memory_space<hbm>>) dst(%arg10 : memref<64x128xf32, #tpu.memory_space<vmem>>)
      "tpu.region"() ({
        %run_scoped3A = tpu.sem_alloc : memref<!tpu.dma_semaphore, #tpu.memory_space<semaphore_mem>>
        %dma_start3A_136 = arith.constant 0 : i32
        %dma_start3A_137 = tpu.memref_slice %arg8[%add3A_108, %dma_start3A_136] : memref<80x64xi32, #tpu.memory_space<vmem>> -> memref<1x64xi32, #tpu.memory_space<vmem>>
        %dma_start3A_138 = tpu.memref_squeeze %dma_start3A_137 : memref<1x64xi32, #tpu.memory_space<vmem>> -> memref<64xi32, #tpu.memory_space<vmem>>
        %dma_start3A_139 = arith.constant 0 : i32
        %dma_start3A_140 = arith.constant 0 : i32
        %dma_start3A_141 = tpu.memref_slice %arg11[%dma_start3A_139, %dma_start3A_140] : memref<10112x128xf32, #tpu.memory_space<vmem_shared>> -> memref<10112x128xf32, #tpu.memory_space<vmem_shared>>
        tpu.enqueue_indirect_dma source(%arg10 : memref<64x128xf32, #tpu.memory_space<vmem>>) target(%dma_start3A_141 : memref<10112x128xf32, #tpu.memory_space<vmem_shared>>) offsets(%dma_start3A_138 : memref<64xi32, #tpu.memory_space<vmem>>) semaphore(%run_scoped3A : memref<!tpu.dma_semaphore, #tpu.memory_space<semaphore_mem>>) {add = true}
        %dma_wait3A_142 = arith.constant 0 : i32
        %dma_wait3A_143 = tpu.memref_slice %arg8[%add3A_108, %dma_wait3A_142] : memref<80x64xi32, #tpu.memory_space<vmem>> -> memref<1x64xi32, #tpu.memory_space<vmem>>
        %dma_wait3A_144 = tpu.memref_squeeze %dma_wait3A_143 : memref<1x64xi32, #tpu.memory_space<vmem>> -> memref<64xi32, #tpu.memory_space<vmem>>
        %dma_wait3A_145 = arith.constant 0 : i32
        %dma_wait3A_146 = arith.constant 0 : i32
        %dma_wait3A_147 = tpu.memref_slice %arg11[%dma_wait3A_145, %dma_wait3A_146] : memref<10112x128xf32, #tpu.memory_space<vmem_shared>> -> memref<10112x128xf32, #tpu.memory_space<vmem_shared>>
        tpu.wait_indirect_dma semaphore(%run_scoped3A : memref<!tpu.dma_semaphore, #tpu.memory_space<semaphore_mem>>) src(%arg10 : memref<64x128xf32, #tpu.memory_space<vmem>>) dst(%dma_wait3A_147 : memref<10112x128xf32, #tpu.memory_space<vmem_shared>>)
        tpu.yield
      }) : () -> ()
    }
    %scan3A_35 = arith.constant 40 : i32
    %dma_wait3A_36 = arith.constant 0 : i32
    %dma_wait3A_37 = arith.constant 0 : i32
    %dma_wait3A_38 = tpu.memref_slice %arg7[%dma_wait3A_36, %dma_wait3A_37] : memref<80x64xi32, #tpu.memory_space<vmem>> -> memref<1x64xi32, #tpu.memory_space<vmem>>
    %dma_wait3A_39 = tpu.memref_squeeze %dma_wait3A_38 : memref<1x64xi32, #tpu.memory_space<vmem>> -> memref<64xi32, #tpu.memory_space<vmem>>
    %dma_wait3A_40 = arith.constant 0 : i32
    %dma_wait3A_41 = arith.constant 0 : i32
    %dma_wait3A_42 = tpu.memref_slice %arg2[%dma_wait3A_40, %dma_wait3A_41] : memref<40000x128xf32, #tpu.memory_space<hbm>> -> memref<40000x128xf32, #tpu.memory_space<hbm>>
    tpu.wait_indirect_dma semaphore(%arg12 : memref<!tpu.dma_semaphore, #tpu.memory_space<semaphore_mem>>) src(%dma_wait3A_42 : memref<40000x128xf32, #tpu.memory_space<hbm>>) dst(%arg9 : memref<64x128xf32, #tpu.memory_space<vmem>>)
    %barrier3A_43 = arith.constant 0 : index
    tpu.barrier barrier_id(%barrier3A_43)
    %mul3A_44 = arith.constant 632 : i32
    %mul3A_45 = arith.muli %arg1, %mul3A_44 : i32
    %mul3A_46 = arith.constant 632 : i32
    %mul3A_47 = arith.muli %arg1, %mul3A_46 : i32
    "tpu.region"() ({
      %run_scoped3A = tpu.sem_alloc : memref<!tpu.dma_semaphore, #tpu.memory_space<semaphore_mem>>
      %dma_start3A_104 = arith.constant 0 : i32
      %dma_start3A_105 = tpu.memref_slice %arg6[%add3A_1, %mul3A_47, %dma_start3A_104] : memref<4x10112x128xf32, #tpu.memory_space<hbm>> -> memref<1x632x128xf32, #tpu.memory_space<hbm>>
      %dma_start3A_106 = tpu.memref_squeeze %dma_start3A_105 : memref<1x632x128xf32, #tpu.memory_space<hbm>> -> memref<632x128xf32, #tpu.memory_space<hbm>>
      %dma_start3A_107 = arith.constant 0 : i32
      %dma_start3A_108 = tpu.memref_slice %arg11[%mul3A_45, %dma_start3A_107] : memref<10112x128xf32, #tpu.memory_space<vmem_shared>> -> memref<632x128xf32, #tpu.memory_space<vmem_shared>>
      tpu.enqueue_dma source(%dma_start3A_108 : memref<632x128xf32, #tpu.memory_space<vmem_shared>>) target(%dma_start3A_106 : memref<632x128xf32, #tpu.memory_space<hbm>>) target_semaphore(%run_scoped3A : memref<!tpu.dma_semaphore, #tpu.memory_space<semaphore_mem>>)
      %dma_wait3A_109 = arith.constant 0 : i32
      %dma_wait3A_110 = tpu.memref_slice %arg6[%add3A_1, %mul3A_47, %dma_wait3A_109] : memref<4x10112x128xf32, #tpu.memory_space<hbm>> -> memref<1x632x128xf32, #tpu.memory_space<hbm>>
      %dma_wait3A_111 = tpu.memref_squeeze %dma_wait3A_110 : memref<1x632x128xf32, #tpu.memory_space<hbm>> -> memref<632x128xf32, #tpu.memory_space<hbm>>
      %dma_wait3A_112 = arith.constant 0 : i32
      %dma_wait3A_113 = tpu.memref_slice %arg11[%mul3A_45, %dma_wait3A_112] : memref<10112x128xf32, #tpu.memory_space<vmem_shared>> -> memref<632x128xf32, #tpu.memory_space<vmem_shared>>
      tpu.wait_dma2 semaphore(%run_scoped3A : memref<!tpu.dma_semaphore, #tpu.memory_space<semaphore_mem>>) src(%dma_wait3A_113 : memref<632x128xf32, #tpu.memory_space<vmem_shared>>) dst(%dma_wait3A_111 : memref<632x128xf32, #tpu.memory_space<hbm>>)
      tpu.yield
    }) : () -> ()
    %barrier3A_48 = arith.constant 0 : index
    tpu.barrier barrier_id(%barrier3A_48)
    %mul3A_49 = arith.constant 2 : i32
    %mul3A_50 = arith.muli %arg0, %mul3A_49 : i32
    %add3A_51 = arith.constant 1 : i32
    %add3A_52 = arith.addi %mul3A_50, %add3A_51 : i32
    %mul3A_53 = arith.constant 632 : i32
    %mul3A_54 = arith.muli %arg1, %mul3A_53 : i32
    %mul3A_55 = arith.constant 632 : i32
    %mul3A_56 = arith.muli %arg1, %mul3A_55 : i32
    "tpu.region"() ({
      %run_scoped3A = tpu.sem_alloc : memref<!tpu.dma_semaphore, #tpu.memory_space<semaphore_mem>>
      %dma_start3A_104 = arith.constant 0 : i32
      %dma_start3A_105 = tpu.memref_slice %arg11[%mul3A_56, %dma_start3A_104] : memref<10112x128xf32, #tpu.memory_space<vmem_shared>> -> memref<632x128xf32, #tpu.memory_space<vmem_shared>>
      %dma_start3A_106 = arith.constant 0 : i32
      %dma_start3A_107 = tpu.memref_slice %arg5[%mul3A_54, %dma_start3A_106] : memref<10112x128xf32, #tpu.memory_space<hbm>> -> memref<632x128xf32, #tpu.memory_space<hbm>>
      tpu.enqueue_dma source(%dma_start3A_107 : memref<632x128xf32, #tpu.memory_space<hbm>>) target(%dma_start3A_105 : memref<632x128xf32, #tpu.memory_space<vmem_shared>>) target_semaphore(%run_scoped3A : memref<!tpu.dma_semaphore, #tpu.memory_space<semaphore_mem>>)
      %dma_wait3A_108 = arith.constant 0 : i32
      %dma_wait3A_109 = tpu.memref_slice %arg11[%mul3A_56, %dma_wait3A_108] : memref<10112x128xf32, #tpu.memory_space<vmem_shared>> -> memref<632x128xf32, #tpu.memory_space<vmem_shared>>
      %dma_wait3A_110 = arith.constant 0 : i32
      %dma_wait3A_111 = tpu.memref_slice %arg5[%mul3A_54, %dma_wait3A_110] : memref<10112x128xf32, #tpu.memory_space<hbm>> -> memref<632x128xf32, #tpu.memory_space<hbm>>
      tpu.wait_dma2 semaphore(%run_scoped3A : memref<!tpu.dma_semaphore, #tpu.memory_space<semaphore_mem>>) src(%dma_wait3A_111 : memref<632x128xf32, #tpu.memory_space<hbm>>) dst(%dma_wait3A_109 : memref<632x128xf32, #tpu.memory_space<vmem_shared>>)
      tpu.yield
    }) : () -> ()
    %barrier3A_57 = arith.constant 0 : index
    tpu.barrier barrier_id(%barrier3A_57)
    "tpu.region"() ({
      %run_scoped3A = tpu.sem_alloc : memref<!tpu.dma_semaphore, #tpu.memory_space<semaphore_mem>>
      %dma_start3A_104 = arith.constant 0 : i32
      %dma_start3A_105 = arith.constant 0 : i32
      %dma_start3A_106 = tpu.memref_slice %arg3[%add3A_52, %arg1, %dma_start3A_104, %dma_start3A_105] : memref<4x16x160x64xi32, #tpu.memory_space<hbm>> -> memref<1x1x80x64xi32, #tpu.memory_space<hbm>>
      %dma_start3A_107 = tpu.memref_squeeze %dma_start3A_106 : memref<1x1x80x64xi32, #tpu.memory_space<hbm>> -> memref<80x64xi32, #tpu.memory_space<hbm>>
      %dma_start3A_108 = arith.constant 0 : i32
      %dma_start3A_109 = arith.constant 0 : i32
      %dma_start3A_110 = tpu.memref_slice %arg3[%add3A_52, %arg1, %dma_start3A_108, %dma_start3A_109] : memref<4x16x160x64xi32, #tpu.memory_space<hbm>> -> memref<1x1x80x64xi32, #tpu.memory_space<hbm>>
      %dma_start3A_111 = tpu.memref_squeeze %dma_start3A_110 : memref<1x1x80x64xi32, #tpu.memory_space<hbm>> -> memref<80x64xi32, #tpu.memory_space<hbm>>
      tpu.enqueue_dma source(%dma_start3A_111 : memref<80x64xi32, #tpu.memory_space<hbm>>) target(%arg7 : memref<80x64xi32, #tpu.memory_space<vmem>>) target_semaphore(%run_scoped3A : memref<!tpu.dma_semaphore, #tpu.memory_space<semaphore_mem>>)
      %dma_wait3A_112 = arith.constant 0 : i32
      %dma_wait3A_113 = arith.constant 0 : i32
      %dma_wait3A_114 = tpu.memref_slice %arg3[%add3A_52, %arg1, %dma_wait3A_112, %dma_wait3A_113] : memref<4x16x160x64xi32, #tpu.memory_space<hbm>> -> memref<1x1x80x64xi32, #tpu.memory_space<hbm>>
      %dma_wait3A_115 = tpu.memref_squeeze %dma_wait3A_114 : memref<1x1x80x64xi32, #tpu.memory_space<hbm>> -> memref<80x64xi32, #tpu.memory_space<hbm>>
      %dma_wait3A_116 = arith.constant 0 : i32
      %dma_wait3A_117 = arith.constant 0 : i32
      %dma_wait3A_118 = tpu.memref_slice %arg3[%add3A_52, %arg1, %dma_wait3A_116, %dma_wait3A_117] : memref<4x16x160x64xi32, #tpu.memory_space<hbm>> -> memref<1x1x80x64xi32, #tpu.memory_space<hbm>>
      %dma_wait3A_119 = tpu.memref_squeeze %dma_wait3A_118 : memref<1x1x80x64xi32, #tpu.memory_space<hbm>> -> memref<80x64xi32, #tpu.memory_space<hbm>>
      tpu.wait_dma2 semaphore(%run_scoped3A : memref<!tpu.dma_semaphore, #tpu.memory_space<semaphore_mem>>) src(%dma_wait3A_119 : memref<80x64xi32, #tpu.memory_space<hbm>>) dst(%arg7 : memref<80x64xi32, #tpu.memory_space<vmem>>)
      tpu.yield
    }) : () -> ()
    "tpu.region"() ({
      %run_scoped3A = tpu.sem_alloc : memref<!tpu.dma_semaphore, #tpu.memory_space<semaphore_mem>>
      %dma_start3A_104 = arith.constant 0 : i32
      %dma_start3A_105 = arith.constant 0 : i32
      %dma_start3A_106 = tpu.memref_slice %arg4[%arg1, %dma_start3A_104, %dma_start3A_105] : memref<16x160x64xi32, #tpu.memory_space<hbm>> -> memref<1x80x64xi32, #tpu.memory_space<hbm>>
      %dma_start3A_107 = tpu.memref_squeeze %dma_start3A_106 : memref<1x80x64xi32, #tpu.memory_space<hbm>> -> memref<80x64xi32, #tpu.memory_space<hbm>>
      %dma_start3A_108 = arith.constant 0 : i32
      %dma_start3A_109 = arith.constant 0 : i32
      %dma_start3A_110 = tpu.memref_slice %arg4[%arg1, %dma_start3A_108, %dma_start3A_109] : memref<16x160x64xi32, #tpu.memory_space<hbm>> -> memref<1x80x64xi32, #tpu.memory_space<hbm>>
      %dma_start3A_111 = tpu.memref_squeeze %dma_start3A_110 : memref<1x80x64xi32, #tpu.memory_space<hbm>> -> memref<80x64xi32, #tpu.memory_space<hbm>>
      tpu.enqueue_dma source(%dma_start3A_111 : memref<80x64xi32, #tpu.memory_space<hbm>>) target(%arg8 : memref<80x64xi32, #tpu.memory_space<vmem>>) target_semaphore(%run_scoped3A : memref<!tpu.dma_semaphore, #tpu.memory_space<semaphore_mem>>)
      %dma_wait3A_112 = arith.constant 0 : i32
      %dma_wait3A_113 = arith.constant 0 : i32
      %dma_wait3A_114 = tpu.memref_slice %arg4[%arg1, %dma_wait3A_112, %dma_wait3A_113] : memref<16x160x64xi32, #tpu.memory_space<hbm>> -> memref<1x80x64xi32, #tpu.memory_space<hbm>>
      %dma_wait3A_115 = tpu.memref_squeeze %dma_wait3A_114 : memref<1x80x64xi32, #tpu.memory_space<hbm>> -> memref<80x64xi32, #tpu.memory_space<hbm>>
      %dma_wait3A_116 = arith.constant 0 : i32
      %dma_wait3A_117 = arith.constant 0 : i32
      %dma_wait3A_118 = tpu.memref_slice %arg4[%arg1, %dma_wait3A_116, %dma_wait3A_117] : memref<16x160x64xi32, #tpu.memory_space<hbm>> -> memref<1x80x64xi32, #tpu.memory_space<hbm>>
      %dma_wait3A_119 = tpu.memref_squeeze %dma_wait3A_118 : memref<1x80x64xi32, #tpu.memory_space<hbm>> -> memref<80x64xi32, #tpu.memory_space<hbm>>
      tpu.wait_dma2 semaphore(%run_scoped3A : memref<!tpu.dma_semaphore, #tpu.memory_space<semaphore_mem>>) src(%dma_wait3A_119 : memref<80x64xi32, #tpu.memory_space<hbm>>) dst(%arg8 : memref<80x64xi32, #tpu.memory_space<vmem>>)
      tpu.yield
    }) : () -> ()
    %dma_start3A_58 = arith.constant 0 : i32
    %dma_start3A_59 = arith.constant 0 : i32
    %dma_start3A_60 = tpu.memref_slice %arg7[%dma_start3A_58, %dma_start3A_59] : memref<80x64xi32, #tpu.memory_space<vmem>> -> memref<1x64xi32, #tpu.memory_space<vmem>>
    %dma_start3A_61 = tpu.memref_squeeze %dma_start3A_60 : memref<1x64xi32, #tpu.memory_space<vmem>> -> memref<64xi32, #tpu.memory_space<vmem>>
    %dma_start3A_62 = arith.constant 0 : i32
    %dma_start3A_63 = arith.constant 0 : i32
    %dma_start3A_64 = tpu.memref_slice %arg2[%dma_start3A_62, %dma_start3A_63] : memref<40000x128xf32, #tpu.memory_space<hbm>> -> memref<40000x128xf32, #tpu.memory_space<hbm>>
    tpu.enqueue_indirect_dma source(%dma_start3A_64 : memref<40000x128xf32, #tpu.memory_space<hbm>>) target(%arg9 : memref<64x128xf32, #tpu.memory_space<vmem>>) offsets(%dma_start3A_61 : memref<64xi32, #tpu.memory_space<vmem>>) semaphore(%arg12 : memref<!tpu.dma_semaphore, #tpu.memory_space<semaphore_mem>>)
    %scan3A_65 = arith.constant 0 : i32
    %scan3A_66 = arith.constant 0 : i32
    %scan3A_67 = arith.constant 40 : i32
    %scan3A_68 = arith.addi %scan3A_66, %scan3A_67 : i32
    %scan3A_69 = arith.constant 1 : i32
    scf.for %scan3A_104 = %scan3A_66 to %scan3A_68 step %scan3A_69  : i32 {
      %mul3A_105 = arith.constant 2 : i32
      %mul3A_106 = arith.muli %mul3A_105, %scan3A_104 : i32
      %add3A_107 = arith.constant 1 : i32
      %add3A_108 = arith.addi %mul3A_106, %add3A_107 : i32
      %add3A_109 = arith.constant 1 : i32
      %add3A_110 = arith.addi %add3A_108, %add3A_109 : i32
      %min3A = arith.constant 79 : i32
      %min3A_111 = arith.minsi %add3A_110, %min3A : i32
      %dma_start3A_112 = arith.constant 0 : i32
      %dma_start3A_113 = tpu.memref_slice %arg7[%add3A_108, %dma_start3A_112] : memref<80x64xi32, #tpu.memory_space<vmem>> -> memref<1x64xi32, #tpu.memory_space<vmem>>
      %dma_start3A_114 = tpu.memref_squeeze %dma_start3A_113 : memref<1x64xi32, #tpu.memory_space<vmem>> -> memref<64xi32, #tpu.memory_space<vmem>>
      %dma_start3A_115 = arith.constant 0 : i32
      %dma_start3A_116 = arith.constant 0 : i32
      %dma_start3A_117 = tpu.memref_slice %arg2[%dma_start3A_115, %dma_start3A_116] : memref<40000x128xf32, #tpu.memory_space<hbm>> -> memref<40000x128xf32, #tpu.memory_space<hbm>>
      tpu.enqueue_indirect_dma source(%dma_start3A_117 : memref<40000x128xf32, #tpu.memory_space<hbm>>) target(%arg10 : memref<64x128xf32, #tpu.memory_space<vmem>>) offsets(%dma_start3A_114 : memref<64xi32, #tpu.memory_space<vmem>>) semaphore(%arg13 : memref<!tpu.dma_semaphore, #tpu.memory_space<semaphore_mem>>)
      %dma_wait3A_118 = arith.constant 0 : i32
      %dma_wait3A_119 = tpu.memref_slice %arg7[%mul3A_106, %dma_wait3A_118] : memref<80x64xi32, #tpu.memory_space<vmem>> -> memref<1x64xi32, #tpu.memory_space<vmem>>
      %dma_wait3A_120 = tpu.memref_squeeze %dma_wait3A_119 : memref<1x64xi32, #tpu.memory_space<vmem>> -> memref<64xi32, #tpu.memory_space<vmem>>
      %dma_wait3A_121 = arith.constant 0 : i32
      %dma_wait3A_122 = arith.constant 0 : i32
      %dma_wait3A_123 = tpu.memref_slice %arg2[%dma_wait3A_121, %dma_wait3A_122] : memref<40000x128xf32, #tpu.memory_space<hbm>> -> memref<40000x128xf32, #tpu.memory_space<hbm>>
      tpu.wait_indirect_dma semaphore(%arg12 : memref<!tpu.dma_semaphore, #tpu.memory_space<semaphore_mem>>) src(%dma_wait3A_123 : memref<40000x128xf32, #tpu.memory_space<hbm>>) dst(%arg9 : memref<64x128xf32, #tpu.memory_space<vmem>>)
      "tpu.region"() ({
        %run_scoped3A = tpu.sem_alloc : memref<!tpu.dma_semaphore, #tpu.memory_space<semaphore_mem>>
        %dma_start3A_136 = arith.constant 0 : i32
        %dma_start3A_137 = tpu.memref_slice %arg8[%mul3A_106, %dma_start3A_136] : memref<80x64xi32, #tpu.memory_space<vmem>> -> memref<1x64xi32, #tpu.memory_space<vmem>>
        %dma_start3A_138 = tpu.memref_squeeze %dma_start3A_137 : memref<1x64xi32, #tpu.memory_space<vmem>> -> memref<64xi32, #tpu.memory_space<vmem>>
        %dma_start3A_139 = arith.constant 0 : i32
        %dma_start3A_140 = arith.constant 0 : i32
        %dma_start3A_141 = tpu.memref_slice %arg11[%dma_start3A_139, %dma_start3A_140] : memref<10112x128xf32, #tpu.memory_space<vmem_shared>> -> memref<10112x128xf32, #tpu.memory_space<vmem_shared>>
        tpu.enqueue_indirect_dma source(%arg9 : memref<64x128xf32, #tpu.memory_space<vmem>>) target(%dma_start3A_141 : memref<10112x128xf32, #tpu.memory_space<vmem_shared>>) offsets(%dma_start3A_138 : memref<64xi32, #tpu.memory_space<vmem>>) semaphore(%run_scoped3A : memref<!tpu.dma_semaphore, #tpu.memory_space<semaphore_mem>>) {add = true}
        %dma_wait3A_142 = arith.constant 0 : i32
        %dma_wait3A_143 = tpu.memref_slice %arg8[%mul3A_106, %dma_wait3A_142] : memref<80x64xi32, #tpu.memory_space<vmem>> -> memref<1x64xi32, #tpu.memory_space<vmem>>
        %dma_wait3A_144 = tpu.memref_squeeze %dma_wait3A_143 : memref<1x64xi32, #tpu.memory_space<vmem>> -> memref<64xi32, #tpu.memory_space<vmem>>
        %dma_wait3A_145 = arith.constant 0 : i32
        %dma_wait3A_146 = arith.constant 0 : i32
        %dma_wait3A_147 = tpu.memref_slice %arg11[%dma_wait3A_145, %dma_wait3A_146] : memref<10112x128xf32, #tpu.memory_space<vmem_shared>> -> memref<10112x128xf32, #tpu.memory_space<vmem_shared>>
        tpu.wait_indirect_dma semaphore(%run_scoped3A : memref<!tpu.dma_semaphore, #tpu.memory_space<semaphore_mem>>) src(%arg9 : memref<64x128xf32, #tpu.memory_space<vmem>>) dst(%dma_wait3A_147 : memref<10112x128xf32, #tpu.memory_space<vmem_shared>>)
        tpu.yield
      }) : () -> ()
      %dma_start3A_124 = arith.constant 0 : i32
      %dma_start3A_125 = tpu.memref_slice %arg7[%min3A_111, %dma_start3A_124] : memref<80x64xi32, #tpu.memory_space<vmem>> -> memref<1x64xi32, #tpu.memory_space<vmem>>
      %dma_start3A_126 = tpu.memref_squeeze %dma_start3A_125 : memref<1x64xi32, #tpu.memory_space<vmem>> -> memref<64xi32, #tpu.memory_space<vmem>>
      %dma_start3A_127 = arith.constant 0 : i32
      %dma_start3A_128 = arith.constant 0 : i32
      %dma_start3A_129 = tpu.memref_slice %arg2[%dma_start3A_127, %dma_start3A_128] : memref<40000x128xf32, #tpu.memory_space<hbm>> -> memref<40000x128xf32, #tpu.memory_space<hbm>>
      tpu.enqueue_indirect_dma source(%dma_start3A_129 : memref<40000x128xf32, #tpu.memory_space<hbm>>) target(%arg9 : memref<64x128xf32, #tpu.memory_space<vmem>>) offsets(%dma_start3A_126 : memref<64xi32, #tpu.memory_space<vmem>>) semaphore(%arg12 : memref<!tpu.dma_semaphore, #tpu.memory_space<semaphore_mem>>)
      %dma_wait3A_130 = arith.constant 0 : i32
      %dma_wait3A_131 = tpu.memref_slice %arg7[%add3A_108, %dma_wait3A_130] : memref<80x64xi32, #tpu.memory_space<vmem>> -> memref<1x64xi32, #tpu.memory_space<vmem>>
      %dma_wait3A_132 = tpu.memref_squeeze %dma_wait3A_131 : memref<1x64xi32, #tpu.memory_space<vmem>> -> memref<64xi32, #tpu.memory_space<vmem>>
      %dma_wait3A_133 = arith.constant 0 : i32
      %dma_wait3A_134 = arith.constant 0 : i32
      %dma_wait3A_135 = tpu.memref_slice %arg2[%dma_wait3A_133, %dma_wait3A_134] : memref<40000x128xf32, #tpu.memory_space<hbm>> -> memref<40000x128xf32, #tpu.memory_space<hbm>>
      tpu.wait_indirect_dma semaphore(%arg13 : memref<!tpu.dma_semaphore, #tpu.memory_space<semaphore_mem>>) src(%dma_wait3A_135 : memref<40000x128xf32, #tpu.memory_space<hbm>>) dst(%arg10 : memref<64x128xf32, #tpu.memory_space<vmem>>)
      "tpu.region"() ({
        %run_scoped3A = tpu.sem_alloc : memref<!tpu.dma_semaphore, #tpu.memory_space<semaphore_mem>>
        %dma_start3A_136 = arith.constant 0 : i32
        %dma_start3A_137 = tpu.memref_slice %arg8[%add3A_108, %dma_start3A_136] : memref<80x64xi32, #tpu.memory_space<vmem>> -> memref<1x64xi32, #tpu.memory_space<vmem>>
        %dma_start3A_138 = tpu.memref_squeeze %dma_start3A_137 : memref<1x64xi32, #tpu.memory_space<vmem>> -> memref<64xi32, #tpu.memory_space<vmem>>
        %dma_start3A_139 = arith.constant 0 : i32
        %dma_start3A_140 = arith.constant 0 : i32
        %dma_start3A_141 = tpu.memref_slice %arg11[%dma_start3A_139, %dma_start3A_140] : memref<10112x128xf32, #tpu.memory_space<vmem_shared>> -> memref<10112x128xf32, #tpu.memory_space<vmem_shared>>
        tpu.enqueue_indirect_dma source(%arg10 : memref<64x128xf32, #tpu.memory_space<vmem>>) target(%dma_start3A_141 : memref<10112x128xf32, #tpu.memory_space<vmem_shared>>) offsets(%dma_start3A_138 : memref<64xi32, #tpu.memory_space<vmem>>) semaphore(%run_scoped3A : memref<!tpu.dma_semaphore, #tpu.memory_space<semaphore_mem>>) {add = true}
        %dma_wait3A_142 = arith.constant 0 : i32
        %dma_wait3A_143 = tpu.memref_slice %arg8[%add3A_108, %dma_wait3A_142] : memref<80x64xi32, #tpu.memory_space<vmem>> -> memref<1x64xi32, #tpu.memory_space<vmem>>
        %dma_wait3A_144 = tpu.memref_squeeze %dma_wait3A_143 : memref<1x64xi32, #tpu.memory_space<vmem>> -> memref<64xi32, #tpu.memory_space<vmem>>
        %dma_wait3A_145 = arith.constant 0 : i32
        %dma_wait3A_146 = arith.constant 0 : i32
        %dma_wait3A_147 = tpu.memref_slice %arg11[%dma_wait3A_145, %dma_wait3A_146] : memref<10112x128xf32, #tpu.memory_space<vmem_shared>> -> memref<10112x128xf32, #tpu.memory_space<vmem_shared>>
        tpu.wait_indirect_dma semaphore(%run_scoped3A : memref<!tpu.dma_semaphore, #tpu.memory_space<semaphore_mem>>) src(%arg10 : memref<64x128xf32, #tpu.memory_space<vmem>>) dst(%dma_wait3A_147 : memref<10112x128xf32, #tpu.memory_space<vmem_shared>>)
        tpu.yield
      }) : () -> ()
    }
    %scan3A_70 = arith.constant 40 : i32
    %dma_wait3A_71 = arith.constant 0 : i32
    %dma_wait3A_72 = arith.constant 0 : i32
    %dma_wait3A_73 = tpu.memref_slice %arg7[%dma_wait3A_71, %dma_wait3A_72] : memref<80x64xi32, #tpu.memory_space<vmem>> -> memref<1x64xi32, #tpu.memory_space<vmem>>
    %dma_wait3A_74 = tpu.memref_squeeze %dma_wait3A_73 : memref<1x64xi32, #tpu.memory_space<vmem>> -> memref<64xi32, #tpu.memory_space<vmem>>
    %dma_wait3A_75 = arith.constant 0 : i32
    %dma_wait3A_76 = arith.constant 0 : i32
    %dma_wait3A_77 = tpu.memref_slice %arg2[%dma_wait3A_75, %dma_wait3A_76] : memref<40000x128xf32, #tpu.memory_space<hbm>> -> memref<40000x128xf32, #tpu.memory_space<hbm>>
    tpu.wait_indirect_dma semaphore(%arg12 : memref<!tpu.dma_semaphore, #tpu.memory_space<semaphore_mem>>) src(%dma_wait3A_77 : memref<40000x128xf32, #tpu.memory_space<hbm>>) dst(%arg9 : memref<64x128xf32, #tpu.memory_space<vmem>>)
    "tpu.region"() ({
      %run_scoped3A = tpu.sem_alloc : memref<!tpu.dma_semaphore, #tpu.memory_space<semaphore_mem>>
      %dma_start3A_104 = arith.constant 80 : i32
      %dma_start3A_105 = arith.constant 0 : i32
      %dma_start3A_106 = tpu.memref_slice %arg3[%add3A_52, %arg1, %dma_start3A_104, %dma_start3A_105] : memref<4x16x160x64xi32, #tpu.memory_space<hbm>> -> memref<1x1x80x64xi32, #tpu.memory_space<hbm>>
      %dma_start3A_107 = tpu.memref_squeeze %dma_start3A_106 : memref<1x1x80x64xi32, #tpu.memory_space<hbm>> -> memref<80x64xi32, #tpu.memory_space<hbm>>
      %dma_start3A_108 = arith.constant 80 : i32
      %dma_start3A_109 = arith.constant 0 : i32
      %dma_start3A_110 = tpu.memref_slice %arg3[%add3A_52, %arg1, %dma_start3A_108, %dma_start3A_109] : memref<4x16x160x64xi32, #tpu.memory_space<hbm>> -> memref<1x1x80x64xi32, #tpu.memory_space<hbm>>
      %dma_start3A_111 = tpu.memref_squeeze %dma_start3A_110 : memref<1x1x80x64xi32, #tpu.memory_space<hbm>> -> memref<80x64xi32, #tpu.memory_space<hbm>>
      tpu.enqueue_dma source(%dma_start3A_111 : memref<80x64xi32, #tpu.memory_space<hbm>>) target(%arg7 : memref<80x64xi32, #tpu.memory_space<vmem>>) target_semaphore(%run_scoped3A : memref<!tpu.dma_semaphore, #tpu.memory_space<semaphore_mem>>)
      %dma_wait3A_112 = arith.constant 80 : i32
      %dma_wait3A_113 = arith.constant 0 : i32
      %dma_wait3A_114 = tpu.memref_slice %arg3[%add3A_52, %arg1, %dma_wait3A_112, %dma_wait3A_113] : memref<4x16x160x64xi32, #tpu.memory_space<hbm>> -> memref<1x1x80x64xi32, #tpu.memory_space<hbm>>
      %dma_wait3A_115 = tpu.memref_squeeze %dma_wait3A_114 : memref<1x1x80x64xi32, #tpu.memory_space<hbm>> -> memref<80x64xi32, #tpu.memory_space<hbm>>
      %dma_wait3A_116 = arith.constant 80 : i32
      %dma_wait3A_117 = arith.constant 0 : i32
      %dma_wait3A_118 = tpu.memref_slice %arg3[%add3A_52, %arg1, %dma_wait3A_116, %dma_wait3A_117] : memref<4x16x160x64xi32, #tpu.memory_space<hbm>> -> memref<1x1x80x64xi32, #tpu.memory_space<hbm>>
      %dma_wait3A_119 = tpu.memref_squeeze %dma_wait3A_118 : memref<1x1x80x64xi32, #tpu.memory_space<hbm>> -> memref<80x64xi32, #tpu.memory_space<hbm>>
      tpu.wait_dma2 semaphore(%run_scoped3A : memref<!tpu.dma_semaphore, #tpu.memory_space<semaphore_mem>>) src(%dma_wait3A_119 : memref<80x64xi32, #tpu.memory_space<hbm>>) dst(%arg7 : memref<80x64xi32, #tpu.memory_space<vmem>>)
      tpu.yield
    }) : () -> ()
    "tpu.region"() ({
      %run_scoped3A = tpu.sem_alloc : memref<!tpu.dma_semaphore, #tpu.memory_space<semaphore_mem>>
      %dma_start3A_104 = arith.constant 80 : i32
      %dma_start3A_105 = arith.constant 0 : i32
      %dma_start3A_106 = tpu.memref_slice %arg4[%arg1, %dma_start3A_104, %dma_start3A_105] : memref<16x160x64xi32, #tpu.memory_space<hbm>> -> memref<1x80x64xi32, #tpu.memory_space<hbm>>
      %dma_start3A_107 = tpu.memref_squeeze %dma_start3A_106 : memref<1x80x64xi32, #tpu.memory_space<hbm>> -> memref<80x64xi32, #tpu.memory_space<hbm>>
      %dma_start3A_108 = arith.constant 80 : i32
      %dma_start3A_109 = arith.constant 0 : i32
      %dma_start3A_110 = tpu.memref_slice %arg4[%arg1, %dma_start3A_108, %dma_start3A_109] : memref<16x160x64xi32, #tpu.memory_space<hbm>> -> memref<1x80x64xi32, #tpu.memory_space<hbm>>
      %dma_start3A_111 = tpu.memref_squeeze %dma_start3A_110 : memref<1x80x64xi32, #tpu.memory_space<hbm>> -> memref<80x64xi32, #tpu.memory_space<hbm>>
      tpu.enqueue_dma source(%dma_start3A_111 : memref<80x64xi32, #tpu.memory_space<hbm>>) target(%arg8 : memref<80x64xi32, #tpu.memory_space<vmem>>) target_semaphore(%run_scoped3A : memref<!tpu.dma_semaphore, #tpu.memory_space<semaphore_mem>>)
      %dma_wait3A_112 = arith.constant 80 : i32
      %dma_wait3A_113 = arith.constant 0 : i32
      %dma_wait3A_114 = tpu.memref_slice %arg4[%arg1, %dma_wait3A_112, %dma_wait3A_113] : memref<16x160x64xi32, #tpu.memory_space<hbm>> -> memref<1x80x64xi32, #tpu.memory_space<hbm>>
      %dma_wait3A_115 = tpu.memref_squeeze %dma_wait3A_114 : memref<1x80x64xi32, #tpu.memory_space<hbm>> -> memref<80x64xi32, #tpu.memory_space<hbm>>
      %dma_wait3A_116 = arith.constant 80 : i32
      %dma_wait3A_117 = arith.constant 0 : i32
      %dma_wait3A_118 = tpu.memref_slice %arg4[%arg1, %dma_wait3A_116, %dma_wait3A_117] : memref<16x160x64xi32, #tpu.memory_space<hbm>> -> memref<1x80x64xi32, #tpu.memory_space<hbm>>
      %dma_wait3A_119 = tpu.memref_squeeze %dma_wait3A_118 : memref<1x80x64xi32, #tpu.memory_space<hbm>> -> memref<80x64xi32, #tpu.memory_space<hbm>>
      tpu.wait_dma2 semaphore(%run_scoped3A : memref<!tpu.dma_semaphore, #tpu.memory_space<semaphore_mem>>) src(%dma_wait3A_119 : memref<80x64xi32, #tpu.memory_space<hbm>>) dst(%arg8 : memref<80x64xi32, #tpu.memory_space<vmem>>)
      tpu.yield
    }) : () -> ()
    %dma_start3A_78 = arith.constant 0 : i32
    %dma_start3A_79 = arith.constant 0 : i32
    %dma_start3A_80 = tpu.memref_slice %arg7[%dma_start3A_78, %dma_start3A_79] : memref<80x64xi32, #tpu.memory_space<vmem>> -> memref<1x64xi32, #tpu.memory_space<vmem>>
    %dma_start3A_81 = tpu.memref_squeeze %dma_start3A_80 : memref<1x64xi32, #tpu.memory_space<vmem>> -> memref<64xi32, #tpu.memory_space<vmem>>
    %dma_start3A_82 = arith.constant 0 : i32
    %dma_start3A_83 = arith.constant 0 : i32
    %dma_start3A_84 = tpu.memref_slice %arg2[%dma_start3A_82, %dma_start3A_83] : memref<40000x128xf32, #tpu.memory_space<hbm>> -> memref<40000x128xf32, #tpu.memory_space<hbm>>
    tpu.enqueue_indirect_dma source(%dma_start3A_84 : memref<40000x128xf32, #tpu.memory_space<hbm>>) target(%arg9 : memref<64x128xf32, #tpu.memory_space<vmem>>) offsets(%dma_start3A_81 : memref<64xi32, #tpu.memory_space<vmem>>) semaphore(%arg12 : memref<!tpu.dma_semaphore, #tpu.memory_space<semaphore_mem>>)
    %scan3A_85 = arith.constant 0 : i32
    %scan3A_86 = arith.constant 0 : i32
    %scan3A_87 = arith.constant 40 : i32
    %scan3A_88 = arith.addi %scan3A_86, %scan3A_87 : i32
    %scan3A_89 = arith.constant 1 : i32
    scf.for %scan3A_104 = %scan3A_86 to %scan3A_88 step %scan3A_89  : i32 {
      %mul3A_105 = arith.constant 2 : i32
      %mul3A_106 = arith.muli %mul3A_105, %scan3A_104 : i32
      %add3A_107 = arith.constant 1 : i32
      %add3A_108 = arith.addi %mul3A_106, %add3A_107 : i32
      %add3A_109 = arith.constant 1 : i32
      %add3A_110 = arith.addi %add3A_108, %add3A_109 : i32
      %min3A = arith.constant 79 : i32
      %min3A_111 = arith.minsi %add3A_110, %min3A : i32
      %dma_start3A_112 = arith.constant 0 : i32
      %dma_start3A_113 = tpu.memref_slice %arg7[%add3A_108, %dma_start3A_112] : memref<80x64xi32, #tpu.memory_space<vmem>> -> memref<1x64xi32, #tpu.memory_space<vmem>>
      %dma_start3A_114 = tpu.memref_squeeze %dma_start3A_113 : memref<1x64xi32, #tpu.memory_space<vmem>> -> memref<64xi32, #tpu.memory_space<vmem>>
      %dma_start3A_115 = arith.constant 0 : i32
      %dma_start3A_116 = arith.constant 0 : i32
      %dma_start3A_117 = tpu.memref_slice %arg2[%dma_start3A_115, %dma_start3A_116] : memref<40000x128xf32, #tpu.memory_space<hbm>> -> memref<40000x128xf32, #tpu.memory_space<hbm>>
      tpu.enqueue_indirect_dma source(%dma_start3A_117 : memref<40000x128xf32, #tpu.memory_space<hbm>>) target(%arg10 : memref<64x128xf32, #tpu.memory_space<vmem>>) offsets(%dma_start3A_114 : memref<64xi32, #tpu.memory_space<vmem>>) semaphore(%arg13 : memref<!tpu.dma_semaphore, #tpu.memory_space<semaphore_mem>>)
      %dma_wait3A_118 = arith.constant 0 : i32
      %dma_wait3A_119 = tpu.memref_slice %arg7[%mul3A_106, %dma_wait3A_118] : memref<80x64xi32, #tpu.memory_space<vmem>> -> memref<1x64xi32, #tpu.memory_space<vmem>>
      %dma_wait3A_120 = tpu.memref_squeeze %dma_wait3A_119 : memref<1x64xi32, #tpu.memory_space<vmem>> -> memref<64xi32, #tpu.memory_space<vmem>>
      %dma_wait3A_121 = arith.constant 0 : i32
      %dma_wait3A_122 = arith.constant 0 : i32
      %dma_wait3A_123 = tpu.memref_slice %arg2[%dma_wait3A_121, %dma_wait3A_122] : memref<40000x128xf32, #tpu.memory_space<hbm>> -> memref<40000x128xf32, #tpu.memory_space<hbm>>
      tpu.wait_indirect_dma semaphore(%arg12 : memref<!tpu.dma_semaphore, #tpu.memory_space<semaphore_mem>>) src(%dma_wait3A_123 : memref<40000x128xf32, #tpu.memory_space<hbm>>) dst(%arg9 : memref<64x128xf32, #tpu.memory_space<vmem>>)
      "tpu.region"() ({
        %run_scoped3A = tpu.sem_alloc : memref<!tpu.dma_semaphore, #tpu.memory_space<semaphore_mem>>
        %dma_start3A_136 = arith.constant 0 : i32
        %dma_start3A_137 = tpu.memref_slice %arg8[%mul3A_106, %dma_start3A_136] : memref<80x64xi32, #tpu.memory_space<vmem>> -> memref<1x64xi32, #tpu.memory_space<vmem>>
        %dma_start3A_138 = tpu.memref_squeeze %dma_start3A_137 : memref<1x64xi32, #tpu.memory_space<vmem>> -> memref<64xi32, #tpu.memory_space<vmem>>
        %dma_start3A_139 = arith.constant 0 : i32
        %dma_start3A_140 = arith.constant 0 : i32
        %dma_start3A_141 = tpu.memref_slice %arg11[%dma_start3A_139, %dma_start3A_140] : memref<10112x128xf32, #tpu.memory_space<vmem_shared>> -> memref<10112x128xf32, #tpu.memory_space<vmem_shared>>
        tpu.enqueue_indirect_dma source(%arg9 : memref<64x128xf32, #tpu.memory_space<vmem>>) target(%dma_start3A_141 : memref<10112x128xf32, #tpu.memory_space<vmem_shared>>) offsets(%dma_start3A_138 : memref<64xi32, #tpu.memory_space<vmem>>) semaphore(%run_scoped3A : memref<!tpu.dma_semaphore, #tpu.memory_space<semaphore_mem>>) {add = true}
        %dma_wait3A_142 = arith.constant 0 : i32
        %dma_wait3A_143 = tpu.memref_slice %arg8[%mul3A_106, %dma_wait3A_142] : memref<80x64xi32, #tpu.memory_space<vmem>> -> memref<1x64xi32, #tpu.memory_space<vmem>>
        %dma_wait3A_144 = tpu.memref_squeeze %dma_wait3A_143 : memref<1x64xi32, #tpu.memory_space<vmem>> -> memref<64xi32, #tpu.memory_space<vmem>>
        %dma_wait3A_145 = arith.constant 0 : i32
        %dma_wait3A_146 = arith.constant 0 : i32
        %dma_wait3A_147 = tpu.memref_slice %arg11[%dma_wait3A_145, %dma_wait3A_146] : memref<10112x128xf32, #tpu.memory_space<vmem_shared>> -> memref<10112x128xf32, #tpu.memory_space<vmem_shared>>
        tpu.wait_indirect_dma semaphore(%run_scoped3A : memref<!tpu.dma_semaphore, #tpu.memory_space<semaphore_mem>>) src(%arg9 : memref<64x128xf32, #tpu.memory_space<vmem>>) dst(%dma_wait3A_147 : memref<10112x128xf32, #tpu.memory_space<vmem_shared>>)
        tpu.yield
      }) : () -> ()
      %dma_start3A_124 = arith.constant 0 : i32
      %dma_start3A_125 = tpu.memref_slice %arg7[%min3A_111, %dma_start3A_124] : memref<80x64xi32, #tpu.memory_space<vmem>> -> memref<1x64xi32, #tpu.memory_space<vmem>>
      %dma_start3A_126 = tpu.memref_squeeze %dma_start3A_125 : memref<1x64xi32, #tpu.memory_space<vmem>> -> memref<64xi32, #tpu.memory_space<vmem>>
      %dma_start3A_127 = arith.constant 0 : i32
      %dma_start3A_128 = arith.constant 0 : i32
      %dma_start3A_129 = tpu.memref_slice %arg2[%dma_start3A_127, %dma_start3A_128] : memref<40000x128xf32, #tpu.memory_space<hbm>> -> memref<40000x128xf32, #tpu.memory_space<hbm>>
      tpu.enqueue_indirect_dma source(%dma_start3A_129 : memref<40000x128xf32, #tpu.memory_space<hbm>>) target(%arg9 : memref<64x128xf32, #tpu.memory_space<vmem>>) offsets(%dma_start3A_126 : memref<64xi32, #tpu.memory_space<vmem>>) semaphore(%arg12 : memref<!tpu.dma_semaphore, #tpu.memory_space<semaphore_mem>>)
      %dma_wait3A_130 = arith.constant 0 : i32
      %dma_wait3A_131 = tpu.memref_slice %arg7[%add3A_108, %dma_wait3A_130] : memref<80x64xi32, #tpu.memory_space<vmem>> -> memref<1x64xi32, #tpu.memory_space<vmem>>
      %dma_wait3A_132 = tpu.memref_squeeze %dma_wait3A_131 : memref<1x64xi32, #tpu.memory_space<vmem>> -> memref<64xi32, #tpu.memory_space<vmem>>
      %dma_wait3A_133 = arith.constant 0 : i32
      %dma_wait3A_134 = arith.constant 0 : i32
      %dma_wait3A_135 = tpu.memref_slice %arg2[%dma_wait3A_133, %dma_wait3A_134] : memref<40000x128xf32, #tpu.memory_space<hbm>> -> memref<40000x128xf32, #tpu.memory_space<hbm>>
      tpu.wait_indirect_dma semaphore(%arg13 : memref<!tpu.dma_semaphore, #tpu.memory_space<semaphore_mem>>) src(%dma_wait3A_135 : memref<40000x128xf32, #tpu.memory_space<hbm>>) dst(%arg10 : memref<64x128xf32, #tpu.memory_space<vmem>>)
      "tpu.region"() ({
        %run_scoped3A = tpu.sem_alloc : memref<!tpu.dma_semaphore, #tpu.memory_space<semaphore_mem>>
        %dma_start3A_136 = arith.constant 0 : i32
        %dma_start3A_137 = tpu.memref_slice %arg8[%add3A_108, %dma_start3A_136] : memref<80x64xi32, #tpu.memory_space<vmem>> -> memref<1x64xi32, #tpu.memory_space<vmem>>
        %dma_start3A_138 = tpu.memref_squeeze %dma_start3A_137 : memref<1x64xi32, #tpu.memory_space<vmem>> -> memref<64xi32, #tpu.memory_space<vmem>>
        %dma_start3A_139 = arith.constant 0 : i32
        %dma_start3A_140 = arith.constant 0 : i32
        %dma_start3A_141 = tpu.memref_slice %arg11[%dma_start3A_139, %dma_start3A_140] : memref<10112x128xf32, #tpu.memory_space<vmem_shared>> -> memref<10112x128xf32, #tpu.memory_space<vmem_shared>>
        tpu.enqueue_indirect_dma source(%arg10 : memref<64x128xf32, #tpu.memory_space<vmem>>) target(%dma_start3A_141 : memref<10112x128xf32, #tpu.memory_space<vmem_shared>>) offsets(%dma_start3A_138 : memref<64xi32, #tpu.memory_space<vmem>>) semaphore(%run_scoped3A : memref<!tpu.dma_semaphore, #tpu.memory_space<semaphore_mem>>) {add = true}
        %dma_wait3A_142 = arith.constant 0 : i32
        %dma_wait3A_143 = tpu.memref_slice %arg8[%add3A_108, %dma_wait3A_142] : memref<80x64xi32, #tpu.memory_space<vmem>> -> memref<1x64xi32, #tpu.memory_space<vmem>>
        %dma_wait3A_144 = tpu.memref_squeeze %dma_wait3A_143 : memref<1x64xi32, #tpu.memory_space<vmem>> -> memref<64xi32, #tpu.memory_space<vmem>>
        %dma_wait3A_145 = arith.constant 0 : i32
        %dma_wait3A_146 = arith.constant 0 : i32
        %dma_wait3A_147 = tpu.memref_slice %arg11[%dma_wait3A_145, %dma_wait3A_146] : memref<10112x128xf32, #tpu.memory_space<vmem_shared>> -> memref<10112x128xf32, #tpu.memory_space<vmem_shared>>
        tpu.wait_indirect_dma semaphore(%run_scoped3A : memref<!tpu.dma_semaphore, #tpu.memory_space<semaphore_mem>>) src(%arg10 : memref<64x128xf32, #tpu.memory_space<vmem>>) dst(%dma_wait3A_147 : memref<10112x128xf32, #tpu.memory_space<vmem_shared>>)
        tpu.yield
      }) : () -> ()
    }
    %scan3A_90 = arith.constant 40 : i32
    %dma_wait3A_91 = arith.constant 0 : i32
    %dma_wait3A_92 = arith.constant 0 : i32
    %dma_wait3A_93 = tpu.memref_slice %arg7[%dma_wait3A_91, %dma_wait3A_92] : memref<80x64xi32, #tpu.memory_space<vmem>> -> memref<1x64xi32, #tpu.memory_space<vmem>>
    %dma_wait3A_94 = tpu.memref_squeeze %dma_wait3A_93 : memref<1x64xi32, #tpu.memory_space<vmem>> -> memref<64xi32, #tpu.memory_space<vmem>>
    %dma_wait3A_95 = arith.constant 0 : i32
    %dma_wait3A_96 = arith.constant 0 : i32
    %dma_wait3A_97 = tpu.memref_slice %arg2[%dma_wait3A_95, %dma_wait3A_96] : memref<40000x128xf32, #tpu.memory_space<hbm>> -> memref<40000x128xf32, #tpu.memory_space<hbm>>
    tpu.wait_indirect_dma semaphore(%arg12 : memref<!tpu.dma_semaphore, #tpu.memory_space<semaphore_mem>>) src(%dma_wait3A_97 : memref<40000x128xf32, #tpu.memory_space<hbm>>) dst(%arg9 : memref<64x128xf32, #tpu.memory_space<vmem>>)
    %barrier3A_98 = arith.constant 0 : index
    tpu.barrier barrier_id(%barrier3A_98)
    %mul3A_99 = arith.constant 632 : i32
    %mul3A_100 = arith.muli %arg1, %mul3A_99 : i32
    %mul3A_101 = arith.constant 632 : i32
    %mul3A_102 = arith.muli %arg1, %mul3A_101 : i32
    "tpu.region"() ({
      %run_scoped3A = tpu.sem_alloc : memref<!tpu.dma_semaphore, #tpu.memory_space<semaphore_mem>>
      %dma_start3A_104 = arith.constant 0 : i32
      %dma_start3A_105 = tpu.memref_slice %arg6[%add3A_52, %mul3A_102, %dma_start3A_104] : memref<4x10112x128xf32, #tpu.memory_space<hbm>> -> memref<1x632x128xf32, #tpu.memory_space<hbm>>
      %dma_start3A_106 = tpu.memref_squeeze %dma_start3A_105 : memref<1x632x128xf32, #tpu.memory_space<hbm>> -> memref<632x128xf32, #tpu.memory_space<hbm>>
      %dma_start3A_107 = arith.constant 0 : i32
      %dma_start3A_108 = tpu.memref_slice %arg11[%mul3A_100, %dma_start3A_107] : memref<10112x128xf32, #tpu.memory_space<vmem_shared>> -> memref<632x128xf32, #tpu.memory_space<vmem_shared>>
      tpu.enqueue_dma source(%dma_start3A_108 : memref<632x128xf32, #tpu.memory_space<vmem_shared>>) target(%dma_start3A_106 : memref<632x128xf32, #tpu.memory_space<hbm>>) target_semaphore(%run_scoped3A : memref<!tpu.dma_semaphore, #tpu.memory_space<semaphore_mem>>)
      %dma_wait3A_109 = arith.constant 0 : i32
      %dma_wait3A_110 = tpu.memref_slice %arg6[%add3A_52, %mul3A_102, %dma_wait3A_109] : memref<4x10112x128xf32, #tpu.memory_space<hbm>> -> memref<1x632x128xf32, #tpu.memory_space<hbm>>
      %dma_wait3A_111 = tpu.memref_squeeze %dma_wait3A_110 : memref<1x632x128xf32, #tpu.memory_space<hbm>> -> memref<632x128xf32, #tpu.memory_space<hbm>>
      %dma_wait3A_112 = arith.constant 0 : i32
      %dma_wait3A_113 = tpu.memref_slice %arg11[%mul3A_100, %dma_wait3A_112] : memref<10112x128xf32, #tpu.memory_space<vmem_shared>> -> memref<632x128xf32, #tpu.memory_space<vmem_shared>>
      tpu.wait_dma2 semaphore(%run_scoped3A : memref<!tpu.dma_semaphore, #tpu.memory_space<semaphore_mem>>) src(%dma_wait3A_113 : memref<632x128xf32, #tpu.memory_space<vmem_shared>>) dst(%dma_wait3A_111 : memref<632x128xf32, #tpu.memory_space<hbm>>)
      tpu.yield
    }) : () -> ()
    %barrier3A_103 = arith.constant 0 : index
    tpu.barrier barrier_id(%barrier3A_103)
    return
  }
}

#map = affine_map<(d0, d1) -> (0, 0)>
#map1 = affine_map<(d0, d1) -> (0, 0, 0, 0)>
#map2 = affine_map<(d0, d1) -> (0, 0, 0)>
module attributes {stable_mosaic.version = 14 : i64} {
  func.func @agg(%arg0: i32, %arg1: i32, %arg2: memref<20000x128xf32, #tpu.memory_space<hbm>>, %arg3: memref<2x16x160x64xi32, #tpu.memory_space<hbm>>, %arg4: memref<16x160x64xi32, #tpu.memory_space<hbm>>, %arg5: memref<10112x128xf32, #tpu.memory_space<hbm>>, %arg6: memref<2x10112x128xf32, #tpu.memory_space<hbm>>, %arg7: memref<80x64xi32, #tpu.memory_space<vmem>>, %arg8: memref<80x64xi32, #tpu.memory_space<vmem>>, %arg9: memref<64x128xf32, #tpu.memory_space<vmem>>, %arg10: memref<64x128xf32, #tpu.memory_space<vmem>>, %arg11: memref<10112x128xf32, #tpu.memory_space<vmem_shared>>, %arg12: memref<!tpu.dma_semaphore, #tpu.memory_space<semaphore_mem>>, %arg13: memref<!tpu.dma_semaphore, #tpu.memory_space<semaphore_mem>>, %arg14: memref<!tpu.dma_semaphore, #tpu.memory_space<semaphore_mem>>, %arg15: memref<!tpu.dma_semaphore, #tpu.memory_space<semaphore_mem>>) attributes {dimension_semantics = [#tpu.dimension_semantics<core_parallel>, #tpu.dimension_semantics<subcore_parallel>], iteration_bounds = array<i64: 2, 16>, scalar_prefetch = 0 : i64, scratch_operands = 9 : i64, tpu.core_type = #tpu.core_type<sc_vector_subcore>, window_params = [{transform_indices = #map}, {transform_indices = #map1}, {transform_indices = #map2}, {transform_indices = #map}, {transform_indices = #map2}]} {
    %mul3A = arith.constant 1 : i32
    %mul3A_0 = arith.muli %arg0, %mul3A : i32
    %add3A = arith.constant 0 : i32
    %add3A_1 = arith.addi %mul3A_0, %add3A : i32
    %mul3A_2 = arith.constant 632 : i32
    %mul3A_3 = arith.muli %arg1, %mul3A_2 : i32
    %mul3A_4 = arith.constant 632 : i32
    %mul3A_5 = arith.muli %arg1, %mul3A_4 : i32
    "tpu.region"() ({
      %run_scoped3A = tpu.sem_alloc : memref<!tpu.dma_semaphore, #tpu.memory_space<semaphore_mem>>
      %dma_start3A_49 = arith.constant 0 : i32
      %dma_start3A_50 = tpu.memref_slice %arg11[%mul3A_5, %dma_start3A_49] : memref<10112x128xf32, #tpu.memory_space<vmem_shared>> -> memref<632x128xf32, #tpu.memory_space<vmem_shared>>
      %dma_start3A_51 = arith.constant 0 : i32
      %dma_start3A_52 = tpu.memref_slice %arg5[%mul3A_3, %dma_start3A_51] : memref<10112x128xf32, #tpu.memory_space<hbm>> -> memref<632x128xf32, #tpu.memory_space<hbm>>
      tpu.enqueue_dma source(%dma_start3A_52 : memref<632x128xf32, #tpu.memory_space<hbm>>) target(%dma_start3A_50 : memref<632x128xf32, #tpu.memory_space<vmem_shared>>) target_semaphore(%run_scoped3A : memref<!tpu.dma_semaphore, #tpu.memory_space<semaphore_mem>>)
      %dma_wait3A_53 = arith.constant 0 : i32
      %dma_wait3A_54 = tpu.memref_slice %arg11[%mul3A_5, %dma_wait3A_53] : memref<10112x128xf32, #tpu.memory_space<vmem_shared>> -> memref<632x128xf32, #tpu.memory_space<vmem_shared>>
      %dma_wait3A_55 = arith.constant 0 : i32
      %dma_wait3A_56 = tpu.memref_slice %arg5[%mul3A_3, %dma_wait3A_55] : memref<10112x128xf32, #tpu.memory_space<hbm>> -> memref<632x128xf32, #tpu.memory_space<hbm>>
      tpu.wait_dma2 semaphore(%run_scoped3A : memref<!tpu.dma_semaphore, #tpu.memory_space<semaphore_mem>>) src(%dma_wait3A_56 : memref<632x128xf32, #tpu.memory_space<hbm>>) dst(%dma_wait3A_54 : memref<632x128xf32, #tpu.memory_space<vmem_shared>>)
      tpu.yield
    }) : () -> ()
    %barrier3A = arith.constant 0 : index
    tpu.barrier barrier_id(%barrier3A)
    "tpu.region"() ({
      %run_scoped3A = tpu.sem_alloc : memref<!tpu.dma_semaphore, #tpu.memory_space<semaphore_mem>>
      %dma_start3A_49 = arith.constant 0 : i32
      %dma_start3A_50 = arith.constant 0 : i32
      %dma_start3A_51 = tpu.memref_slice %arg3[%add3A_1, %arg1, %dma_start3A_49, %dma_start3A_50] : memref<2x16x160x64xi32, #tpu.memory_space<hbm>> -> memref<1x1x80x64xi32, #tpu.memory_space<hbm>>
      %dma_start3A_52 = tpu.memref_squeeze %dma_start3A_51 : memref<1x1x80x64xi32, #tpu.memory_space<hbm>> -> memref<80x64xi32, #tpu.memory_space<hbm>>
      %dma_start3A_53 = arith.constant 0 : i32
      %dma_start3A_54 = arith.constant 0 : i32
      %dma_start3A_55 = tpu.memref_slice %arg3[%add3A_1, %arg1, %dma_start3A_53, %dma_start3A_54] : memref<2x16x160x64xi32, #tpu.memory_space<hbm>> -> memref<1x1x80x64xi32, #tpu.memory_space<hbm>>
      %dma_start3A_56 = tpu.memref_squeeze %dma_start3A_55 : memref<1x1x80x64xi32, #tpu.memory_space<hbm>> -> memref<80x64xi32, #tpu.memory_space<hbm>>
      tpu.enqueue_dma source(%dma_start3A_56 : memref<80x64xi32, #tpu.memory_space<hbm>>) target(%arg7 : memref<80x64xi32, #tpu.memory_space<vmem>>) target_semaphore(%run_scoped3A : memref<!tpu.dma_semaphore, #tpu.memory_space<semaphore_mem>>)
      %dma_wait3A_57 = arith.constant 0 : i32
      %dma_wait3A_58 = arith.constant 0 : i32
      %dma_wait3A_59 = tpu.memref_slice %arg3[%add3A_1, %arg1, %dma_wait3A_57, %dma_wait3A_58] : memref<2x16x160x64xi32, #tpu.memory_space<hbm>> -> memref<1x1x80x64xi32, #tpu.memory_space<hbm>>
      %dma_wait3A_60 = tpu.memref_squeeze %dma_wait3A_59 : memref<1x1x80x64xi32, #tpu.memory_space<hbm>> -> memref<80x64xi32, #tpu.memory_space<hbm>>
      %dma_wait3A_61 = arith.constant 0 : i32
      %dma_wait3A_62 = arith.constant 0 : i32
      %dma_wait3A_63 = tpu.memref_slice %arg3[%add3A_1, %arg1, %dma_wait3A_61, %dma_wait3A_62] : memref<2x16x160x64xi32, #tpu.memory_space<hbm>> -> memref<1x1x80x64xi32, #tpu.memory_space<hbm>>
      %dma_wait3A_64 = tpu.memref_squeeze %dma_wait3A_63 : memref<1x1x80x64xi32, #tpu.memory_space<hbm>> -> memref<80x64xi32, #tpu.memory_space<hbm>>
      tpu.wait_dma2 semaphore(%run_scoped3A : memref<!tpu.dma_semaphore, #tpu.memory_space<semaphore_mem>>) src(%dma_wait3A_64 : memref<80x64xi32, #tpu.memory_space<hbm>>) dst(%arg7 : memref<80x64xi32, #tpu.memory_space<vmem>>)
      tpu.yield
    }) : () -> ()
    "tpu.region"() ({
      %run_scoped3A = tpu.sem_alloc : memref<!tpu.dma_semaphore, #tpu.memory_space<semaphore_mem>>
      %dma_start3A_49 = arith.constant 0 : i32
      %dma_start3A_50 = arith.constant 0 : i32
      %dma_start3A_51 = tpu.memref_slice %arg4[%arg1, %dma_start3A_49, %dma_start3A_50] : memref<16x160x64xi32, #tpu.memory_space<hbm>> -> memref<1x80x64xi32, #tpu.memory_space<hbm>>
      %dma_start3A_52 = tpu.memref_squeeze %dma_start3A_51 : memref<1x80x64xi32, #tpu.memory_space<hbm>> -> memref<80x64xi32, #tpu.memory_space<hbm>>
      %dma_start3A_53 = arith.constant 0 : i32
      %dma_start3A_54 = arith.constant 0 : i32
      %dma_start3A_55 = tpu.memref_slice %arg4[%arg1, %dma_start3A_53, %dma_start3A_54] : memref<16x160x64xi32, #tpu.memory_space<hbm>> -> memref<1x80x64xi32, #tpu.memory_space<hbm>>
      %dma_start3A_56 = tpu.memref_squeeze %dma_start3A_55 : memref<1x80x64xi32, #tpu.memory_space<hbm>> -> memref<80x64xi32, #tpu.memory_space<hbm>>
      tpu.enqueue_dma source(%dma_start3A_56 : memref<80x64xi32, #tpu.memory_space<hbm>>) target(%arg8 : memref<80x64xi32, #tpu.memory_space<vmem>>) target_semaphore(%run_scoped3A : memref<!tpu.dma_semaphore, #tpu.memory_space<semaphore_mem>>)
      %dma_wait3A_57 = arith.constant 0 : i32
      %dma_wait3A_58 = arith.constant 0 : i32
      %dma_wait3A_59 = tpu.memref_slice %arg4[%arg1, %dma_wait3A_57, %dma_wait3A_58] : memref<16x160x64xi32, #tpu.memory_space<hbm>> -> memref<1x80x64xi32, #tpu.memory_space<hbm>>
      %dma_wait3A_60 = tpu.memref_squeeze %dma_wait3A_59 : memref<1x80x64xi32, #tpu.memory_space<hbm>> -> memref<80x64xi32, #tpu.memory_space<hbm>>
      %dma_wait3A_61 = arith.constant 0 : i32
      %dma_wait3A_62 = arith.constant 0 : i32
      %dma_wait3A_63 = tpu.memref_slice %arg4[%arg1, %dma_wait3A_61, %dma_wait3A_62] : memref<16x160x64xi32, #tpu.memory_space<hbm>> -> memref<1x80x64xi32, #tpu.memory_space<hbm>>
      %dma_wait3A_64 = tpu.memref_squeeze %dma_wait3A_63 : memref<1x80x64xi32, #tpu.memory_space<hbm>> -> memref<80x64xi32, #tpu.memory_space<hbm>>
      tpu.wait_dma2 semaphore(%run_scoped3A : memref<!tpu.dma_semaphore, #tpu.memory_space<semaphore_mem>>) src(%dma_wait3A_64 : memref<80x64xi32, #tpu.memory_space<hbm>>) dst(%arg8 : memref<80x64xi32, #tpu.memory_space<vmem>>)
      tpu.yield
    }) : () -> ()
    %dma_start3A = arith.constant 0 : i32
    %dma_start3A_6 = arith.constant 0 : i32
    %dma_start3A_7 = tpu.memref_slice %arg7[%dma_start3A, %dma_start3A_6] : memref<80x64xi32, #tpu.memory_space<vmem>> -> memref<1x64xi32, #tpu.memory_space<vmem>>
    %dma_start3A_8 = tpu.memref_squeeze %dma_start3A_7 : memref<1x64xi32, #tpu.memory_space<vmem>> -> memref<64xi32, #tpu.memory_space<vmem>>
    %dma_start3A_9 = arith.constant 0 : i32
    %dma_start3A_10 = arith.constant 0 : i32
    %dma_start3A_11 = tpu.memref_slice %arg2[%dma_start3A_9, %dma_start3A_10] : memref<20000x128xf32, #tpu.memory_space<hbm>> -> memref<20000x128xf32, #tpu.memory_space<hbm>>
    tpu.enqueue_indirect_dma source(%dma_start3A_11 : memref<20000x128xf32, #tpu.memory_space<hbm>>) target(%arg9 : memref<64x128xf32, #tpu.memory_space<vmem>>) offsets(%dma_start3A_8 : memref<64xi32, #tpu.memory_space<vmem>>) semaphore(%arg12 : memref<!tpu.dma_semaphore, #tpu.memory_space<semaphore_mem>>)
    %scan3A = arith.constant 0 : i32
    %scan3A_12 = arith.constant 0 : i32
    %scan3A_13 = arith.constant 40 : i32
    %scan3A_14 = arith.addi %scan3A_12, %scan3A_13 : i32
    %scan3A_15 = arith.constant 1 : i32
    scf.for %scan3A_49 = %scan3A_12 to %scan3A_14 step %scan3A_15  : i32 {
      %mul3A_50 = arith.constant 2 : i32
      %mul3A_51 = arith.muli %mul3A_50, %scan3A_49 : i32
      %add3A_52 = arith.constant 1 : i32
      %add3A_53 = arith.addi %mul3A_51, %add3A_52 : i32
      %add3A_54 = arith.constant 1 : i32
      %add3A_55 = arith.addi %add3A_53, %add3A_54 : i32
      %min3A = arith.constant 79 : i32
      %min3A_56 = arith.minsi %add3A_55, %min3A : i32
      %dma_start3A_57 = arith.constant 0 : i32
      %dma_start3A_58 = tpu.memref_slice %arg7[%add3A_53, %dma_start3A_57] : memref<80x64xi32, #tpu.memory_space<vmem>> -> memref<1x64xi32, #tpu.memory_space<vmem>>
      %dma_start3A_59 = tpu.memref_squeeze %dma_start3A_58 : memref<1x64xi32, #tpu.memory_space<vmem>> -> memref<64xi32, #tpu.memory_space<vmem>>
      %dma_start3A_60 = arith.constant 0 : i32
      %dma_start3A_61 = arith.constant 0 : i32
      %dma_start3A_62 = tpu.memref_slice %arg2[%dma_start3A_60, %dma_start3A_61] : memref<20000x128xf32, #tpu.memory_space<hbm>> -> memref<20000x128xf32, #tpu.memory_space<hbm>>
      tpu.enqueue_indirect_dma source(%dma_start3A_62 : memref<20000x128xf32, #tpu.memory_space<hbm>>) target(%arg10 : memref<64x128xf32, #tpu.memory_space<vmem>>) offsets(%dma_start3A_59 : memref<64xi32, #tpu.memory_space<vmem>>) semaphore(%arg13 : memref<!tpu.dma_semaphore, #tpu.memory_space<semaphore_mem>>)
      %dma_wait3A_63 = arith.constant 0 : i32
      %dma_wait3A_64 = tpu.memref_slice %arg7[%mul3A_51, %dma_wait3A_63] : memref<80x64xi32, #tpu.memory_space<vmem>> -> memref<1x64xi32, #tpu.memory_space<vmem>>
      %dma_wait3A_65 = tpu.memref_squeeze %dma_wait3A_64 : memref<1x64xi32, #tpu.memory_space<vmem>> -> memref<64xi32, #tpu.memory_space<vmem>>
      %dma_wait3A_66 = arith.constant 0 : i32
      %dma_wait3A_67 = arith.constant 0 : i32
      %dma_wait3A_68 = tpu.memref_slice %arg2[%dma_wait3A_66, %dma_wait3A_67] : memref<20000x128xf32, #tpu.memory_space<hbm>> -> memref<20000x128xf32, #tpu.memory_space<hbm>>
      tpu.wait_indirect_dma semaphore(%arg12 : memref<!tpu.dma_semaphore, #tpu.memory_space<semaphore_mem>>) src(%dma_wait3A_68 : memref<20000x128xf32, #tpu.memory_space<hbm>>) dst(%arg9 : memref<64x128xf32, #tpu.memory_space<vmem>>)
      "tpu.region"() ({
        %run_scoped3A = tpu.sem_alloc : memref<!tpu.dma_semaphore, #tpu.memory_space<semaphore_mem>>
        %dma_start3A_81 = arith.constant 0 : i32
        %dma_start3A_82 = tpu.memref_slice %arg8[%mul3A_51, %dma_start3A_81] : memref<80x64xi32, #tpu.memory_space<vmem>> -> memref<1x64xi32, #tpu.memory_space<vmem>>
        %dma_start3A_83 = tpu.memref_squeeze %dma_start3A_82 : memref<1x64xi32, #tpu.memory_space<vmem>> -> memref<64xi32, #tpu.memory_space<vmem>>
        %dma_start3A_84 = arith.constant 0 : i32
        %dma_start3A_85 = arith.constant 0 : i32
        %dma_start3A_86 = tpu.memref_slice %arg11[%dma_start3A_84, %dma_start3A_85] : memref<10112x128xf32, #tpu.memory_space<vmem_shared>> -> memref<10112x128xf32, #tpu.memory_space<vmem_shared>>
        tpu.enqueue_indirect_dma source(%arg9 : memref<64x128xf32, #tpu.memory_space<vmem>>) target(%dma_start3A_86 : memref<10112x128xf32, #tpu.memory_space<vmem_shared>>) offsets(%dma_start3A_83 : memref<64xi32, #tpu.memory_space<vmem>>) semaphore(%run_scoped3A : memref<!tpu.dma_semaphore, #tpu.memory_space<semaphore_mem>>) {add = true}
        %dma_wait3A_87 = arith.constant 0 : i32
        %dma_wait3A_88 = tpu.memref_slice %arg8[%mul3A_51, %dma_wait3A_87] : memref<80x64xi32, #tpu.memory_space<vmem>> -> memref<1x64xi32, #tpu.memory_space<vmem>>
        %dma_wait3A_89 = tpu.memref_squeeze %dma_wait3A_88 : memref<1x64xi32, #tpu.memory_space<vmem>> -> memref<64xi32, #tpu.memory_space<vmem>>
        %dma_wait3A_90 = arith.constant 0 : i32
        %dma_wait3A_91 = arith.constant 0 : i32
        %dma_wait3A_92 = tpu.memref_slice %arg11[%dma_wait3A_90, %dma_wait3A_91] : memref<10112x128xf32, #tpu.memory_space<vmem_shared>> -> memref<10112x128xf32, #tpu.memory_space<vmem_shared>>
        tpu.wait_indirect_dma semaphore(%run_scoped3A : memref<!tpu.dma_semaphore, #tpu.memory_space<semaphore_mem>>) src(%arg9 : memref<64x128xf32, #tpu.memory_space<vmem>>) dst(%dma_wait3A_92 : memref<10112x128xf32, #tpu.memory_space<vmem_shared>>)
        tpu.yield
      }) : () -> ()
      %dma_start3A_69 = arith.constant 0 : i32
      %dma_start3A_70 = tpu.memref_slice %arg7[%min3A_56, %dma_start3A_69] : memref<80x64xi32, #tpu.memory_space<vmem>> -> memref<1x64xi32, #tpu.memory_space<vmem>>
      %dma_start3A_71 = tpu.memref_squeeze %dma_start3A_70 : memref<1x64xi32, #tpu.memory_space<vmem>> -> memref<64xi32, #tpu.memory_space<vmem>>
      %dma_start3A_72 = arith.constant 0 : i32
      %dma_start3A_73 = arith.constant 0 : i32
      %dma_start3A_74 = tpu.memref_slice %arg2[%dma_start3A_72, %dma_start3A_73] : memref<20000x128xf32, #tpu.memory_space<hbm>> -> memref<20000x128xf32, #tpu.memory_space<hbm>>
      tpu.enqueue_indirect_dma source(%dma_start3A_74 : memref<20000x128xf32, #tpu.memory_space<hbm>>) target(%arg9 : memref<64x128xf32, #tpu.memory_space<vmem>>) offsets(%dma_start3A_71 : memref<64xi32, #tpu.memory_space<vmem>>) semaphore(%arg12 : memref<!tpu.dma_semaphore, #tpu.memory_space<semaphore_mem>>)
      %dma_wait3A_75 = arith.constant 0 : i32
      %dma_wait3A_76 = tpu.memref_slice %arg7[%add3A_53, %dma_wait3A_75] : memref<80x64xi32, #tpu.memory_space<vmem>> -> memref<1x64xi32, #tpu.memory_space<vmem>>
      %dma_wait3A_77 = tpu.memref_squeeze %dma_wait3A_76 : memref<1x64xi32, #tpu.memory_space<vmem>> -> memref<64xi32, #tpu.memory_space<vmem>>
      %dma_wait3A_78 = arith.constant 0 : i32
      %dma_wait3A_79 = arith.constant 0 : i32
      %dma_wait3A_80 = tpu.memref_slice %arg2[%dma_wait3A_78, %dma_wait3A_79] : memref<20000x128xf32, #tpu.memory_space<hbm>> -> memref<20000x128xf32, #tpu.memory_space<hbm>>
      tpu.wait_indirect_dma semaphore(%arg13 : memref<!tpu.dma_semaphore, #tpu.memory_space<semaphore_mem>>) src(%dma_wait3A_80 : memref<20000x128xf32, #tpu.memory_space<hbm>>) dst(%arg10 : memref<64x128xf32, #tpu.memory_space<vmem>>)
      "tpu.region"() ({
        %run_scoped3A = tpu.sem_alloc : memref<!tpu.dma_semaphore, #tpu.memory_space<semaphore_mem>>
        %dma_start3A_81 = arith.constant 0 : i32
        %dma_start3A_82 = tpu.memref_slice %arg8[%add3A_53, %dma_start3A_81] : memref<80x64xi32, #tpu.memory_space<vmem>> -> memref<1x64xi32, #tpu.memory_space<vmem>>
        %dma_start3A_83 = tpu.memref_squeeze %dma_start3A_82 : memref<1x64xi32, #tpu.memory_space<vmem>> -> memref<64xi32, #tpu.memory_space<vmem>>
        %dma_start3A_84 = arith.constant 0 : i32
        %dma_start3A_85 = arith.constant 0 : i32
        %dma_start3A_86 = tpu.memref_slice %arg11[%dma_start3A_84, %dma_start3A_85] : memref<10112x128xf32, #tpu.memory_space<vmem_shared>> -> memref<10112x128xf32, #tpu.memory_space<vmem_shared>>
        tpu.enqueue_indirect_dma source(%arg10 : memref<64x128xf32, #tpu.memory_space<vmem>>) target(%dma_start3A_86 : memref<10112x128xf32, #tpu.memory_space<vmem_shared>>) offsets(%dma_start3A_83 : memref<64xi32, #tpu.memory_space<vmem>>) semaphore(%run_scoped3A : memref<!tpu.dma_semaphore, #tpu.memory_space<semaphore_mem>>) {add = true}
        %dma_wait3A_87 = arith.constant 0 : i32
        %dma_wait3A_88 = tpu.memref_slice %arg8[%add3A_53, %dma_wait3A_87] : memref<80x64xi32, #tpu.memory_space<vmem>> -> memref<1x64xi32, #tpu.memory_space<vmem>>
        %dma_wait3A_89 = tpu.memref_squeeze %dma_wait3A_88 : memref<1x64xi32, #tpu.memory_space<vmem>> -> memref<64xi32, #tpu.memory_space<vmem>>
        %dma_wait3A_90 = arith.constant 0 : i32
        %dma_wait3A_91 = arith.constant 0 : i32
        %dma_wait3A_92 = tpu.memref_slice %arg11[%dma_wait3A_90, %dma_wait3A_91] : memref<10112x128xf32, #tpu.memory_space<vmem_shared>> -> memref<10112x128xf32, #tpu.memory_space<vmem_shared>>
        tpu.wait_indirect_dma semaphore(%run_scoped3A : memref<!tpu.dma_semaphore, #tpu.memory_space<semaphore_mem>>) src(%arg10 : memref<64x128xf32, #tpu.memory_space<vmem>>) dst(%dma_wait3A_92 : memref<10112x128xf32, #tpu.memory_space<vmem_shared>>)
        tpu.yield
      }) : () -> ()
    }
    %scan3A_16 = arith.constant 40 : i32
    %dma_wait3A = arith.constant 0 : i32
    %dma_wait3A_17 = arith.constant 0 : i32
    %dma_wait3A_18 = tpu.memref_slice %arg7[%dma_wait3A, %dma_wait3A_17] : memref<80x64xi32, #tpu.memory_space<vmem>> -> memref<1x64xi32, #tpu.memory_space<vmem>>
    %dma_wait3A_19 = tpu.memref_squeeze %dma_wait3A_18 : memref<1x64xi32, #tpu.memory_space<vmem>> -> memref<64xi32, #tpu.memory_space<vmem>>
    %dma_wait3A_20 = arith.constant 0 : i32
    %dma_wait3A_21 = arith.constant 0 : i32
    %dma_wait3A_22 = tpu.memref_slice %arg2[%dma_wait3A_20, %dma_wait3A_21] : memref<20000x128xf32, #tpu.memory_space<hbm>> -> memref<20000x128xf32, #tpu.memory_space<hbm>>
    tpu.wait_indirect_dma semaphore(%arg12 : memref<!tpu.dma_semaphore, #tpu.memory_space<semaphore_mem>>) src(%dma_wait3A_22 : memref<20000x128xf32, #tpu.memory_space<hbm>>) dst(%arg9 : memref<64x128xf32, #tpu.memory_space<vmem>>)
    "tpu.region"() ({
      %run_scoped3A = tpu.sem_alloc : memref<!tpu.dma_semaphore, #tpu.memory_space<semaphore_mem>>
      %dma_start3A_49 = arith.constant 80 : i32
      %dma_start3A_50 = arith.constant 0 : i32
      %dma_start3A_51 = tpu.memref_slice %arg3[%add3A_1, %arg1, %dma_start3A_49, %dma_start3A_50] : memref<2x16x160x64xi32, #tpu.memory_space<hbm>> -> memref<1x1x80x64xi32, #tpu.memory_space<hbm>>
      %dma_start3A_52 = tpu.memref_squeeze %dma_start3A_51 : memref<1x1x80x64xi32, #tpu.memory_space<hbm>> -> memref<80x64xi32, #tpu.memory_space<hbm>>
      %dma_start3A_53 = arith.constant 80 : i32
      %dma_start3A_54 = arith.constant 0 : i32
      %dma_start3A_55 = tpu.memref_slice %arg3[%add3A_1, %arg1, %dma_start3A_53, %dma_start3A_54] : memref<2x16x160x64xi32, #tpu.memory_space<hbm>> -> memref<1x1x80x64xi32, #tpu.memory_space<hbm>>
      %dma_start3A_56 = tpu.memref_squeeze %dma_start3A_55 : memref<1x1x80x64xi32, #tpu.memory_space<hbm>> -> memref<80x64xi32, #tpu.memory_space<hbm>>
      tpu.enqueue_dma source(%dma_start3A_56 : memref<80x64xi32, #tpu.memory_space<hbm>>) target(%arg7 : memref<80x64xi32, #tpu.memory_space<vmem>>) target_semaphore(%run_scoped3A : memref<!tpu.dma_semaphore, #tpu.memory_space<semaphore_mem>>)
      %dma_wait3A_57 = arith.constant 80 : i32
      %dma_wait3A_58 = arith.constant 0 : i32
      %dma_wait3A_59 = tpu.memref_slice %arg3[%add3A_1, %arg1, %dma_wait3A_57, %dma_wait3A_58] : memref<2x16x160x64xi32, #tpu.memory_space<hbm>> -> memref<1x1x80x64xi32, #tpu.memory_space<hbm>>
      %dma_wait3A_60 = tpu.memref_squeeze %dma_wait3A_59 : memref<1x1x80x64xi32, #tpu.memory_space<hbm>> -> memref<80x64xi32, #tpu.memory_space<hbm>>
      %dma_wait3A_61 = arith.constant 80 : i32
      %dma_wait3A_62 = arith.constant 0 : i32
      %dma_wait3A_63 = tpu.memref_slice %arg3[%add3A_1, %arg1, %dma_wait3A_61, %dma_wait3A_62] : memref<2x16x160x64xi32, #tpu.memory_space<hbm>> -> memref<1x1x80x64xi32, #tpu.memory_space<hbm>>
      %dma_wait3A_64 = tpu.memref_squeeze %dma_wait3A_63 : memref<1x1x80x64xi32, #tpu.memory_space<hbm>> -> memref<80x64xi32, #tpu.memory_space<hbm>>
      tpu.wait_dma2 semaphore(%run_scoped3A : memref<!tpu.dma_semaphore, #tpu.memory_space<semaphore_mem>>) src(%dma_wait3A_64 : memref<80x64xi32, #tpu.memory_space<hbm>>) dst(%arg7 : memref<80x64xi32, #tpu.memory_space<vmem>>)
      tpu.yield
    }) : () -> ()
    "tpu.region"() ({
      %run_scoped3A = tpu.sem_alloc : memref<!tpu.dma_semaphore, #tpu.memory_space<semaphore_mem>>
      %dma_start3A_49 = arith.constant 80 : i32
      %dma_start3A_50 = arith.constant 0 : i32
      %dma_start3A_51 = tpu.memref_slice %arg4[%arg1, %dma_start3A_49, %dma_start3A_50] : memref<16x160x64xi32, #tpu.memory_space<hbm>> -> memref<1x80x64xi32, #tpu.memory_space<hbm>>
      %dma_start3A_52 = tpu.memref_squeeze %dma_start3A_51 : memref<1x80x64xi32, #tpu.memory_space<hbm>> -> memref<80x64xi32, #tpu.memory_space<hbm>>
      %dma_start3A_53 = arith.constant 80 : i32
      %dma_start3A_54 = arith.constant 0 : i32
      %dma_start3A_55 = tpu.memref_slice %arg4[%arg1, %dma_start3A_53, %dma_start3A_54] : memref<16x160x64xi32, #tpu.memory_space<hbm>> -> memref<1x80x64xi32, #tpu.memory_space<hbm>>
      %dma_start3A_56 = tpu.memref_squeeze %dma_start3A_55 : memref<1x80x64xi32, #tpu.memory_space<hbm>> -> memref<80x64xi32, #tpu.memory_space<hbm>>
      tpu.enqueue_dma source(%dma_start3A_56 : memref<80x64xi32, #tpu.memory_space<hbm>>) target(%arg8 : memref<80x64xi32, #tpu.memory_space<vmem>>) target_semaphore(%run_scoped3A : memref<!tpu.dma_semaphore, #tpu.memory_space<semaphore_mem>>)
      %dma_wait3A_57 = arith.constant 80 : i32
      %dma_wait3A_58 = arith.constant 0 : i32
      %dma_wait3A_59 = tpu.memref_slice %arg4[%arg1, %dma_wait3A_57, %dma_wait3A_58] : memref<16x160x64xi32, #tpu.memory_space<hbm>> -> memref<1x80x64xi32, #tpu.memory_space<hbm>>
      %dma_wait3A_60 = tpu.memref_squeeze %dma_wait3A_59 : memref<1x80x64xi32, #tpu.memory_space<hbm>> -> memref<80x64xi32, #tpu.memory_space<hbm>>
      %dma_wait3A_61 = arith.constant 80 : i32
      %dma_wait3A_62 = arith.constant 0 : i32
      %dma_wait3A_63 = tpu.memref_slice %arg4[%arg1, %dma_wait3A_61, %dma_wait3A_62] : memref<16x160x64xi32, #tpu.memory_space<hbm>> -> memref<1x80x64xi32, #tpu.memory_space<hbm>>
      %dma_wait3A_64 = tpu.memref_squeeze %dma_wait3A_63 : memref<1x80x64xi32, #tpu.memory_space<hbm>> -> memref<80x64xi32, #tpu.memory_space<hbm>>
      tpu.wait_dma2 semaphore(%run_scoped3A : memref<!tpu.dma_semaphore, #tpu.memory_space<semaphore_mem>>) src(%dma_wait3A_64 : memref<80x64xi32, #tpu.memory_space<hbm>>) dst(%arg8 : memref<80x64xi32, #tpu.memory_space<vmem>>)
      tpu.yield
    }) : () -> ()
    %dma_start3A_23 = arith.constant 0 : i32
    %dma_start3A_24 = arith.constant 0 : i32
    %dma_start3A_25 = tpu.memref_slice %arg7[%dma_start3A_23, %dma_start3A_24] : memref<80x64xi32, #tpu.memory_space<vmem>> -> memref<1x64xi32, #tpu.memory_space<vmem>>
    %dma_start3A_26 = tpu.memref_squeeze %dma_start3A_25 : memref<1x64xi32, #tpu.memory_space<vmem>> -> memref<64xi32, #tpu.memory_space<vmem>>
    %dma_start3A_27 = arith.constant 0 : i32
    %dma_start3A_28 = arith.constant 0 : i32
    %dma_start3A_29 = tpu.memref_slice %arg2[%dma_start3A_27, %dma_start3A_28] : memref<20000x128xf32, #tpu.memory_space<hbm>> -> memref<20000x128xf32, #tpu.memory_space<hbm>>
    tpu.enqueue_indirect_dma source(%dma_start3A_29 : memref<20000x128xf32, #tpu.memory_space<hbm>>) target(%arg9 : memref<64x128xf32, #tpu.memory_space<vmem>>) offsets(%dma_start3A_26 : memref<64xi32, #tpu.memory_space<vmem>>) semaphore(%arg12 : memref<!tpu.dma_semaphore, #tpu.memory_space<semaphore_mem>>)
    %scan3A_30 = arith.constant 0 : i32
    %scan3A_31 = arith.constant 0 : i32
    %scan3A_32 = arith.constant 40 : i32
    %scan3A_33 = arith.addi %scan3A_31, %scan3A_32 : i32
    %scan3A_34 = arith.constant 1 : i32
    scf.for %scan3A_49 = %scan3A_31 to %scan3A_33 step %scan3A_34  : i32 {
      %mul3A_50 = arith.constant 2 : i32
      %mul3A_51 = arith.muli %mul3A_50, %scan3A_49 : i32
      %add3A_52 = arith.constant 1 : i32
      %add3A_53 = arith.addi %mul3A_51, %add3A_52 : i32
      %add3A_54 = arith.constant 1 : i32
      %add3A_55 = arith.addi %add3A_53, %add3A_54 : i32
      %min3A = arith.constant 79 : i32
      %min3A_56 = arith.minsi %add3A_55, %min3A : i32
      %dma_start3A_57 = arith.constant 0 : i32
      %dma_start3A_58 = tpu.memref_slice %arg7[%add3A_53, %dma_start3A_57] : memref<80x64xi32, #tpu.memory_space<vmem>> -> memref<1x64xi32, #tpu.memory_space<vmem>>
      %dma_start3A_59 = tpu.memref_squeeze %dma_start3A_58 : memref<1x64xi32, #tpu.memory_space<vmem>> -> memref<64xi32, #tpu.memory_space<vmem>>
      %dma_start3A_60 = arith.constant 0 : i32
      %dma_start3A_61 = arith.constant 0 : i32
      %dma_start3A_62 = tpu.memref_slice %arg2[%dma_start3A_60, %dma_start3A_61] : memref<20000x128xf32, #tpu.memory_space<hbm>> -> memref<20000x128xf32, #tpu.memory_space<hbm>>
      tpu.enqueue_indirect_dma source(%dma_start3A_62 : memref<20000x128xf32, #tpu.memory_space<hbm>>) target(%arg10 : memref<64x128xf32, #tpu.memory_space<vmem>>) offsets(%dma_start3A_59 : memref<64xi32, #tpu.memory_space<vmem>>) semaphore(%arg13 : memref<!tpu.dma_semaphore, #tpu.memory_space<semaphore_mem>>)
      %dma_wait3A_63 = arith.constant 0 : i32
      %dma_wait3A_64 = tpu.memref_slice %arg7[%mul3A_51, %dma_wait3A_63] : memref<80x64xi32, #tpu.memory_space<vmem>> -> memref<1x64xi32, #tpu.memory_space<vmem>>
      %dma_wait3A_65 = tpu.memref_squeeze %dma_wait3A_64 : memref<1x64xi32, #tpu.memory_space<vmem>> -> memref<64xi32, #tpu.memory_space<vmem>>
      %dma_wait3A_66 = arith.constant 0 : i32
      %dma_wait3A_67 = arith.constant 0 : i32
      %dma_wait3A_68 = tpu.memref_slice %arg2[%dma_wait3A_66, %dma_wait3A_67] : memref<20000x128xf32, #tpu.memory_space<hbm>> -> memref<20000x128xf32, #tpu.memory_space<hbm>>
      tpu.wait_indirect_dma semaphore(%arg12 : memref<!tpu.dma_semaphore, #tpu.memory_space<semaphore_mem>>) src(%dma_wait3A_68 : memref<20000x128xf32, #tpu.memory_space<hbm>>) dst(%arg9 : memref<64x128xf32, #tpu.memory_space<vmem>>)
      "tpu.region"() ({
        %run_scoped3A = tpu.sem_alloc : memref<!tpu.dma_semaphore, #tpu.memory_space<semaphore_mem>>
        %dma_start3A_81 = arith.constant 0 : i32
        %dma_start3A_82 = tpu.memref_slice %arg8[%mul3A_51, %dma_start3A_81] : memref<80x64xi32, #tpu.memory_space<vmem>> -> memref<1x64xi32, #tpu.memory_space<vmem>>
        %dma_start3A_83 = tpu.memref_squeeze %dma_start3A_82 : memref<1x64xi32, #tpu.memory_space<vmem>> -> memref<64xi32, #tpu.memory_space<vmem>>
        %dma_start3A_84 = arith.constant 0 : i32
        %dma_start3A_85 = arith.constant 0 : i32
        %dma_start3A_86 = tpu.memref_slice %arg11[%dma_start3A_84, %dma_start3A_85] : memref<10112x128xf32, #tpu.memory_space<vmem_shared>> -> memref<10112x128xf32, #tpu.memory_space<vmem_shared>>
        tpu.enqueue_indirect_dma source(%arg9 : memref<64x128xf32, #tpu.memory_space<vmem>>) target(%dma_start3A_86 : memref<10112x128xf32, #tpu.memory_space<vmem_shared>>) offsets(%dma_start3A_83 : memref<64xi32, #tpu.memory_space<vmem>>) semaphore(%run_scoped3A : memref<!tpu.dma_semaphore, #tpu.memory_space<semaphore_mem>>) {add = true}
        %dma_wait3A_87 = arith.constant 0 : i32
        %dma_wait3A_88 = tpu.memref_slice %arg8[%mul3A_51, %dma_wait3A_87] : memref<80x64xi32, #tpu.memory_space<vmem>> -> memref<1x64xi32, #tpu.memory_space<vmem>>
        %dma_wait3A_89 = tpu.memref_squeeze %dma_wait3A_88 : memref<1x64xi32, #tpu.memory_space<vmem>> -> memref<64xi32, #tpu.memory_space<vmem>>
        %dma_wait3A_90 = arith.constant 0 : i32
        %dma_wait3A_91 = arith.constant 0 : i32
        %dma_wait3A_92 = tpu.memref_slice %arg11[%dma_wait3A_90, %dma_wait3A_91] : memref<10112x128xf32, #tpu.memory_space<vmem_shared>> -> memref<10112x128xf32, #tpu.memory_space<vmem_shared>>
        tpu.wait_indirect_dma semaphore(%run_scoped3A : memref<!tpu.dma_semaphore, #tpu.memory_space<semaphore_mem>>) src(%arg9 : memref<64x128xf32, #tpu.memory_space<vmem>>) dst(%dma_wait3A_92 : memref<10112x128xf32, #tpu.memory_space<vmem_shared>>)
        tpu.yield
      }) : () -> ()
      %dma_start3A_69 = arith.constant 0 : i32
      %dma_start3A_70 = tpu.memref_slice %arg7[%min3A_56, %dma_start3A_69] : memref<80x64xi32, #tpu.memory_space<vmem>> -> memref<1x64xi32, #tpu.memory_space<vmem>>
      %dma_start3A_71 = tpu.memref_squeeze %dma_start3A_70 : memref<1x64xi32, #tpu.memory_space<vmem>> -> memref<64xi32, #tpu.memory_space<vmem>>
      %dma_start3A_72 = arith.constant 0 : i32
      %dma_start3A_73 = arith.constant 0 : i32
      %dma_start3A_74 = tpu.memref_slice %arg2[%dma_start3A_72, %dma_start3A_73] : memref<20000x128xf32, #tpu.memory_space<hbm>> -> memref<20000x128xf32, #tpu.memory_space<hbm>>
      tpu.enqueue_indirect_dma source(%dma_start3A_74 : memref<20000x128xf32, #tpu.memory_space<hbm>>) target(%arg9 : memref<64x128xf32, #tpu.memory_space<vmem>>) offsets(%dma_start3A_71 : memref<64xi32, #tpu.memory_space<vmem>>) semaphore(%arg12 : memref<!tpu.dma_semaphore, #tpu.memory_space<semaphore_mem>>)
      %dma_wait3A_75 = arith.constant 0 : i32
      %dma_wait3A_76 = tpu.memref_slice %arg7[%add3A_53, %dma_wait3A_75] : memref<80x64xi32, #tpu.memory_space<vmem>> -> memref<1x64xi32, #tpu.memory_space<vmem>>
      %dma_wait3A_77 = tpu.memref_squeeze %dma_wait3A_76 : memref<1x64xi32, #tpu.memory_space<vmem>> -> memref<64xi32, #tpu.memory_space<vmem>>
      %dma_wait3A_78 = arith.constant 0 : i32
      %dma_wait3A_79 = arith.constant 0 : i32
      %dma_wait3A_80 = tpu.memref_slice %arg2[%dma_wait3A_78, %dma_wait3A_79] : memref<20000x128xf32, #tpu.memory_space<hbm>> -> memref<20000x128xf32, #tpu.memory_space<hbm>>
      tpu.wait_indirect_dma semaphore(%arg13 : memref<!tpu.dma_semaphore, #tpu.memory_space<semaphore_mem>>) src(%dma_wait3A_80 : memref<20000x128xf32, #tpu.memory_space<hbm>>) dst(%arg10 : memref<64x128xf32, #tpu.memory_space<vmem>>)
      "tpu.region"() ({
        %run_scoped3A = tpu.sem_alloc : memref<!tpu.dma_semaphore, #tpu.memory_space<semaphore_mem>>
        %dma_start3A_81 = arith.constant 0 : i32
        %dma_start3A_82 = tpu.memref_slice %arg8[%add3A_53, %dma_start3A_81] : memref<80x64xi32, #tpu.memory_space<vmem>> -> memref<1x64xi32, #tpu.memory_space<vmem>>
        %dma_start3A_83 = tpu.memref_squeeze %dma_start3A_82 : memref<1x64xi32, #tpu.memory_space<vmem>> -> memref<64xi32, #tpu.memory_space<vmem>>
        %dma_start3A_84 = arith.constant 0 : i32
        %dma_start3A_85 = arith.constant 0 : i32
        %dma_start3A_86 = tpu.memref_slice %arg11[%dma_start3A_84, %dma_start3A_85] : memref<10112x128xf32, #tpu.memory_space<vmem_shared>> -> memref<10112x128xf32, #tpu.memory_space<vmem_shared>>
        tpu.enqueue_indirect_dma source(%arg10 : memref<64x128xf32, #tpu.memory_space<vmem>>) target(%dma_start3A_86 : memref<10112x128xf32, #tpu.memory_space<vmem_shared>>) offsets(%dma_start3A_83 : memref<64xi32, #tpu.memory_space<vmem>>) semaphore(%run_scoped3A : memref<!tpu.dma_semaphore, #tpu.memory_space<semaphore_mem>>) {add = true}
        %dma_wait3A_87 = arith.constant 0 : i32
        %dma_wait3A_88 = tpu.memref_slice %arg8[%add3A_53, %dma_wait3A_87] : memref<80x64xi32, #tpu.memory_space<vmem>> -> memref<1x64xi32, #tpu.memory_space<vmem>>
        %dma_wait3A_89 = tpu.memref_squeeze %dma_wait3A_88 : memref<1x64xi32, #tpu.memory_space<vmem>> -> memref<64xi32, #tpu.memory_space<vmem>>
        %dma_wait3A_90 = arith.constant 0 : i32
        %dma_wait3A_91 = arith.constant 0 : i32
        %dma_wait3A_92 = tpu.memref_slice %arg11[%dma_wait3A_90, %dma_wait3A_91] : memref<10112x128xf32, #tpu.memory_space<vmem_shared>> -> memref<10112x128xf32, #tpu.memory_space<vmem_shared>>
        tpu.wait_indirect_dma semaphore(%run_scoped3A : memref<!tpu.dma_semaphore, #tpu.memory_space<semaphore_mem>>) src(%arg10 : memref<64x128xf32, #tpu.memory_space<vmem>>) dst(%dma_wait3A_92 : memref<10112x128xf32, #tpu.memory_space<vmem_shared>>)
        tpu.yield
      }) : () -> ()
    }
    %scan3A_35 = arith.constant 40 : i32
    %dma_wait3A_36 = arith.constant 0 : i32
    %dma_wait3A_37 = arith.constant 0 : i32
    %dma_wait3A_38 = tpu.memref_slice %arg7[%dma_wait3A_36, %dma_wait3A_37] : memref<80x64xi32, #tpu.memory_space<vmem>> -> memref<1x64xi32, #tpu.memory_space<vmem>>
    %dma_wait3A_39 = tpu.memref_squeeze %dma_wait3A_38 : memref<1x64xi32, #tpu.memory_space<vmem>> -> memref<64xi32, #tpu.memory_space<vmem>>
    %dma_wait3A_40 = arith.constant 0 : i32
    %dma_wait3A_41 = arith.constant 0 : i32
    %dma_wait3A_42 = tpu.memref_slice %arg2[%dma_wait3A_40, %dma_wait3A_41] : memref<20000x128xf32, #tpu.memory_space<hbm>> -> memref<20000x128xf32, #tpu.memory_space<hbm>>
    tpu.wait_indirect_dma semaphore(%arg12 : memref<!tpu.dma_semaphore, #tpu.memory_space<semaphore_mem>>) src(%dma_wait3A_42 : memref<20000x128xf32, #tpu.memory_space<hbm>>) dst(%arg9 : memref<64x128xf32, #tpu.memory_space<vmem>>)
    %barrier3A_43 = arith.constant 0 : index
    tpu.barrier barrier_id(%barrier3A_43)
    %mul3A_44 = arith.constant 632 : i32
    %mul3A_45 = arith.muli %arg1, %mul3A_44 : i32
    %mul3A_46 = arith.constant 632 : i32
    %mul3A_47 = arith.muli %arg1, %mul3A_46 : i32
    "tpu.region"() ({
      %run_scoped3A = tpu.sem_alloc : memref<!tpu.dma_semaphore, #tpu.memory_space<semaphore_mem>>
      %dma_start3A_49 = arith.constant 0 : i32
      %dma_start3A_50 = tpu.memref_slice %arg6[%add3A_1, %mul3A_47, %dma_start3A_49] : memref<2x10112x128xf32, #tpu.memory_space<hbm>> -> memref<1x632x128xf32, #tpu.memory_space<hbm>>
      %dma_start3A_51 = tpu.memref_squeeze %dma_start3A_50 : memref<1x632x128xf32, #tpu.memory_space<hbm>> -> memref<632x128xf32, #tpu.memory_space<hbm>>
      %dma_start3A_52 = arith.constant 0 : i32
      %dma_start3A_53 = tpu.memref_slice %arg11[%mul3A_45, %dma_start3A_52] : memref<10112x128xf32, #tpu.memory_space<vmem_shared>> -> memref<632x128xf32, #tpu.memory_space<vmem_shared>>
      tpu.enqueue_dma source(%dma_start3A_53 : memref<632x128xf32, #tpu.memory_space<vmem_shared>>) target(%dma_start3A_51 : memref<632x128xf32, #tpu.memory_space<hbm>>) target_semaphore(%run_scoped3A : memref<!tpu.dma_semaphore, #tpu.memory_space<semaphore_mem>>)
      %dma_wait3A_54 = arith.constant 0 : i32
      %dma_wait3A_55 = tpu.memref_slice %arg6[%add3A_1, %mul3A_47, %dma_wait3A_54] : memref<2x10112x128xf32, #tpu.memory_space<hbm>> -> memref<1x632x128xf32, #tpu.memory_space<hbm>>
      %dma_wait3A_56 = tpu.memref_squeeze %dma_wait3A_55 : memref<1x632x128xf32, #tpu.memory_space<hbm>> -> memref<632x128xf32, #tpu.memory_space<hbm>>
      %dma_wait3A_57 = arith.constant 0 : i32
      %dma_wait3A_58 = tpu.memref_slice %arg11[%mul3A_45, %dma_wait3A_57] : memref<10112x128xf32, #tpu.memory_space<vmem_shared>> -> memref<632x128xf32, #tpu.memory_space<vmem_shared>>
      tpu.wait_dma2 semaphore(%run_scoped3A : memref<!tpu.dma_semaphore, #tpu.memory_space<semaphore_mem>>) src(%dma_wait3A_58 : memref<632x128xf32, #tpu.memory_space<vmem_shared>>) dst(%dma_wait3A_56 : memref<632x128xf32, #tpu.memory_space<hbm>>)
      tpu.yield
    }) : () -> ()
    %barrier3A_48 = arith.constant 0 : index
    tpu.barrier barrier_id(%barrier3A_48)
    return
  }
}

module attributes {stable_mosaic.version = 14 : i64} {
  func.func @_bn_relu_body(%arg0: i32, %arg1: memref<1000x512xf32, #tpu.memory_space<vmem>>, %arg2: memref<8x512xf32, #tpu.memory_space<vmem>>, %arg3: memref<1x512xf32, #tpu.memory_space<vmem>>, %arg4: memref<1x512xf32, #tpu.memory_space<vmem>>, %arg5: memref<1000x512xf32, #tpu.memory_space<vmem>>) attributes {dimension_semantics = [#tpu.dimension_semantics<arbitrary>], iteration_bounds = array<i64: 10>, scalar_prefetch = 0 : i64, scratch_operands = 0 : i64, tpu.core_type = #tpu.core_type<tc>, window_params = [{transform_indices = @transform_0, window_bounds = array<i64: 1000, 512>}, {pipeline_mode = #tpu.pipeline_mode<synchronous>, transform_indices = @transform_1, window_bounds = array<i64: 8, 512>}, {pipeline_mode = #tpu.pipeline_mode<synchronous>, transform_indices = @transform_2, window_bounds = array<i64: 1, 512>}, {pipeline_mode = #tpu.pipeline_mode<synchronous>, transform_indices = @transform_3, window_bounds = array<i64: 1, 512>}, {transform_indices = @transform_4, window_bounds = array<i64: 1000, 512>}]} {
    %get3A = arith.constant 0 : index
    %get3A_0 = arith.constant 0 : index
    %get3A_1 = vector.load %arg2[%get3A, %get3A_0] : memref<8x512xf32, #tpu.memory_space<vmem>>, vector<1x512xf32>
    %mul3A = arith.constant 9.99999974E-5 : f32
    %mul3A_2 = vector.broadcast %mul3A : f32 to vector<1x512xf32>
    %mul3A_3 = arith.mulf %get3A_1, %mul3A_2 : vector<1x512xf32>
    %get3A_4 = arith.constant 1 : index
    %get3A_5 = arith.constant 0 : index
    %get3A_6 = vector.load %arg2[%get3A_4, %get3A_5] : memref<8x512xf32, #tpu.memory_space<vmem>>, vector<1x512xf32>
    %mul3A_7 = arith.constant 9.99999974E-5 : f32
    %mul3A_8 = vector.broadcast %mul3A_7 : f32 to vector<1x512xf32>
    %mul3A_9 = arith.mulf %get3A_6, %mul3A_8 : vector<1x512xf32>
    %mul3A_10 = arith.mulf %mul3A_3, %mul3A_3 : vector<1x512xf32>
    %sub3A = arith.subf %mul3A_9, %mul3A_10 : vector<1x512xf32>
    %get3A_11 = arith.constant 0 : index
    %get3A_12 = arith.constant 0 : index
    %get3A_13 = vector.load %arg3[%get3A_11, %get3A_12] : memref<1x512xf32, #tpu.memory_space<vmem>>, vector<1x512xf32>
    %add3A = arith.constant 9.99999974E-6 : f32
    %add3A_14 = vector.broadcast %add3A : f32 to vector<1x512xf32>
    %add3A_15 = arith.addf %sub3A, %add3A_14 : vector<1x512xf32>
    %rsqrt3A = math.rsqrt %add3A_15 : vector<1x512xf32>
    %mul3A_16 = arith.mulf %get3A_13, %rsqrt3A : vector<1x512xf32>
    %get3A_17 = arith.constant 0 : index
    %get3A_18 = arith.constant 0 : index
    %get3A_19 = vector.load %arg4[%get3A_17, %get3A_18] : memref<1x512xf32, #tpu.memory_space<vmem>>, vector<1x512xf32>
    %mul3A_20 = arith.mulf %mul3A_3, %mul3A_16 : vector<1x512xf32>
    %sub3A_21 = arith.subf %get3A_19, %mul3A_20 : vector<1x512xf32>
    %get3A_22 = arith.constant 0 : index
    %get3A_23 = arith.constant 0 : index
    %get3A_24 = vector.load %arg1[%get3A_22, %get3A_23] : memref<1000x512xf32, #tpu.memory_space<vmem>>, vector<1000x512xf32>
    %mul3A_25 = vector.broadcast %mul3A_16 : vector<1x512xf32> to vector<1000x512xf32>
    %mul3A_26 = arith.mulf %get3A_24, %mul3A_25 : vector<1000x512xf32>
    %add3A_27 = vector.broadcast %sub3A_21 : vector<1x512xf32> to vector<1000x512xf32>
    %add3A_28 = arith.addf %mul3A_26, %add3A_27 : vector<1000x512xf32>
    %max3A = arith.constant 0.000000e+00 : f32
    %max3A_29 = vector.broadcast %max3A : f32 to vector<1000x512xf32>
    %max3A_30 = arith.maximumf %add3A_28, %max3A_29 : vector<1000x512xf32>
    %swap3A = arith.constant 0 : index
    %swap3A_31 = arith.constant 0 : index
    %swap3A_32 = vector.load %arg5[%swap3A, %swap3A_31] : memref<1000x512xf32, #tpu.memory_space<vmem>>, vector<1000x512xf32>
    tpu.vector_store %arg5[%swap3A, %swap3A_31], %max3A_30 {strides = array<i32>} : memref<1000x512xf32, #tpu.memory_space<vmem>>, vector<1000x512xf32>,
    return
  }
  func.func @transform_0(%arg0: i32) -> (i32, i32) {
    %c0_i32 = arith.constant 0 : i32
    %c0_i32_0 = arith.constant 0 : i32
    return %arg0, %c0_i32 : i32, i32
  }
  func.func @transform_1(%arg0: i32) -> (i32, i32) {
    %c0_i32 = arith.constant 0 : i32
    %c0_i32_0 = arith.constant 0 : i32
    %c0_i32_1 = arith.constant 0 : i32
    return %c0_i32, %c0_i32_0 : i32, i32
  }
  func.func @transform_2(%arg0: i32) -> (i32, i32) {
    %c0_i32 = arith.constant 0 : i32
    %c0_i32_0 = arith.constant 0 : i32
    %c0_i32_1 = arith.constant 0 : i32
    return %c0_i32, %c0_i32_0 : i32, i32
  }
  func.func @transform_3(%arg0: i32) -> (i32, i32) {
    %c0_i32 = arith.constant 0 : i32
    %c0_i32_0 = arith.constant 0 : i32
    %c0_i32_1 = arith.constant 0 : i32
    return %c0_i32, %c0_i32_0 : i32, i32
  }
  func.func @transform_4(%arg0: i32) -> (i32, i32) {
    %c0_i32 = arith.constant 0 : i32
    %c0_i32_0 = arith.constant 0 : i32
    return %arg0, %c0_i32 : i32, i32
  }
}

module attributes {stable_mosaic.version = 14 : i64} {
  func.func @_sage_stats_body(%arg0: i32, %arg1: memref<1000x256xf32, #tpu.memory_space<vmem>>, %arg2: memref<2x1000x128xf32, #tpu.memory_space<vmem>>, %arg3: memref<2x128x512xf32, #tpu.memory_space<vmem>>, %arg4: memref<256x512xf32, #tpu.memory_space<vmem>>, %arg5: memref<1x512xf32, #tpu.memory_space<vmem>>, %arg6: memref<1000x512xf32, #tpu.memory_space<vmem>>, %arg7: memref<8x512xf32, #tpu.memory_space<vmem>>) attributes {dimension_semantics = [#tpu.dimension_semantics<arbitrary>], iteration_bounds = array<i64: 10>, scalar_prefetch = 0 : i64, scratch_operands = 0 : i64, tpu.core_type = #tpu.core_type<tc>, window_params = [{transform_indices = @transform_0, window_bounds = array<i64: 1000, 256>}, {transform_indices = @transform_1, window_bounds = array<i64: 2, 1000, 128>}, {pipeline_mode = #tpu.pipeline_mode<synchronous>, transform_indices = @transform_2, window_bounds = array<i64: 2, 128, 512>}, {pipeline_mode = #tpu.pipeline_mode<synchronous>, transform_indices = @transform_3, window_bounds = array<i64: 256, 512>}, {pipeline_mode = #tpu.pipeline_mode<synchronous>, transform_indices = @transform_4, window_bounds = array<i64: 1, 512>}, {transform_indices = @transform_5, window_bounds = array<i64: 1000, 512>}, {pipeline_mode = #tpu.pipeline_mode<synchronous>, transform_indices = @transform_6, window_bounds = array<i64: 8, 512>}]} {
    %get3A = arith.constant 0 : index
    %get3A_0 = arith.constant 0 : index
    %get3A_1 = vector.load %arg1[%get3A, %get3A_0] : memref<1000x256xf32, #tpu.memory_space<vmem>>, vector<1000x256xf32>
    %get3A_2 = arith.constant 0 : index
    %get3A_3 = arith.constant 0 : index
    %get3A_4 = vector.load %arg4[%get3A_2, %get3A_3] : memref<256x512xf32, #tpu.memory_space<vmem>>, vector<256x512xf32>
    %dot_general3A = arith.constant dense<0.000000e+00> : vector<1000x512xf32>
    %dot_general3A_5 = tpu.matmul %get3A_1, %get3A_4, %dot_general3A {dimension_numbers = #tpu.dot_dimension_numbers<[1], [0], [0], [1], [0, 0, 1, 1], [], []>, transpose_lhs_hint = false} : vector<1000x256xf32>, vector<256x512xf32>, vector<1000x512xf32> -> vector<1000x512xf32>
    %get3A_6 = arith.constant 0 : index
    %get3A_7 = arith.constant 0 : index
    %get3A_8 = vector.load %arg5[%get3A_6, %get3A_7] : memref<1x512xf32, #tpu.memory_space<vmem>>, vector<1x512xf32>
    %add3A = vector.broadcast %get3A_8 : vector<1x512xf32> to vector<1000x512xf32>
    %add3A_9 = arith.addf %dot_general3A_5, %add3A : vector<1000x512xf32>
    %get3A_10 = arith.constant 0 : index
    %get3A_11 = arith.constant 0 : index
    %get3A_12 = arith.constant 0 : index
    %get3A_13 = vector.load %arg2[%get3A_10, %get3A_11, %get3A_12] : memref<2x1000x128xf32, #tpu.memory_space<vmem>>, vector<1x1000x128xf32>
    %get3A_14 = vector.shape_cast %get3A_13 : vector<1x1000x128xf32> to vector<1000x128xf32>
    %get3A_15 = arith.constant 0 : index
    %get3A_16 = arith.constant 0 : index
    %get3A_17 = arith.constant 0 : index
    %get3A_18 = vector.load %arg3[%get3A_15, %get3A_16, %get3A_17] : memref<2x128x512xf32, #tpu.memory_space<vmem>>, vector<1x128x512xf32>
    %get3A_19 = vector.shape_cast %get3A_18 : vector<1x128x512xf32> to vector<128x512xf32>
    %dot_general3A_20 = arith.constant dense<0.000000e+00> : vector<1000x512xf32>
    %dot_general3A_21 = tpu.matmul %get3A_14, %get3A_19, %dot_general3A_20 {dimension_numbers = #tpu.dot_dimension_numbers<[1], [0], [0], [1], [0, 0, 1, 1], [], []>, transpose_lhs_hint = false} : vector<1000x128xf32>, vector<128x512xf32>, vector<1000x512xf32> -> vector<1000x512xf32>
    %add3A_22 = arith.addf %add3A_9, %dot_general3A_21 : vector<1000x512xf32>
    %get3A_23 = arith.constant 1 : index
    %get3A_24 = arith.constant 0 : index
    %get3A_25 = arith.constant 0 : index
    %get3A_26 = vector.load %arg2[%get3A_23, %get3A_24, %get3A_25] : memref<2x1000x128xf32, #tpu.memory_space<vmem>>, vector<1x1000x128xf32>
    %get3A_27 = vector.shape_cast %get3A_26 : vector<1x1000x128xf32> to vector<1000x128xf32>
    %get3A_28 = arith.constant 1 : index
    %get3A_29 = arith.constant 0 : index
    %get3A_30 = arith.constant 0 : index
    %get3A_31 = vector.load %arg3[%get3A_28, %get3A_29, %get3A_30] : memref<2x128x512xf32, #tpu.memory_space<vmem>>, vector<1x128x512xf32>
    %get3A_32 = vector.shape_cast %get3A_31 : vector<1x128x512xf32> to vector<128x512xf32>
    %dot_general3A_33 = arith.constant dense<0.000000e+00> : vector<1000x512xf32>
    %dot_general3A_34 = tpu.matmul %get3A_27, %get3A_32, %dot_general3A_33 {dimension_numbers = #tpu.dot_dimension_numbers<[1], [0], [0], [1], [0, 0, 1, 1], [], []>, transpose_lhs_hint = false} : vector<1000x128xf32>, vector<128x512xf32>, vector<1000x512xf32> -> vector<1000x512xf32>
    %add3A_35 = arith.addf %add3A_22, %dot_general3A_34 : vector<1000x512xf32>
    %swap3A = arith.constant 0 : index
    %swap3A_36 = arith.constant 0 : index
    %swap3A_37 = vector.load %arg6[%swap3A, %swap3A_36] : memref<1000x512xf32, #tpu.memory_space<vmem>>, vector<1000x512xf32>
    tpu.vector_store %arg6[%swap3A, %swap3A_36], %add3A_35 {strides = array<i32>} : memref<1000x512xf32, #tpu.memory_space<vmem>>, vector<1000x512xf32>,
    %reduce_sum3A = arith.constant dense<0.000000e+00> : vector<512xf32>
    %reduce_sum3A_38 = vector.multi_reduction <add>, %add3A_35, %reduce_sum3A [0] : vector<1000x512xf32> to vector<512xf32>
    %broadcast_in_dim3A = vector.shape_cast %reduce_sum3A_38 : vector<512xf32> to vector<1x512xf32>
    %mul3A = arith.mulf %add3A_35, %add3A_35 : vector<1000x512xf32>
    %reduce_sum3A_39 = arith.constant dense<0.000000e+00> : vector<512xf32>
    %reduce_sum3A_40 = vector.multi_reduction <add>, %mul3A, %reduce_sum3A_39 [0] : vector<1000x512xf32> to vector<512xf32>
    %broadcast_in_dim3A_41 = vector.shape_cast %reduce_sum3A_40 : vector<512xf32> to vector<1x512xf32>
    %broadcast_in_dim3A_42 = arith.constant 0.000000e+00 : f32
    %broadcast_in_dim3A_43 = vector.broadcast %broadcast_in_dim3A_42 : f32 to vector<6x512xf32>
    %concatenate3A = tpu.concatenate %broadcast_in_dim3A, %broadcast_in_dim3A_41, %broadcast_in_dim3A_43 in 0 : vector<1x512xf32>, vector<1x512xf32>, vector<6x512xf32> -> vector<8x512xf32>
    %eq3A = arith.constant 0 : i32
    %eq3A_44 = arith.cmpi eq, %arg0, %eq3A : i32
    %convert_element_type3A = arith.extui %eq3A_44 : i1 to i32
    %cond3A = arith.constant 0 : i32
    %cond3A_45 = arith.cmpi ne, %convert_element_type3A, %cond3A : i32
    scf.if %cond3A_45 {
      %swap3A_50 = arith.constant 0 : index
      %swap3A_51 = arith.constant 0 : index
      %swap3A_52 = vector.load %arg7[%swap3A_50, %swap3A_51] : memref<8x512xf32, #tpu.memory_space<vmem>>, vector<8x512xf32>
      tpu.vector_store %arg7[%swap3A_50, %swap3A_51], %concatenate3A {strides = array<i32>} : memref<8x512xf32, #tpu.memory_space<vmem>>, vector<8x512xf32>,
    } else {
    }
    %gt3A = arith.constant 0 : i32
    %gt3A_46 = arith.cmpi sgt, %arg0, %gt3A : i32
    %convert_element_type3A_47 = arith.extui %gt3A_46 : i1 to i32
    %cond3A_48 = arith.constant 0 : i32
    %cond3A_49 = arith.cmpi ne, %convert_element_type3A_47, %cond3A_48 : i32
    scf.if %cond3A_49 {
      %get3A_50 = arith.constant 0 : index
      %get3A_51 = arith.constant 0 : index
      %get3A_52 = vector.load %arg7[%get3A_50, %get3A_51] : memref<8x512xf32, #tpu.memory_space<vmem>>, vector<8x512xf32>
      %add3A_53 = arith.addf %get3A_52, %concatenate3A : vector<8x512xf32>
      %swap3A_54 = arith.constant 0 : index
      %swap3A_55 = arith.constant 0 : index
      %swap3A_56 = vector.load %arg7[%swap3A_54, %swap3A_55] : memref<8x512xf32, #tpu.memory_space<vmem>>, vector<8x512xf32>
      tpu.vector_store %arg7[%swap3A_54, %swap3A_55], %add3A_53 {strides = array<i32>} : memref<8x512xf32, #tpu.memory_space<vmem>>, vector<8x512xf32>,
    } else {
    }
    return
  }
  func.func @transform_0(%arg0: i32) -> (i32, i32) {
    %c0_i32 = arith.constant 0 : i32
    %c0_i32_0 = arith.constant 0 : i32
    return %arg0, %c0_i32 : i32, i32
  }
  func.func @transform_1(%arg0: i32) -> (i32, i32, i32) {
    %c0_i32 = arith.constant 0 : i32
    %c0_i32_0 = arith.constant 0 : i32
    %c0_i32_1 = arith.constant 0 : i32
    return %c0_i32, %arg0, %c0_i32_0 : i32, i32, i32
  }
  func.func @transform_2(%arg0: i32) -> (i32, i32, i32) {
    %c0_i32 = arith.constant 0 : i32
    %c0_i32_0 = arith.constant 0 : i32
    %c0_i32_1 = arith.constant 0 : i32
    %c0_i32_2 = arith.constant 0 : i32
    return %c0_i32, %c0_i32_0, %c0_i32_1 : i32, i32, i32
  }
  func.func @transform_3(%arg0: i32) -> (i32, i32) {
    %c0_i32 = arith.constant 0 : i32
    %c0_i32_0 = arith.constant 0 : i32
    %c0_i32_1 = arith.constant 0 : i32
    return %c0_i32, %c0_i32_0 : i32, i32
  }
  func.func @transform_4(%arg0: i32) -> (i32, i32) {
    %c0_i32 = arith.constant 0 : i32
    %c0_i32_0 = arith.constant 0 : i32
    %c0_i32_1 = arith.constant 0 : i32
    return %c0_i32, %c0_i32_0 : i32, i32
  }
  func.func @transform_5(%arg0: i32) -> (i32, i32) {
    %c0_i32 = arith.constant 0 : i32
    %c0_i32_0 = arith.constant 0 : i32
    return %arg0, %c0_i32 : i32, i32
  }
  func.func @transform_6(%arg0: i32) -> (i32, i32) {
    %c0_i32 = arith.constant 0 : i32
    %c0_i32_0 = arith.constant 0 : i32
    %c0_i32_1 = arith.constant 0 : i32
    return %c0_i32, %c0_i32_0 : i32, i32
  }
}

module attributes {stable_mosaic.version = 14 : i64} {
  func.func @_sage_stats_body(%arg0: i32, %arg1: memref<1000x512xf32, #tpu.memory_space<vmem>>, %arg2: memref<4x1000x128xf32, #tpu.memory_space<vmem>>, %arg3: memref<4x128x512xf32, #tpu.memory_space<vmem>>, %arg4: memref<512x512xf32, #tpu.memory_space<vmem>>, %arg5: memref<1x512xf32, #tpu.memory_space<vmem>>, %arg6: memref<1000x512xf32, #tpu.memory_space<vmem>>, %arg7: memref<8x512xf32, #tpu.memory_space<vmem>>) attributes {dimension_semantics = [#tpu.dimension_semantics<arbitrary>], iteration_bounds = array<i64: 10>, scalar_prefetch = 0 : i64, scratch_operands = 0 : i64, tpu.core_type = #tpu.core_type<tc>, window_params = [{transform_indices = @transform_0, window_bounds = array<i64: 1000, 512>}, {transform_indices = @transform_1, window_bounds = array<i64: 4, 1000, 128>}, {pipeline_mode = #tpu.pipeline_mode<synchronous>, transform_indices = @transform_2, window_bounds = array<i64: 4, 128, 512>}, {pipeline_mode = #tpu.pipeline_mode<synchronous>, transform_indices = @transform_3, window_bounds = array<i64: 512, 512>}, {pipeline_mode = #tpu.pipeline_mode<synchronous>, transform_indices = @transform_4, window_bounds = array<i64: 1, 512>}, {transform_indices = @transform_5, window_bounds = array<i64: 1000, 512>}, {pipeline_mode = #tpu.pipeline_mode<synchronous>, transform_indices = @transform_6, window_bounds = array<i64: 8, 512>}]} {
    %get3A = arith.constant 0 : index
    %get3A_0 = arith.constant 0 : index
    %get3A_1 = vector.load %arg1[%get3A, %get3A_0] : memref<1000x512xf32, #tpu.memory_space<vmem>>, vector<1000x512xf32>
    %get3A_2 = arith.constant 0 : index
    %get3A_3 = arith.constant 0 : index
    %get3A_4 = vector.load %arg4[%get3A_2, %get3A_3] : memref<512x512xf32, #tpu.memory_space<vmem>>, vector<512x512xf32>
    %dot_general3A = arith.constant dense<0.000000e+00> : vector<1000x512xf32>
    %dot_general3A_5 = tpu.matmul %get3A_1, %get3A_4, %dot_general3A {dimension_numbers = #tpu.dot_dimension_numbers<[1], [0], [0], [1], [0, 0, 1, 1], [], []>, transpose_lhs_hint = false} : vector<1000x512xf32>, vector<512x512xf32>, vector<1000x512xf32> -> vector<1000x512xf32>
    %get3A_6 = arith.constant 0 : index
    %get3A_7 = arith.constant 0 : index
    %get3A_8 = vector.load %arg5[%get3A_6, %get3A_7] : memref<1x512xf32, #tpu.memory_space<vmem>>, vector<1x512xf32>
    %add3A = vector.broadcast %get3A_8 : vector<1x512xf32> to vector<1000x512xf32>
    %add3A_9 = arith.addf %dot_general3A_5, %add3A : vector<1000x512xf32>
    %get3A_10 = arith.constant 0 : index
    %get3A_11 = arith.constant 0 : index
    %get3A_12 = arith.constant 0 : index
    %get3A_13 = vector.load %arg2[%get3A_10, %get3A_11, %get3A_12] : memref<4x1000x128xf32, #tpu.memory_space<vmem>>, vector<1x1000x128xf32>
    %get3A_14 = vector.shape_cast %get3A_13 : vector<1x1000x128xf32> to vector<1000x128xf32>
    %get3A_15 = arith.constant 0 : index
    %get3A_16 = arith.constant 0 : index
    %get3A_17 = arith.constant 0 : index
    %get3A_18 = vector.load %arg3[%get3A_15, %get3A_16, %get3A_17] : memref<4x128x512xf32, #tpu.memory_space<vmem>>, vector<1x128x512xf32>
    %get3A_19 = vector.shape_cast %get3A_18 : vector<1x128x512xf32> to vector<128x512xf32>
    %dot_general3A_20 = arith.constant dense<0.000000e+00> : vector<1000x512xf32>
    %dot_general3A_21 = tpu.matmul %get3A_14, %get3A_19, %dot_general3A_20 {dimension_numbers = #tpu.dot_dimension_numbers<[1], [0], [0], [1], [0, 0, 1, 1], [], []>, transpose_lhs_hint = false} : vector<1000x128xf32>, vector<128x512xf32>, vector<1000x512xf32> -> vector<1000x512xf32>
    %add3A_22 = arith.addf %add3A_9, %dot_general3A_21 : vector<1000x512xf32>
    %get3A_23 = arith.constant 1 : index
    %get3A_24 = arith.constant 0 : index
    %get3A_25 = arith.constant 0 : index
    %get3A_26 = vector.load %arg2[%get3A_23, %get3A_24, %get3A_25] : memref<4x1000x128xf32, #tpu.memory_space<vmem>>, vector<1x1000x128xf32>
    %get3A_27 = vector.shape_cast %get3A_26 : vector<1x1000x128xf32> to vector<1000x128xf32>
    %get3A_28 = arith.constant 1 : index
    %get3A_29 = arith.constant 0 : index
    %get3A_30 = arith.constant 0 : index
    %get3A_31 = vector.load %arg3[%get3A_28, %get3A_29, %get3A_30] : memref<4x128x512xf32, #tpu.memory_space<vmem>>, vector<1x128x512xf32>
    %get3A_32 = vector.shape_cast %get3A_31 : vector<1x128x512xf32> to vector<128x512xf32>
    %dot_general3A_33 = arith.constant dense<0.000000e+00> : vector<1000x512xf32>
    %dot_general3A_34 = tpu.matmul %get3A_27, %get3A_32, %dot_general3A_33 {dimension_numbers = #tpu.dot_dimension_numbers<[1], [0], [0], [1], [0, 0, 1, 1], [], []>, transpose_lhs_hint = false} : vector<1000x128xf32>, vector<128x512xf32>, vector<1000x512xf32> -> vector<1000x512xf32>
    %add3A_35 = arith.addf %add3A_22, %dot_general3A_34 : vector<1000x512xf32>
    %get3A_36 = arith.constant 2 : index
    %get3A_37 = arith.constant 0 : index
    %get3A_38 = arith.constant 0 : index
    %get3A_39 = vector.load %arg2[%get3A_36, %get3A_37, %get3A_38] : memref<4x1000x128xf32, #tpu.memory_space<vmem>>, vector<1x1000x128xf32>
    %get3A_40 = vector.shape_cast %get3A_39 : vector<1x1000x128xf32> to vector<1000x128xf32>
    %get3A_41 = arith.constant 2 : index
    %get3A_42 = arith.constant 0 : index
    %get3A_43 = arith.constant 0 : index
    %get3A_44 = vector.load %arg3[%get3A_41, %get3A_42, %get3A_43] : memref<4x128x512xf32, #tpu.memory_space<vmem>>, vector<1x128x512xf32>
    %get3A_45 = vector.shape_cast %get3A_44 : vector<1x128x512xf32> to vector<128x512xf32>
    %dot_general3A_46 = arith.constant dense<0.000000e+00> : vector<1000x512xf32>
    %dot_general3A_47 = tpu.matmul %get3A_40, %get3A_45, %dot_general3A_46 {dimension_numbers = #tpu.dot_dimension_numbers<[1], [0], [0], [1], [0, 0, 1, 1], [], []>, transpose_lhs_hint = false} : vector<1000x128xf32>, vector<128x512xf32>, vector<1000x512xf32> -> vector<1000x512xf32>
    %add3A_48 = arith.addf %add3A_35, %dot_general3A_47 : vector<1000x512xf32>
    %get3A_49 = arith.constant 3 : index
    %get3A_50 = arith.constant 0 : index
    %get3A_51 = arith.constant 0 : index
    %get3A_52 = vector.load %arg2[%get3A_49, %get3A_50, %get3A_51] : memref<4x1000x128xf32, #tpu.memory_space<vmem>>, vector<1x1000x128xf32>
    %get3A_53 = vector.shape_cast %get3A_52 : vector<1x1000x128xf32> to vector<1000x128xf32>
    %get3A_54 = arith.constant 3 : index
    %get3A_55 = arith.constant 0 : index
    %get3A_56 = arith.constant 0 : index
    %get3A_57 = vector.load %arg3[%get3A_54, %get3A_55, %get3A_56] : memref<4x128x512xf32, #tpu.memory_space<vmem>>, vector<1x128x512xf32>
    %get3A_58 = vector.shape_cast %get3A_57 : vector<1x128x512xf32> to vector<128x512xf32>
    %dot_general3A_59 = arith.constant dense<0.000000e+00> : vector<1000x512xf32>
    %dot_general3A_60 = tpu.matmul %get3A_53, %get3A_58, %dot_general3A_59 {dimension_numbers = #tpu.dot_dimension_numbers<[1], [0], [0], [1], [0, 0, 1, 1], [], []>, transpose_lhs_hint = false} : vector<1000x128xf32>, vector<128x512xf32>, vector<1000x512xf32> -> vector<1000x512xf32>
    %add3A_61 = arith.addf %add3A_48, %dot_general3A_60 : vector<1000x512xf32>
    %swap3A = arith.constant 0 : index
    %swap3A_62 = arith.constant 0 : index
    %swap3A_63 = vector.load %arg6[%swap3A, %swap3A_62] : memref<1000x512xf32, #tpu.memory_space<vmem>>, vector<1000x512xf32>
    tpu.vector_store %arg6[%swap3A, %swap3A_62], %add3A_61 {strides = array<i32>} : memref<1000x512xf32, #tpu.memory_space<vmem>>, vector<1000x512xf32>,
    %reduce_sum3A = arith.constant dense<0.000000e+00> : vector<512xf32>
    %reduce_sum3A_64 = vector.multi_reduction <add>, %add3A_61, %reduce_sum3A [0] : vector<1000x512xf32> to vector<512xf32>
    %broadcast_in_dim3A = vector.shape_cast %reduce_sum3A_64 : vector<512xf32> to vector<1x512xf32>
    %mul3A = arith.mulf %add3A_61, %add3A_61 : vector<1000x512xf32>
    %reduce_sum3A_65 = arith.constant dense<0.000000e+00> : vector<512xf32>
    %reduce_sum3A_66 = vector.multi_reduction <add>, %mul3A, %reduce_sum3A_65 [0] : vector<1000x512xf32> to vector<512xf32>
    %broadcast_in_dim3A_67 = vector.shape_cast %reduce_sum3A_66 : vector<512xf32> to vector<1x512xf32>
    %broadcast_in_dim3A_68 = arith.constant 0.000000e+00 : f32
    %broadcast_in_dim3A_69 = vector.broadcast %broadcast_in_dim3A_68 : f32 to vector<6x512xf32>
    %concatenate3A = tpu.concatenate %broadcast_in_dim3A, %broadcast_in_dim3A_67, %broadcast_in_dim3A_69 in 0 : vector<1x512xf32>, vector<1x512xf32>, vector<6x512xf32> -> vector<8x512xf32>
    %eq3A = arith.constant 0 : i32
    %eq3A_70 = arith.cmpi eq, %arg0, %eq3A : i32
    %convert_element_type3A = arith.extui %eq3A_70 : i1 to i32
    %cond3A = arith.constant 0 : i32
    %cond3A_71 = arith.cmpi ne, %convert_element_type3A, %cond3A : i32
    scf.if %cond3A_71 {
      %swap3A_76 = arith.constant 0 : index
      %swap3A_77 = arith.constant 0 : index
      %swap3A_78 = vector.load %arg7[%swap3A_76, %swap3A_77] : memref<8x512xf32, #tpu.memory_space<vmem>>, vector<8x512xf32>
      tpu.vector_store %arg7[%swap3A_76, %swap3A_77], %concatenate3A {strides = array<i32>} : memref<8x512xf32, #tpu.memory_space<vmem>>, vector<8x512xf32>,
    } else {
    }
    %gt3A = arith.constant 0 : i32
    %gt3A_72 = arith.cmpi sgt, %arg0, %gt3A : i32
    %convert_element_type3A_73 = arith.extui %gt3A_72 : i1 to i32
    %cond3A_74 = arith.constant 0 : i32
    %cond3A_75 = arith.cmpi ne, %convert_element_type3A_73, %cond3A_74 : i32
    scf.if %cond3A_75 {
      %get3A_76 = arith.constant 0 : index
      %get3A_77 = arith.constant 0 : index
      %get3A_78 = vector.load %arg7[%get3A_76, %get3A_77] : memref<8x512xf32, #tpu.memory_space<vmem>>, vector<8x512xf32>
      %add3A_79 = arith.addf %get3A_78, %concatenate3A : vector<8x512xf32>
      %swap3A_80 = arith.constant 0 : index
      %swap3A_81 = arith.constant 0 : index
      %swap3A_82 = vector.load %arg7[%swap3A_80, %swap3A_81] : memref<8x512xf32, #tpu.memory_space<vmem>>, vector<8x512xf32>
      tpu.vector_store %arg7[%swap3A_80, %swap3A_81], %add3A_79 {strides = array<i32>} : memref<8x512xf32, #tpu.memory_space<vmem>>, vector<8x512xf32>,
    } else {
    }
    return
  }
  func.func @transform_0(%arg0: i32) -> (i32, i32) {
    %c0_i32 = arith.constant 0 : i32
    %c0_i32_0 = arith.constant 0 : i32
    return %arg0, %c0_i32 : i32, i32
  }
  func.func @transform_1(%arg0: i32) -> (i32, i32, i32) {
    %c0_i32 = arith.constant 0 : i32
    %c0_i32_0 = arith.constant 0 : i32
    %c0_i32_1 = arith.constant 0 : i32
    return %c0_i32, %arg0, %c0_i32_0 : i32, i32, i32
  }
  func.func @transform_2(%arg0: i32) -> (i32, i32, i32) {
    %c0_i32 = arith.constant 0 : i32
    %c0_i32_0 = arith.constant 0 : i32
    %c0_i32_1 = arith.constant 0 : i32
    %c0_i32_2 = arith.constant 0 : i32
    return %c0_i32, %c0_i32_0, %c0_i32_1 : i32, i32, i32
  }
  func.func @transform_3(%arg0: i32) -> (i32, i32) {
    %c0_i32 = arith.constant 0 : i32
    %c0_i32_0 = arith.constant 0 : i32
    %c0_i32_1 = arith.constant 0 : i32
    return %c0_i32, %c0_i32_0 : i32, i32
  }
  func.func @transform_4(%arg0: i32) -> (i32, i32) {
    %c0_i32 = arith.constant 0 : i32
    %c0_i32_0 = arith.constant 0 : i32
    %c0_i32_1 = arith.constant 0 : i32
    return %c0_i32, %c0_i32_0 : i32, i32
  }
  func.func @transform_5(%arg0: i32) -> (i32, i32) {
    %c0_i32 = arith.constant 0 : i32
    %c0_i32_0 = arith.constant 0 : i32
    return %arg0, %c0_i32 : i32, i32
  }
  func.func @transform_6(%arg0: i32) -> (i32, i32) {
    %c0_i32 = arith.constant 0 : i32
    %c0_i32_0 = arith.constant 0 : i32
    %c0_i32_1 = arith.constant 0 : i32
    return %c0_i32, %c0_i32_0 : i32, i32
  }
}

module attributes {stable_mosaic.version = 14 : i64} {
  func.func @_head_body(%arg0: i32, %arg1: memref<1000x512xf32, #tpu.memory_space<vmem>>, %arg2: memref<8x512xf32, #tpu.memory_space<vmem>>, %arg3: memref<1x512xf32, #tpu.memory_space<vmem>>, %arg4: memref<1x512xf32, #tpu.memory_space<vmem>>, %arg5: memref<512x512xf32, #tpu.memory_space<vmem>>, %arg6: memref<1x512xf32, #tpu.memory_space<vmem>>, %arg7: memref<512x256xf32, #tpu.memory_space<vmem>>, %arg8: memref<1x256xf32, #tpu.memory_space<vmem>>, %arg9: memref<1000x256xf32, #tpu.memory_space<vmem>>) attributes {dimension_semantics = [#tpu.dimension_semantics<arbitrary>], iteration_bounds = array<i64: 10>, scalar_prefetch = 0 : i64, scratch_operands = 0 : i64, tpu.core_type = #tpu.core_type<tc>, window_params = [{transform_indices = @transform_0, window_bounds = array<i64: 1000, 512>}, {pipeline_mode = #tpu.pipeline_mode<synchronous>, transform_indices = @transform_1, window_bounds = array<i64: 8, 512>}, {pipeline_mode = #tpu.pipeline_mode<synchronous>, transform_indices = @transform_2, window_bounds = array<i64: 1, 512>}, {pipeline_mode = #tpu.pipeline_mode<synchronous>, transform_indices = @transform_3, window_bounds = array<i64: 1, 512>}, {pipeline_mode = #tpu.pipeline_mode<synchronous>, transform_indices = @transform_4, window_bounds = array<i64: 512, 512>}, {pipeline_mode = #tpu.pipeline_mode<synchronous>, transform_indices = @transform_5, window_bounds = array<i64: 1, 512>}, {pipeline_mode = #tpu.pipeline_mode<synchronous>, transform_indices = @transform_6, window_bounds = array<i64: 512, 256>}, {pipeline_mode = #tpu.pipeline_mode<synchronous>, transform_indices = @transform_7, window_bounds = array<i64: 1, 256>}, {transform_indices = @transform_8, window_bounds = array<i64: 1000, 256>}]} {
    %get3A = arith.constant 0 : index
    %get3A_0 = arith.constant 0 : index
    %get3A_1 = vector.load %arg2[%get3A, %get3A_0] : memref<8x512xf32, #tpu.memory_space<vmem>>, vector<1x512xf32>
    %mul3A = arith.constant 9.99999974E-5 : f32
    %mul3A_2 = vector.broadcast %mul3A : f32 to vector<1x512xf32>
    %mul3A_3 = arith.mulf %get3A_1, %mul3A_2 : vector<1x512xf32>
    %get3A_4 = arith.constant 1 : index
    %get3A_5 = arith.constant 0 : index
    %get3A_6 = vector.load %arg2[%get3A_4, %get3A_5] : memref<8x512xf32, #tpu.memory_space<vmem>>, vector<1x512xf32>
    %mul3A_7 = arith.constant 9.99999974E-5 : f32
    %mul3A_8 = vector.broadcast %mul3A_7 : f32 to vector<1x512xf32>
    %mul3A_9 = arith.mulf %get3A_6, %mul3A_8 : vector<1x512xf32>
    %mul3A_10 = arith.mulf %mul3A_3, %mul3A_3 : vector<1x512xf32>
    %sub3A = arith.subf %mul3A_9, %mul3A_10 : vector<1x512xf32>
    %get3A_11 = arith.constant 0 : index
    %get3A_12 = arith.constant 0 : index
    %get3A_13 = vector.load %arg3[%get3A_11, %get3A_12] : memref<1x512xf32, #tpu.memory_space<vmem>>, vector<1x512xf32>
    %add3A = arith.constant 9.99999974E-6 : f32
    %add3A_14 = vector.broadcast %add3A : f32 to vector<1x512xf32>
    %add3A_15 = arith.addf %sub3A, %add3A_14 : vector<1x512xf32>
    %rsqrt3A = math.rsqrt %add3A_15 : vector<1x512xf32>
    %mul3A_16 = arith.mulf %get3A_13, %rsqrt3A : vector<1x512xf32>
    %get3A_17 = arith.constant 0 : index
    %get3A_18 = arith.constant 0 : index
    %get3A_19 = vector.load %arg4[%get3A_17, %get3A_18] : memref<1x512xf32, #tpu.memory_space<vmem>>, vector<1x512xf32>
    %mul3A_20 = arith.mulf %mul3A_3, %mul3A_16 : vector<1x512xf32>
    %sub3A_21 = arith.subf %get3A_19, %mul3A_20 : vector<1x512xf32>
    %get3A_22 = arith.constant 0 : index
    %get3A_23 = arith.constant 0 : index
    %get3A_24 = vector.load %arg1[%get3A_22, %get3A_23] : memref<1000x512xf32, #tpu.memory_space<vmem>>, vector<1000x512xf32>
    %mul3A_25 = vector.broadcast %mul3A_16 : vector<1x512xf32> to vector<1000x512xf32>
    %mul3A_26 = arith.mulf %get3A_24, %mul3A_25 : vector<1000x512xf32>
    %add3A_27 = vector.broadcast %sub3A_21 : vector<1x512xf32> to vector<1000x512xf32>
    %add3A_28 = arith.addf %mul3A_26, %add3A_27 : vector<1000x512xf32>
    %max3A = arith.constant 0.000000e+00 : f32
    %max3A_29 = vector.broadcast %max3A : f32 to vector<1000x512xf32>
    %max3A_30 = arith.maximumf %add3A_28, %max3A_29 : vector<1000x512xf32>
    %get3A_31 = arith.constant 0 : index
    %get3A_32 = arith.constant 0 : index
    %get3A_33 = vector.load %arg5[%get3A_31, %get3A_32] : memref<512x512xf32, #tpu.memory_space<vmem>>, vector<512x512xf32>
    %dot_general3A = arith.constant dense<0.000000e+00> : vector<1000x512xf32>
    %dot_general3A_34 = tpu.matmul %max3A_30, %get3A_33, %dot_general3A {dimension_numbers = #tpu.dot_dimension_numbers<[1], [0], [0], [1], [0, 0, 1, 1], [], []>, transpose_lhs_hint = false} : vector<1000x512xf32>, vector<512x512xf32>, vector<1000x512xf32> -> vector<1000x512xf32>
    %get3A_35 = arith.constant 0 : index
    %get3A_36 = arith.constant 0 : index
    %get3A_37 = vector.load %arg6[%get3A_35, %get3A_36] : memref<1x512xf32, #tpu.memory_space<vmem>>, vector<1x512xf32>
    %add3A_38 = vector.broadcast %get3A_37 : vector<1x512xf32> to vector<1000x512xf32>
    %add3A_39 = arith.addf %dot_general3A_34, %add3A_38 : vector<1000x512xf32>
    %max3A_40 = arith.constant 0.000000e+00 : f32
    %max3A_41 = vector.broadcast %max3A_40 : f32 to vector<1000x512xf32>
    %max3A_42 = arith.maximumf %add3A_39, %max3A_41 : vector<1000x512xf32>
    %get3A_43 = arith.constant 0 : index
    %get3A_44 = arith.constant 0 : index
    %get3A_45 = vector.load %arg7[%get3A_43, %get3A_44] : memref<512x256xf32, #tpu.memory_space<vmem>>, vector<512x256xf32>
    %dot_general3A_46 = arith.constant dense<0.000000e+00> : vector<1000x256xf32>
    %dot_general3A_47 = tpu.matmul %max3A_42, %get3A_45, %dot_general3A_46 {dimension_numbers = #tpu.dot_dimension_numbers<[1], [0], [0], [1], [0, 0, 1, 1], [], []>, transpose_lhs_hint = false} : vector<1000x512xf32>, vector<512x256xf32>, vector<1000x256xf32> -> vector<1000x256xf32>
    %get3A_48 = arith.constant 0 : index
    %get3A_49 = arith.constant 0 : index
    %get3A_50 = vector.load %arg8[%get3A_48, %get3A_49] : memref<1x256xf32, #tpu.memory_space<vmem>>, vector<1x256xf32>
    %add3A_51 = vector.broadcast %get3A_50 : vector<1x256xf32> to vector<1000x256xf32>
    %add3A_52 = arith.addf %dot_general3A_47, %add3A_51 : vector<1000x256xf32>
    %swap3A = arith.constant 0 : index
    %swap3A_53 = arith.constant 0 : index
    %swap3A_54 = vector.load %arg9[%swap3A, %swap3A_53] : memref<1000x256xf32, #tpu.memory_space<vmem>>, vector<1000x256xf32>
    tpu.vector_store %arg9[%swap3A, %swap3A_53], %add3A_52 {strides = array<i32>} : memref<1000x256xf32, #tpu.memory_space<vmem>>, vector<1000x256xf32>,
    return
  }
  func.func @transform_0(%arg0: i32) -> (i32, i32) {
    %c0_i32 = arith.constant 0 : i32
    %c0_i32_0 = arith.constant 0 : i32
    return %arg0, %c0_i32 : i32, i32
  }
  func.func @transform_1(%arg0: i32) -> (i32, i32) {
    %c0_i32 = arith.constant 0 : i32
    %c0_i32_0 = arith.constant 0 : i32
    %c0_i32_1 = arith.constant 0 : i32
    return %c0_i32, %c0_i32_0 : i32, i32
  }
  func.func @transform_2(%arg0: i32) -> (i32, i32) {
    %c0_i32 = arith.constant 0 : i32
    %c0_i32_0 = arith.constant 0 : i32
    %c0_i32_1 = arith.constant 0 : i32
    return %c0_i32, %c0_i32_0 : i32, i32
  }
  func.func @transform_3(%arg0: i32) -> (i32, i32) {
    %c0_i32 = arith.constant 0 : i32
    %c0_i32_0 = arith.constant 0 : i32
    %c0_i32_1 = arith.constant 0 : i32
    return %c0_i32, %c0_i32_0 : i32, i32
  }
  func.func @transform_4(%arg0: i32) -> (i32, i32) {
    %c0_i32 = arith.constant 0 : i32
    %c0_i32_0 = arith.constant 0 : i32
    %c0_i32_1 = arith.constant 0 : i32
    return %c0_i32, %c0_i32_0 : i32, i32
  }
  func.func @transform_5(%arg0: i32) -> (i32, i32) {
    %c0_i32 = arith.constant 0 : i32
    %c0_i32_0 = arith.constant 0 : i32
    %c0_i32_1 = arith.constant 0 : i32
    return %c0_i32, %c0_i32_0 : i32, i32
  }
  func.func @transform_6(%arg0: i32) -> (i32, i32) {
    %c0_i32 = arith.constant 0 : i32
    %c0_i32_0 = arith.constant 0 : i32
    %c0_i32_1 = arith.constant 0 : i32
    return %c0_i32, %c0_i32_0 : i32, i32
  }
  func.func @transform_7(%arg0: i32) -> (i32, i32) {
    %c0_i32 = arith.constant 0 : i32
    %c0_i32_0 = arith.constant 0 : i32
    %c0_i32_1 = arith.constant 0 : i32
    return %c0_i32, %c0_i32_0 : i32, i32
  }
  func.func @transform_8(%arg0: i32) -> (i32, i32) {
    %c0_i32 = arith.constant 0 : i32
    %c0_i32_0 = arith.constant 0 : i32
    return %arg0, %c0_i32 : i32, i32
  }
}

</mosaic_0001>

<sc_bundles>
// kernel: kernel.11.cloned.1.call-start
scs
__scs_entry_jumppad:
0x0: {  	(pc) =	sbr.rel $0x88, $3  }
0x1: {  	(tag) =	ssettag $0x0;
	lr =	simm.s32 $0x1  }
0x2: {  	[smem:$0x3F91] =	sst lr;
	_ =	strace $0xD0000000  }
0x3: {  	_ = 	snop  }
0x4: {  	_ = 	snop  }
0x5: {  	_ = 	snop  }
0x6: {  	_ = 	snop  }
0x7: {  	_ = 	snop  }
__scs_overlays_trampoline_lowered:
0x8: {  	[smem:$0x3FA0] =	sst s0  }
0x9: {  	[smem:$0x3FA1] =	sst s1  }
0xa: {  	[smem:$0x3FA2] =	sst s2  }
0xb: {  	[smem:$0x3FA3] =	sst s3  }
0xc: {  	[smem:$0x3FA4] =	sst s4  }
0xd: {  	[smem:$0x3FA5] =	sst s5  }
0xe: {  	[smem:$0x3FA6] =	sst s6  }
0xf: {  	[smem:$0x3FA7] =	sst s7  }
0x10: {  	[smem:$0x3FA8] =	sst s8  }
0x11: {  	[smem:$0x3FA9] =	sst s9;
	s0 =	simm.s32 @!p0 $0x0  }
0x12: {  	s1 =	sld [smem:$0x3F8F];
	s0 =	simm.s32 @p0 $0x1  }
0x13: {  	[smem:$0x3FAA] =	sst s0;
	s0 =	simm.s32 @!p1 $0x0  }
0x14: {  	s2 =	sld [smem:$0x3F8E];
	s0 =	simm.s32 @p1 $0x1  }
0x15: {  	[smem:$0x3FAB] =	sst s0;
	s0 =	simm.s32 @!p2 $0x0  }
0x16: {  	s3 =	sld [smem:$0x3FDB];
	s0 =	simm.s32 @p2 $0x1  }
0x17: {  	s4 =	simm.s32 $0x1BF5;
	[smem:$0x3FAD] =	sst s0  }
0x18: {  	s0 =	sld [smem:$0x3F90];
	_ =	swait.ge [sflag:s4], $0x0  }
0x19: {  	s7 =	sld [smem:$0x3F91]  }
0x1a: {  	s8 =	sadd.s32 $0xFFFFE003, lr  }
0x1b: {  	s9 =	sadd.s32 $0xFFFFFEF7, lr;
	s5 =	simm.s32 $0xFFFFFFFF;
	p2 =	slt.u32 s8, $0xFFFFF086  }
0x1c: {  	p1 =	slt.u32 s9, $0xF7A;
	s5 =	simm.s32 @!p2 $0x0  }
0x1d: {  	s5 =	simm.s32 @p1 $0x1;
	p0 =	seq.s32 s7, s2  }
0x1e: {  	s7 =	smul.u32 @!p0 $0xF7A, s2;
	p2 =	seq.s32 @!p0 s5, $0x0  }
0x1f: {  	s9 =	smul.u32 $0xF7A, s1;
	s8 =	simm.s32 @!p0 $0x1BF5;
	p2 =	por !p2, p0  }
0x20: {  	[sflag:s8] =	ssyncset.s32 @!p0 $0xFFFFF086;
	s6 =	sadd.s32 @!p0 s3, s7;
	s7 =	simm.s32 @!p0 $0x108  }
0x21: {  	s3 =	sadd.s32 s3, s9;
	s6 =	sadd.s32 @!p0 $0x88, s6;
	s7 =	simm.s32 @p2 $0x1082  }
0x22: {  	[simem:s7], [sflag:s8] =	dma.local @!p0 [hbm:s6], $0xF7A  }
0x23: {  	s9 =	sor.u32 $0xD0000000, s2;
	s6 =	simm.s32 $0x108;
	_ =	swait.ge @!p0 [sflag:s8], $0x0  }
0x24: {  	s3 =	sadd.s32 $0x88, s3;
	s6 =	simm.s32 @!p1 $0x1082;
	[sflag:s4] =	ssyncset.s32 $0xFFFFF086  }
0x25: {  	[simem:s6], [sflag:s4] =	dma.local [hbm:s3], $0xF7A  }
0x26: {  	[smem:$0x3F91] =	sst s1;
	(tag) =	ssettag s2;
	_ =	strace s9  }
0x27: {  	s1 =	sld [smem:$0x3FA1]  }
0x28: {  	s2 =	sld [smem:$0x3FA2]  }
0x29: {  	s4 =	sld [smem:$0x3FA4]  }
0x2a: {  	p0 =	seq.s32 s5, $0x0;
	s5 =	sld [smem:$0x3FA5]  }
0x2b: {  	s6 =	sld [smem:$0x3FA6]  }
0x2c: {  	s7 =	sld [smem:$0x3FA7]  }
0x2d: {  	s3 =	simm.s32 $0x108;
	s8 =	sld [smem:$0x3FA8]  }
0x2e: {  	s3 =	simm.s32 @!p0 $0x1082;
	s9 =	sld [smem:$0x3FA9]  }
0x2f: {  	lr =	sadd.s32 s0, s3;
	s0 =	sld [smem:$0x3FA0]  }
0x30: {  	s3 =	sld [smem:$0x3FA3]  }
0x31: {  	[smem:$0x3FAC] =	sst s10  }
0x32: {  	s10 =	sld [smem:$0x3FAA];
	_ =	sdelay $0x3  }
0x33: {  	p0 =	seq.s32 s10, $0x1;
	s10 =	sld [smem:$0x3FAC];
	_ =	sdelay $0x3  }
0x34: {  	[smem:$0x3FAC] =	sst s10  }
0x35: {  	s10 =	sld [smem:$0x3FAB];
	_ =	sdelay $0x3  }
0x36: {  	p1 =	seq.s32 s10, $0x1;
	s10 =	sld [smem:$0x3FAC];
	_ =	sdelay $0x3  }
0x37: {  	[smem:$0x3FAC] =	sst s10  }
0x38: {  	s10 =	sld [smem:$0x3FAD]  }
0x39: {  	_ = 	snop;
	(pc) =	sbr.ind lr, $3  }
0x3a: {  	_ = 	snop  }
0x3b: {  	_ = 	snop  }
0x3c: {  	p2 =	seq.s32 s10, $0x1;
	s10 =	sld [smem:$0x3FAC]  }
0x3d: {  	_ =	shalt  }
0x3e: {  	_ =	shalt  }
0x3f: {  	_ =	shalt  }
0x40: {  	_ =	shalt  }
0x41: {  	_ =	shalt  }
0x42: {  	_ =	shalt  }
0x43: {  	_ =	shalt  }
0x44: {  	_ =	shalt  }
0x45: {  	_ =	shalt  }
0x46: {  	_ =	shalt  }
0x47: {  	_ =	shalt  }
0x48: {  	_ =	shalt  }
0x49: {  	_ =	shalt  }
0x4a: {  	_ =	shalt  }
0x4b: {  	_ =	shalt  }
0x4c: {  	_ =	shalt  }
0x4d: {  	_ =	shalt  }
0x4e: {  	_ =	shalt  }
0x4f: {  	_ =	shalt  }
0x50: {  	_ =	shalt  }
0x51: {  	_ =	shalt  }
0x52: {  	_ =	shalt  }
0x53: {  	_ =	shalt  }
0x54: {  	_ =	shalt  }
0x55: {  	_ =	shalt  }
0x56: {  	_ =	shalt  }
0x57: {  	_ =	shalt  }
0x58: {  	_ =	shalt  }
0x59: {  	_ =	shalt  }
0x5a: {  	_ =	shalt  }
0x5b: {  	_ =	shalt  }
0x5c: {  	_ =	shalt  }
0x5d: {  	_ =	shalt  }
0x5e: {  	_ =	shalt  }
0x5f: {  	_ =	shalt  }
0x60: {  	_ =	shalt  }
0x61: {  	_ =	shalt  }
0x62: {  	_ =	shalt  }
0x63: {  	_ =	shalt  }
0x64: {  	_ =	shalt  }
0x65: {  	_ =	shalt  }
0x66: {  	_ =	shalt  }
0x67: {  	_ =	shalt  }
0x68: {  	_ =	shalt  }
0x69: {  	_ =	shalt  }
0x6a: {  	_ =	shalt  }
0x6b: {  	_ =	shalt  }
0x6c: {  	_ =	shalt  }
0x6d: {  	_ =	shalt  }
0x6e: {  	_ =	shalt  }
0x6f: {  	_ =	shalt  }
0x70: {  	_ =	shalt  }
0x71: {  	_ =	shalt  }
0x72: {  	_ =	shalt  }
0x73: {  	_ =	shalt  }
0x74: {  	_ =	shalt  }
0x75: {  	_ =	shalt  }
0x76: {  	_ =	shalt  }
0x77: {  	_ =	shalt  }
0x78: {  	_ =	shalt  }
0x79: {  	_ =	shalt  }
0x7a: {  	_ =	shalt  }
0x7b: {  	_ =	shalt  }
0x7c: {  	_ =	shalt  }
0x7d: {  	_ =	shalt  }
0x7e: {  	_ =	shalt  }
0x7f: {  	_ =	shalt  }
0x80: {  	_ =	shalt  }
0x81: {  	_ =	shalt  }
0x82: {  	_ =	shalt  }
0x83: {  	_ =	shalt  }
0x84: {  	_ =	shalt  }
0x85: {  	_ =	shalt  }
0x86: {  	_ =	shalt  }
0x87: {  	_ =	shalt  }
.Lfunc_end0:
.L_simem_size_0:
called_computation.1_lowered:
.L_overlay_start_0:
0x88: {  	s2 =	sld [smem:$0x3FD9]  }
0x89: {  	s3 =	sld [smem:$0x3FFE];
	_ =	sdelay $0x1  }
0x8a: {  	s1 =	srdreg.scid  }
0x8b: {  	s0 =	sand.u32 $0x1, s1  }
0x8c: {  	s16 =	sshll.u32 s0, $0xA;
	s2 =	sadd.s32 s3, s2  }
0x8d: {  	s2 =	sadd.s32 s2, s16  }
0x8e: {  	[smem:$0x3FB8] =	sst s2  }
0x8f: {  	_ = 	snop  }
0x90: {  	(tm) =	ssettm $0x1  }
0x91: {  	s17 =	sld [smem:$0x3FFB];
	_ =	sdelay $0x3  }
0x92: {  	_ =	strace s17  }
0x93: {  	s2 =	sld [smem:$0x3FFC];
	_ =	sdelay $0x3  }
0x94: {  	_ =	strace s2  }
0x95: {  	s2 =	sld [smem:$0x3FFD];
	_ =	sdelay $0x3  }
0x96: {  	_ =	strace s2  }
0x97: {  	_ =	strace $0x8FFFFFFF  }
0x98: {  	s18 =	sld [smem:$0x3FDB];
	_ =	sdelay $0x1  }
0x99: {  	s19 =	simm.s32 $_scs_section_size  }
0x9a: {  	s4 =	simm.s32 $_size__tile_overlayer_lowered;
	s5 =	simm.s32 $_tile_overlayer_lowered  }
0x9b: {  	s22 =	simm.s32 $0x1BFF;
	s21 =	sshll.u32 s5, $0x1;
	s2 =	sadd.s32 s19, s18  }
0x9c: {  	s6 =	simm.s32 $0x0;
	s20 =	sshll.u32 s4, $0x1;
	s4 =	sadd.s32 s21, s2  }
0x9d: {  	[timem:s6], [sflag:s22] =	dma.local [hbm:s4], s20  }
0x9e: {  	_ =	swait.ge [sflag:s22], s20  }
0x9f: {  	s3 =	ssub.s32 $0x0, s20;
	[sflag:s22] =	ssyncset.done $0x0  }
0xa0: {  	[sflag:s22] =	ssyncadd.s32 s3;
	_ =	sdelay $0x1  }
0xa1: {  	s23 =	simm.s32 $0x1B8B  }
0xa2: {  	_ =	swait.ge [sflag:s23], $0x1  }
0xa3: {  	[sflag:s23] =	ssyncset.done $0x0  }
0xa4: {  	s25 =	simm.s32 $0x1B8E;
	s24 =	sld [smem:$0x3FFE];
	[sflag:s23] =	ssyncadd.s32 $0xFFFFFFFF  }
0xa5: {  	s26 =	simm.s32 $execute0_lowered;
	[smem:$0x3FD2] =	sst s25  }
0xa6: {  	s4 =	sshll.u32 s26, $0x1;
	_ =	strace $0x80000049;
	[dreg:$0x1] =	wrdreg $0xFFFFFFFF  }
0xa7: {  	s28 =	simm.s32 $_size_execute0_lowered;
	s2 =	sadd.s32 s2, s4;
	[dreg:$0x0] =	wrdreg $0x0  }
0xa8: {  	s4 =	sshll.u32 s28, $0x1;
	[dreg:$0x2] =	wrdreg s2  }
0xa9: {  	[dreg:$0x3] =	wrdreg s4  }
0xaa: {  	[dreg:$0x4] =	wrdreg $0xC0  }
0xab: {  	_ =	task [dreg:s6], $0x5FFFF  }
0xac: {  	[dreg:$0x1] =	wrdreg $0xFFFFFFFF  }
0xad: {  	[dreg:$0x0] =	wrdreg $0x60  }
0xae: {  	[dreg:$0x2] =	wrdreg s24  }
0xaf: {  	[dreg:$0x3] =	wrdreg $0x90000  }
0xb0: {  	[dreg:$0x4] =	wrdreg $0x9  }
0xb1: {  	_ =	task.clear_ibuf [dreg:s6], $0x5FFFF;
	_ =	strace $0x90000049  }
0xb2: {  	s29 =	simm.s32 $0x9;
	_ =	strace $0x8000004B  }
0xb3: {  	_ =	swait.ge [sflag:s29], $0x1  }
0xb4: {  	[sflag:s29] =	ssyncadd.s32 $0xFFFFFFFF  }
0xb5: {  	_ =	strace $0x9000004B  }
0xb6: {  	_ =	sfence  }
0xb7: {  	s30 =	sld [smem:$0x0];
	_ =	sdelay $0x2  }
0xb8: {  	s31 =	sshll.u32 s1, $0xD;
	s1 =	sshrl.u32 s1, $0x2  }
0xb9: {  	s3 =	sand.u32 $0x4000, s31;
	s1 =	sadd.s32 s1, s30  }
0xba: {  	s0 =	sor.u32 s3, s0;
	s1 =	sshll.u32 s1, $0x11  }
0xbb: {  	s0 =	sor.u32 s1, s0  }
0xbc: {  	s0 =	sadd.s32 $0x8F2B, s0  }
0xbd: {  	[sflag:s0] =	ssyncadd.remote.s32 $0x1  }
0xbe: {  	_ =	sfence.sel $0xFFFF  }
0xbf: {  	[dreg:$0x0] =	wrdreg $0xFFFFFFFF;
	(pc) =	sbr.abs _section_cstart, $3  }
0xc0: {  	[dreg:$0x1] =	wrdreg $0xFFFFFFFF  }
0xc1: {  	_ =	task.clear_ibuf [dreg:s6], $0x2FFFF;
	_ =	strace $0x9FFFFFFF  }
0xc2: {  	(tm) =	ssettm $0x7FFFFFFF  }
0xc3: {  	_ =	shalt  }
tec
execute0_lowered:
.L_overlay_start_1:
0x0: {  	(tag) =	ssettag $0x1  }
0x1: {  	s5 =	rddreg [dreg:$0x0]  }
0x2: {  	s2 =	rddreg [dreg:$0x1];
	s3 =	simm.s32 $0x0  }
0x3: {  	s0 =	stileid.u32;
	s7 =	srdreg.scid;
	s20 =	simm.s32 $0x5000  }
0x4: {  	s21 =	simm.s32 $0x7000;
	s22 =	simm.s32 $0x1;
	s28 =	simm.s32 $0x0  }
0x5: {  	[smem:$0x7FF] =	sst s3;
	s11 =	smul.u32 $0x5000, s0;
	s4 =	sadd.s32 $0x15B800, s5  }
0x6: {  	s12 =	smul.u32 $0x13C00, s0;
	s13 =	sadd.s32 $0x97400, s5;
	s7 =	sand.u32 $0x1, s7  }
0x7: {  	s9 =	smul.u32 $0x4F000, s0;
	s16 =	sadd.s32 $0x1F7C00, s5;
	s25 =	sshll.u32 s0, $0x6  }
0x8: {  	_ =	strace $0x8000004A;
	s24 =	ssub.s32 $0x2, s7;
	s15 =	smul.u32 $0xA0000, s7  }
0x9: {  	s29 =	smul.u32 $0x278000, s7;
	s30 =	sshllo.u32 s7, $0x1;
	s6 =	sshrl.u32 s11, $0x3  }
0xa: {  	s8 =	sshrl.u32 s12, $0x3;
	s14 =	sshrl.u32 s24, $0x1;
	s9 =	sshrl.u32 s9, $0x2  }
0xb: {  	s19 =	smul.u32 $0x50000, s30;
	s10 =	sadd.s32 s6, s5;
	s23 =	sadd.s32 s8, s5  }
0xc: {  	s17 =	ssub.s32 s24, s14;
	s18 =	sadd.s32 s9, s2;
	s26 =	sadd.s32 s11, s15  }
0xd: {  	s6 =	sor.u32 $0x1C03, s25;
	s15 =	smul.u32 $0x13C000, s30;
	s14 =	sadd.s32 s12, s29  }
0xe: {  	s24 =	simm.s32 $0x2780;
	s25 =	simm.s32 $0x4F00;
	s5 =	sadd.s32 $0x20C00, s23  }
0xf: {  	s8 =	sshrl.u32 s26, $0x3;
	s11 =	sadd.s32 s11, s19;
	s14 =	sshrl.u32 s14, $0x3  }
0x10: {  	s23 =	simm.s32 $0x2;
	s26 =	simm.s32 $0x4F80;
	s7 =	sadd.s32 s13, s8  }
0x11: {  	s8 =	sadd.s32 $0x16C00, s10;
	s10 =	sadd.s32 $0x17100, s10;
	s19 =	sshrl.u32 s11, $0x3  }
0x12: {  	s15 =	sadd.s32 s12, s15;
	s11 =	sadd.s32 s16, s14;
	s9 =	sadd.s32 $0x500, s7  }
0x13: {  	s12 =	sadd.s32 s13, s19;
	s31 =	sshrl.u32 s15, $0x3;
	s15 =	smax.u32 s17, $0x1  }
0x14: {  	s17 =	simm.s32 $0x3;
	s19 =	simm.s32 $0x40;
	s13 =	sadd.s32 $0x500, s12  }
0x15: {  	s14 =	sadd.s32 s16, s31;
	s16 =	sshrl.u32 s18, $0x3;
	s18 =	simm.s32 $0x2800  }
.LBB2_1:
0x16: {  	[spmem:s16], [sflag:s6] =	dma.local [hbm:s5], $0x2780  }
0x17: {  	_ =	swait.ge [sflag:s17], $0x2780  }
0x18: {  	[sflag:s17] =	ssyncset.done $0x0  }
0x19: {  	[sflag:s17] =	ssyncadd.s32 $0xFFFFD880  }
0x1a: {  	[bflag:$0x0] =	sbarrier.arrive $0xFFFF  }
0x1b: {  	[tilespmem:s3], [sflag:$0x3] =	stream.linear.gather [hbm4b:s7+s3], $0x2800, $0x38;
	[tilespmem:$0x1CC00] =	vst v63  }
0x1c: {  	_ =	swait.ge [sflag:s17], $0x2800  }
0x1d: {  	[sflag:s17] =	ssyncset.done $0x0  }
0x1e: {  	[sflag:s17] =	ssyncadd.s32 $0xFFFFD800  }
0x1f: {  	[tilespmem:s18], [sflag:$0x3] =	stream.linear.gather [hbm4b:s8+s3], $0x2800, $0x38;
	[tilespmem:$0x1CC00] =	vst v63  }
0x20: {  	_ =	swait.ge [sflag:s17], $0x2800  }
0x21: {  	[sflag:s17] =	ssyncset.done $0x0  }
0x22: {  	[sflag:s17] =	ssyncadd.s32 $0xFFFFD800  }
0x23: {  	[tilespmem:s20], [sflag:$0x1] =	stream.indirect.gather [hbm4b:s4+s19], $0x80, s3, s19, $0xb8;
	[tilespmem:$0x1CC00] =	vst v63  }
0x24: {  	s29 =	simm.s32 $0x80  }
0x25: {  	[tilespmem:s21], [sflag:$0x2] =	stream.indirect.gather [hbm4b:s4+s19], $0x80, s29, s19, $0xb8;
	[tilespmem:$0x1CC00] =	vst v63  }
0x26: {  	_ =	swait.ge [sflag:s22], $0x2000  }
0x27: {  	[sflag:s22] =	ssyncset.done $0x0  }
0x28: {  	s29 =	simm.s32 $0x2800;
	[sflag:s22] =	ssyncadd.s32 $0xFFFFE000  }
0x29: {  	[spmem:s2] =	stream.indirect.scatter.add.f32 [tilespmem:s20], [sflag:$0x3], $0x80, s29, s19, $0xb8;
	[tilespmem:$0x1CC00] =	vst v63  }
0x2a: {  	_ =	swait.ge [sflag:s17], $0x2000  }
0x2b: {  	[sflag:s17] =	ssyncset.done $0x0  }
0x2c: {  	s29 =	simm.s32 $0x100;
	[sflag:s17] =	ssyncadd.s32 $0xFFFFE000  }
0x2d: {  	[tilespmem:s20], [sflag:$0x1] =	stream.indirect.gather [hbm4b:s4+s19], $0x80, s29, s19, $0xb8;
	[tilespmem:$0x1CC00] =	vst v63  }
0x2e: {  	_ =	swait.ge [sflag:s23], $0x2000  }
0x2f: {  	[sflag:s23] =	ssyncset.done $0x0  }
0x30: {  	s29 =	simm.s32 $0x2880;
	[sflag:s23] =	ssyncadd.s32 $0xFFFFE000  }
0x31: {  	[spmem:s2] =	stream.indirect.scatter.add.f32 [tilespmem:s21], [sflag:$0x3], $0x80, s29, s19, $0xb8;
	[tilespmem:$0x1CC00] =	vst v63  }
0x32: {  	_ =	swait.ge [sflag:s17], $0x2000  }
0x33: {  	s30 =	simm.s32 $0x800;
	s29 =	simm.s32 $0x100;
	[sflag:s17] =	ssyncset.done $0x0  }
.LBB2_2:
0x34: {  	s31 =	sadd.s32 $0x80, s29  }
0x35: {  	[sflag:s17] =	ssyncadd.s32 $0xFFFFE000;
	s0 =	smov.u32 s30;
	s1 =	sadd.s32 $0x400, s30  }
0x36: {  	[tilespmem:s21], [sflag:$0x2] =	stream.indirect.gather [hbm4b:s4+s19], $0x80, s31, s19, $0xb8;
	[tilespmem:$0x1CC00] =	vst v63  }
0x37: {  	p0 =	sne.s32 s30, $0x9800;
	_ =	swait.ge [sflag:s22], $0x2000  }
0x38: {  	[sflag:s22] =	ssyncset.done $0x0  }
0x39: {  	s30 =	sadd.s32 $0x2800, s29;
	[sflag:s22] =	ssyncadd.s32 $0xFFFFE000  }
0x3a: {  	[spmem:s2] =	stream.indirect.scatter.add.f32 [tilespmem:s20], [sflag:$0x3], $0x80, s30, s19, $0xb8;
	[tilespmem:$0x1CC00] =	vst v63  }
0x3b: {  	_ =	swait.ge [sflag:s17], $0x2000  }
0x3c: {  	[sflag:s17] =	ssyncset.done $0x0  }
0x3d: {  	s30 =	sadd.s32 $0x100, s29;
	[sflag:s17] =	ssyncadd.s32 $0xFFFFE000  }
0x3e: {  	[tilespmem:s20], [sflag:$0x1] =	stream.indirect.gather [hbm4b:s4+s19], $0x80, s30, s19, $0xb8;
	[tilespmem:$0x1CC00] =	vst v63  }
0x3f: {  	_ =	swait.ge [sflag:s23], $0x2000  }
.Ltmp0:
0x40: {  	[sflag:s23] =	ssyncset.done $0x0;
	(pc) =	sbr.rel @p0 .LBB2_2-.Ltmp0, $4  }
0x41: {  	s29 =	sadd.s32 $0x2880, s29;
	[sflag:s23] =	ssyncadd.s32 $0xFFFFE000  }
0x42: {  	[spmem:s2] =	stream.indirect.scatter.add.f32 [tilespmem:s21], [sflag:$0x3], $0x80, s29, s19, $0xb8;
	[tilespmem:$0x1CC00] =	vst v63  }
0x43: {  	_ =	swait.ge [sflag:s17], $0x2000  }
0x44: {  	s30 =	smov.u32 s1;
	s29 =	sshra.s32 s0, $0x2;
	[sflag:s17] =	ssyncset.done $0x0  }
0x45: {  	s0 =	sadd.s32 $0x80, s29;
	[sflag:s17] =	ssyncadd.s32 $0xFFFFE000  }
0x46: {  	[tilespmem:s21], [sflag:$0x2] =	stream.indirect.gather [hbm4b:s4+s19], $0x80, s0, s19, $0xb8;
	[tilespmem:$0x1CC00] =	vst v63  }
0x47: {  	_ =	swait.ge [sflag:s22], $0x2000  }
0x48: {  	[sflag:s22] =	ssyncset.done $0x0  }
0x49: {  	s1 =	sadd.s32 $0x2800, s29;
	[sflag:s22] =	ssyncadd.s32 $0xFFFFE000  }
0x4a: {  	[spmem:s2] =	stream.indirect.scatter.add.f32 [tilespmem:s20], [sflag:$0x3], $0x80, s1, s19, $0xb8;
	[tilespmem:$0x1CC00] =	vst v63  }
0x4b: {  	_ =	swait.ge [sflag:s17], $0x2000  }
0x4c: {  	[sflag:s17] =	ssyncset.done $0x0  }
0x4d: {  	s31 =	sadd.s32 $0x100, s29;
	[sflag:s17] =	ssyncadd.s32 $0xFFFFE000  }
0x4e: {  	[tilespmem:s20], [sflag:$0x1] =	stream.indirect.gather [hbm4b:s4+s19], $0x80, s31, s19, $0xb8;
	[tilespmem:$0x1CC00] =	vst v63  }
0x4f: {  	_ =	swait.ge [sflag:s23], $0x2000  }
0x50: {  	[sflag:s23] =	ssyncset.done $0x0  }
0x51: {  	s1 =	sadd.s32 $0x2880, s29;
	[sflag:s23] =	ssyncadd.s32 $0xFFFFE000  }
0x52: {  	[spmem:s2] =	stream.indirect.scatter.add.f32 [tilespmem:s21], [sflag:$0x3], $0x80, s1, s19, $0xb8;
	[tilespmem:$0x1CC00] =	vst v63  }
0x53: {  	_ =	swait.ge [sflag:s17], $0x2000  }
0x54: {  	[sflag:s17] =	ssyncset.done $0x0  }
0x55: {  	[sflag:s17] =	ssyncadd.s32 $0xFFFFE000  }
0x56: {  	[tilespmem:s21], [sflag:$0x2] =	stream.indirect.gather [hbm4b:s4+s19], $0x80, s24, s19, $0xb8;
	[tilespmem:$0x1CC00] =	vst v63  }
0x57: {  	_ =	swait.ge [sflag:s22], $0x2000  }
0x58: {  	[sflag:s22] =	ssyncset.done $0x0  }
0x59: {  	[sflag:s22] =	ssyncadd.s32 $0xFFFFE000  }
0x5a: {  	[spmem:s2] =	stream.indirect.scatter.add.f32 [tilespmem:s20], [sflag:$0x3], $0x80, s25, s19, $0xb8;
	[tilespmem:$0x1CC00] =	vst v63  }
0x5b: {  	_ =	swait.ge [sflag:s17], $0x2000  }
0x5c: {  	[sflag:s17] =	ssyncset.done $0x0  }
0x5d: {  	[sflag:s17] =	ssyncadd.s32 $0xFFFFE000  }
0x5e: {  	[tilespmem:s20], [sflag:$0x1] =	stream.indirect.gather [hbm4b:s4+s19], $0x80, s24, s19, $0xb8;
	[tilespmem:$0x1CC00] =	vst v63  }
0x5f: {  	_ =	swait.ge [sflag:s23], $0x2000  }
0x60: {  	[sflag:s23] =	ssyncset.done $0x0  }
0x61: {  	[sflag:s23] =	ssyncadd.s32 $0xFFFFE000  }
0x62: {  	[spmem:s2] =	stream.indirect.scatter.add.f32 [tilespmem:s21], [sflag:$0x3], $0x80, s26, s19, $0xb8;
	[tilespmem:$0x1CC00] =	vst v63  }
0x63: {  	_ =	swait.ge [sflag:s17], $0x2000  }
0x64: {  	[sflag:s17] =	ssyncset.done $0x0  }
0x65: {  	[sflag:s17] =	ssyncadd.s32 $0xFFFFE000  }
0x66: {  	_ =	swait.ge [sflag:s22], $0x2000  }
0x67: {  	[sflag:s22] =	ssyncset.done $0x0  }
0x68: {  	s31 =	simm.s32 $0x0;
	[sflag:s22] =	ssyncadd.s32 $0xFFFFE000  }
0x69: {  	[tilespmem:s31], [sflag:$0x3] =	stream.linear.gather [hbm4b:s9+s31], $0x2800, $0x38;
	[tilespmem:$0x1CC00] =	vst v63  }
0x6a: {  	_ =	swait.ge [sflag:s17], $0x2800  }
0x6b: {  	[sflag:s17] =	ssyncset.done $0x0  }
0x6c: {  	[sflag:s17] =	ssyncadd.s32 $0xFFFFD800  }
0x6d: {  	[tilespmem:s18], [sflag:$0x3] =	stream.linear.gather [hbm4b:s10+s31], $0x2800, $0x38;
	[tilespmem:$0x1CC00] =	vst v63  }
0x6e: {  	_ =	swait.ge [sflag:s17], $0x2800  }
0x6f: {  	[sflag:s17] =	ssyncset.done $0x0  }
0x70: {  	[sflag:s17] =	ssyncadd.s32 $0xFFFFD800  }
0x71: {  	[tilespmem:s20], [sflag:$0x1] =	stream.indirect.gather [hbm4b:s4+s19], $0x80, s31, s19, $0xb8;
	[tilespmem:$0x1CC00] =	vst v63  }
0x72: {  	s1 =	simm.s32 $0x80  }
0x73: {  	[tilespmem:s21], [sflag:$0x2] =	stream.indirect.gather [hbm4b:s4+s19], $0x80, s1, s19, $0xb8;
	[tilespmem:$0x1CC00] =	vst v63  }
0x74: {  	_ =	swait.ge [sflag:s22], $0x2000  }
0x75: {  	[sflag:s22] =	ssyncset.done $0x0  }
0x76: {  	s31 =	simm.s32 $0x2800;
	[sflag:s22] =	ssyncadd.s32 $0xFFFFE000  }
0x77: {  	[spmem:s2] =	stream.indirect.scatter.add.f32 [tilespmem:s20], [sflag:$0x3], $0x80, s31, s19, $0xb8;
	[tilespmem:$0x1CC00] =	vst v63  }
0x78: {  	_ =	swait.ge [sflag:s17], $0x2000  }
0x79: {  	[sflag:s17] =	ssyncset.done $0x0  }
0x7a: {  	s1 =	simm.s32 $0x100;
	[sflag:s17] =	ssyncadd.s32 $0xFFFFE000  }
0x7b: {  	[tilespmem:s20], [sflag:$0x1] =	stream.indirect.gather [hbm4b:s4+s19], $0x80, s1, s19, $0xb8;
	[tilespmem:$0x1CC00] =	vst v63  }
0x7c: {  	_ =	swait.ge [sflag:s23], $0x2000  }
0x7d: {  	[sflag:s23] =	ssyncset.done $0x0  }
0x7e: {  	s31 =	simm.s32 $0x2880;
	[sflag:s23] =	ssyncadd.s32 $0xFFFFE000  }
0x7f: {  	[spmem:s2] =	stream.indirect.scatter.add.f32 [tilespmem:s21], [sflag:$0x3], $0x80, s31, s19, $0xb8;
	[tilespmem:$0x1CC00] =	vst v63  }
0x80: {  	_ =	swait.ge [sflag:s17], $0x2000  }
0x81: {  	s30 =	simm.s32 $0x800;
	s29 =	simm.s32 $0x100;
	[sflag:s17] =	ssyncset.done $0x0  }
.LBB2_4:
0x82: {  	s0 =	sadd.s32 $0x80, s29  }
0x83: {  	[sflag:s17] =	ssyncadd.s32 $0xFFFFE000;
	s1 =	smov.u32 s30;
	s31 =	sadd.s32 $0x400, s30  }
0x84: {  	[tilespmem:s21], [sflag:$0x2] =	stream.indirect.gather [hbm4b:s4+s19], $0x80, s0, s19, $0xb8;
	[tilespmem:$0x1CC00] =	vst v63  }
0x85: {  	p0 =	sne.s32 s30, $0x9800;
	_ =	swait.ge [sflag:s22], $0x2000  }
0x86: {  	[sflag:s22] =	ssyncset.done $0x0  }
0x87: {  	s0 =	sadd.s32 $0x2800, s29;
	[sflag:s22] =	ssyncadd.s32 $0xFFFFE000  }
0x88: {  	[spmem:s2] =	stream.indirect.scatter.add.f32 [tilespmem:s20], [sflag:$0x3], $0x80, s0, s19, $0xb8;
	[tilespmem:$0x1CC00] =	vst v63  }
0x89: {  	_ =	swait.ge [sflag:s17], $0x2000  }
0x8a: {  	[sflag:s17] =	ssyncset.done $0x0  }
0x8b: {  	s0 =	sadd.s32 $0x100, s29;
	[sflag:s17] =	ssyncadd.s32 $0xFFFFE000  }
0x8c: {  	[tilespmem:s20], [sflag:$0x1] =	stream.indirect.gather [hbm4b:s4+s19], $0x80, s0, s19, $0xb8;
	[tilespmem:$0x1CC00] =	vst v63  }
0x8d: {  	_ =	swait.ge [sflag:s23], $0x2000  }
.Ltmp1:
0x8e: {  	[sflag:s23] =	ssyncset.done $0x0;
	(pc) =	sbr.rel @p0 .LBB2_4-.Ltmp1, $4  }
0x8f: {  	s0 =	sadd.s32 $0x2880, s29;
	[sflag:s23] =	ssyncadd.s32 $0xFFFFE000  }
0x90: {  	[spmem:s2] =	stream.indirect.scatter.add.f32 [tilespmem:s21], [sflag:$0x3], $0x80, s0, s19, $0xb8;
	[tilespmem:$0x1CC00] =	vst v63  }
0x91: {  	_ =	swait.ge [sflag:s17], $0x2000  }
0x92: {  	s30 =	smov.u32 s31;
	s29 =	sshra.s32 s1, $0x2;
	[sflag:s17] =	ssyncset.done $0x0  }
0x93: {  	s0 =	sadd.s32 $0x80, s29;
	[sflag:s17] =	ssyncadd.s32 $0xFFFFE000  }
0x94: {  	[tilespmem:s21], [sflag:$0x2] =	stream.indirect.gather [hbm4b:s4+s19], $0x80, s0, s19, $0xb8;
	[tilespmem:$0x1CC00] =	vst v63  }
0x95: {  	_ =	swait.ge [sflag:s22], $0x2000  }
0x96: {  	[sflag:s22] =	ssyncset.done $0x0  }
0x97: {  	s1 =	sadd.s32 $0x2800, s29;
	[sflag:s22] =	ssyncadd.s32 $0xFFFFE000  }
0x98: {  	[spmem:s2] =	stream.indirect.scatter.add.f32 [tilespmem:s20], [sflag:$0x3], $0x80, s1, s19, $0xb8;
	[tilespmem:$0x1CC00] =	vst v63  }
0x99: {  	_ =	swait.ge [sflag:s17], $0x2000  }
0x9a: {  	[sflag:s17] =	ssyncset.done $0x0  }
0x9b: {  	s31 =	sadd.s32 $0x100, s29;
	[sflag:s17] =	ssyncadd.s32 $0xFFFFE000  }
0x9c: {  	[tilespmem:s20], [sflag:$0x1] =	stream.indirect.gather [hbm4b:s4+s19], $0x80, s31, s19, $0xb8;
	[tilespmem:$0x1CC00] =	vst v63  }
0x9d: {  	_ =	swait.ge [sflag:s23], $0x2000  }
0x9e: {  	[sflag:s23] =	ssyncset.done $0x0  }
0x9f: {  	s1 =	sadd.s32 $0x2880, s29;
	[sflag:s23] =	ssyncadd.s32 $0xFFFFE000  }
0xa0: {  	[spmem:s2] =	stream.indirect.scatter.add.f32 [tilespmem:s21], [sflag:$0x3], $0x80, s1, s19, $0xb8;
	[tilespmem:$0x1CC00] =	vst v63  }
0xa1: {  	_ =	swait.ge [sflag:s17], $0x2000  }
0xa2: {  	[sflag:s17] =	ssyncset.done $0x0  }
0xa3: {  	[sflag:s17] =	ssyncadd.s32 $0xFFFFE000  }
0xa4: {  	[tilespmem:s21], [sflag:$0x2] =	stream.indirect.gather [hbm4b:s4+s19], $0x80, s24, s19, $0xb8;
	[tilespmem:$0x1CC00] =	vst v63  }
0xa5: {  	_ =	swait.ge [sflag:s22], $0x2000  }
0xa6: {  	[sflag:s22] =	ssyncset.done $0x0  }
0xa7: {  	[sflag:s22] =	ssyncadd.s32 $0xFFFFE000  }
0xa8: {  	[spmem:s2] =	stream.indirect.scatter.add.f32 [tilespmem:s20], [sflag:$0x3], $0x80, s25, s19, $0xb8;
	[tilespmem:$0x1CC00] =	vst v63  }
0xa9: {  	_ =	swait.ge [sflag:s17], $0x2000  }
0xaa: {  	[sflag:s17] =	ssyncset.done $0x0  }
0xab: {  	[sflag:s17] =	ssyncadd.s32 $0xFFFFE000  }
0xac: {  	[tilespmem:s20], [sflag:$0x1] =	stream.indirect.gather [hbm4b:s4+s19], $0x80, s24, s19, $0xb8;
	[tilespmem:$0x1CC00] =	vst v63  }
0xad: {  	_ =	swait.ge [sflag:s23], $0x2000  }
0xae: {  	[sflag:s23] =	ssyncset.done $0x0  }
0xaf: {  	[sflag:s23] =	ssyncadd.s32 $0xFFFFE000  }
0xb0: {  	[spmem:s2] =	stream.indirect.scatter.add.f32 [tilespmem:s21], [sflag:$0x3], $0x80, s26, s19, $0xb8;
	[tilespmem:$0x1CC00] =	vst v63  }
0xb1: {  	_ =	swait.ge [sflag:s17], $0x2000  }
0xb2: {  	[sflag:s17] =	ssyncset.done $0x0  }
0xb3: {  	[sflag:s17] =	ssyncadd.s32 $0xFFFFE000  }
0xb4: {  	_ =	swait.ge [sflag:s22], $0x2000  }
0xb5: {  	[sflag:s22] =	ssyncset.done $0x0  }
0xb6: {  	[sflag:s22] =	ssyncadd.s32 $0xFFFFE000  }
0xb7: {  	[bflag:$0x0] =	sbarrier.arrive $0xFFFF  }
0xb8: {  	[hbm:s11], [sflag:s6] =	dma.local [spmem:s16], $0x2780  }
0xb9: {  	_ =	swait.ge [sflag:s17], $0x2780  }
0xba: {  	[sflag:s17] =	ssyncset.done $0x0  }
0xbb: {  	[sflag:s17] =	ssyncadd.s32 $0xFFFFD880  }
0xbc: {  	[bflag:$0x0] =	sbarrier.arrive $0xFFFF  }
0xbd: {  	[spmem:s16], [sflag:s6] =	dma.local [hbm:s5], $0x2780  }
0xbe: {  	_ =	swait.ge [sflag:s17], $0x2780  }
0xbf: {  	[sflag:s17] =	ssyncset.done $0x0  }
0xc0: {  	[sflag:s17] =	ssyncadd.s32 $0xFFFFD880  }
0xc1: {  	s31 =	simm.s32 $0x0;
	[bflag:$0x0] =	sbarrier.arrive $0xFFFF  }
0xc2: {  	[tilespmem:s31], [sflag:$0x3] =	stream.linear.gather [hbm4b:s12+s31], $0x2800, $0x38;
	[tilespmem:$0x1CC00] =	vst v63  }
0xc3: {  	_ =	swait.ge [sflag:s17], $0x2800  }
0xc4: {  	[sflag:s17] =	ssyncset.done $0x0  }
0xc5: {  	[sflag:s17] =	ssyncadd.s32 $0xFFFFD800  }
0xc6: {  	[tilespmem:s18], [sflag:$0x3] =	stream.linear.gather [hbm4b:s8+s31], $0x2800, $0x38;
	[tilespmem:$0x1CC00] =	vst v63  }
0xc7: {  	_ =	swait.ge [sflag:s17], $0x2800  }
0xc8: {  	[sflag:s17] =	ssyncset.done $0x0  }
0xc9: {  	[sflag:s17] =	ssyncadd.s32 $0xFFFFD800  }
0xca: {  	[tilespmem:s20], [sflag:$0x1] =	stream.indirect.gather [hbm4b:s4+s19], $0x80, s31, s19, $0xb8;
	[tilespmem:$0x1CC00] =	vst v63  }
0xcb: {  	s1 =	simm.s32 $0x80  }
0xcc: {  	[tilespmem:s21], [sflag:$0x2] =	stream.indirect.gather [hbm4b:s4+s19], $0x80, s1, s19, $0xb8;
	[tilespmem:$0x1CC00] =	vst v63  }
0xcd: {  	_ =	swait.ge [sflag:s22], $0x2000  }
0xce: {  	[sflag:s22] =	ssyncset.done $0x0  }
0xcf: {  	s31 =	simm.s32 $0x2800;
	[sflag:s22] =	ssyncadd.s32 $0xFFFFE000  }
0xd0: {  	[spmem:s2] =	stream.indirect.scatter.add.f32 [tilespmem:s20], [sflag:$0x3], $0x80, s31, s19, $0xb8;
	[tilespmem:$0x1CC00] =	vst v63  }
0xd1: {  	_ =	swait.ge [sflag:s17], $0x2000  }
0xd2: {  	[sflag:s17] =	ssyncset.done $0x0  }
0xd3: {  	s1 =	simm.s32 $0x100;
	[sflag:s17] =	ssyncadd.s32 $0xFFFFE000  }
0xd4: {  	[tilespmem:s20], [sflag:$0x1] =	stream.indirect.gather [hbm4b:s4+s19], $0x80, s1, s19, $0xb8;
	[tilespmem:$0x1CC00] =	vst v63  }
0xd5: {  	_ =	swait.ge [sflag:s23], $0x2000  }
0xd6: {  	[sflag:s23] =	ssyncset.done $0x0  }
0xd7: {  	s31 =	simm.s32 $0x2880;
	[sflag:s23] =	ssyncadd.s32 $0xFFFFE000  }
0xd8: {  	[spmem:s2] =	stream.indirect.scatter.add.f32 [tilespmem:s21], [sflag:$0x3], $0x80, s31, s19, $0xb8;
	[tilespmem:$0x1CC00] =	vst v63  }
0xd9: {  	_ =	swait.ge [sflag:s17], $0x2000  }
0xda: {  	s30 =	simm.s32 $0x800;
	s29 =	simm.s32 $0x100;
	[sflag:s17] =	ssyncset.done $0x0  }
.LBB2_6:
0xdb: {  	s0 =	sadd.s32 $0x80, s29  }
0xdc: {  	[sflag:s17] =	ssyncadd.s32 $0xFFFFE000;
	s1 =	smov.u32 s30;
	s31 =	sadd.s32 $0x400, s30  }
0xdd: {  	[tilespmem:s21], [sflag:$0x2] =	stream.indirect.gather [hbm4b:s4+s19], $0x80, s0, s19, $0xb8;
	[tilespmem:$0x1CC00] =	vst v63  }
0xde: {  	p0 =	sne.s32 s30, $0x9800;
	_ =	swait.ge [sflag:s22], $0x2000  }
0xdf: {  	[sflag:s22] =	ssyncset.done $0x0  }
0xe0: {  	s0 =	sadd.s32 $0x2800, s29;
	[sflag:s22] =	ssyncadd.s32 $0xFFFFE000  }
0xe1: {  	[spmem:s2] =	stream.indirect.scatter.add.f32 [tilespmem:s20], [sflag:$0x3], $0x80, s0, s19, $0xb8;
	[tilespmem:$0x1CC00] =	vst v63  }
0xe2: {  	_ =	swait.ge [sflag:s17], $0x2000  }
0xe3: {  	[sflag:s17] =	ssyncset.done $0x0  }
0xe4: {  	s0 =	sadd.s32 $0x100, s29;
	[sflag:s17] =	ssyncadd.s32 $0xFFFFE000  }
0xe5: {  	[tilespmem:s20], [sflag:$0x1] =	stream.indirect.gather [hbm4b:s4+s19], $0x80, s0, s19, $0xb8;
	[tilespmem:$0x1CC00] =	vst v63  }
0xe6: {  	_ =	swait.ge [sflag:s23], $0x2000  }
.Ltmp2:
0xe7: {  	[sflag:s23] =	ssyncset.done $0x0;
	(pc) =	sbr.rel @p0 .LBB2_6-.Ltmp2, $4  }
0xe8: {  	s0 =	sadd.s32 $0x2880, s29;
	[sflag:s23] =	ssyncadd.s32 $0xFFFFE000  }
0xe9: {  	[spmem:s2] =	stream.indirect.scatter.add.f32 [tilespmem:s21], [sflag:$0x3], $0x80, s0, s19, $0xb8;
	[tilespmem:$0x1CC00] =	vst v63  }
0xea: {  	_ =	swait.ge [sflag:s17], $0x2000  }
0xeb: {  	s30 =	smov.u32 s31;
	s29 =	sshra.s32 s1, $0x2;
	[sflag:s17] =	ssyncset.done $0x0  }
0xec: {  	s0 =	sadd.s32 $0x80, s29;
	[sflag:s17] =	ssyncadd.s32 $0xFFFFE000  }
0xed: {  	[tilespmem:s21], [sflag:$0x2] =	stream.indirect.gather [hbm4b:s4+s19], $0x80, s0, s19, $0xb8;
	[tilespmem:$0x1CC00] =	vst v63  }
0xee: {  	_ =	swait.ge [sflag:s22], $0x2000  }
0xef: {  	[sflag:s22] =	ssyncset.done $0x0  }
0xf0: {  	s1 =	sadd.s32 $0x2800, s29;
	[sflag:s22] =	ssyncadd.s32 $0xFFFFE000  }
0xf1: {  	[spmem:s2] =	stream.indirect.scatter.add.f32 [tilespmem:s20], [sflag:$0x3], $0x80, s1, s19, $0xb8;
	[tilespmem:$0x1CC00] =	vst v63  }
0xf2: {  	_ =	swait.ge [sflag:s17], $0x2000  }
0xf3: {  	[sflag:s17] =	ssyncset.done $0x0  }
0xf4: {  	s31 =	sadd.s32 $0x100, s29;
	[sflag:s17] =	ssyncadd.s32 $0xFFFFE000  }
0xf5: {  	[tilespmem:s20], [sflag:$0x1] =	stream.indirect.gather [hbm4b:s4+s19], $0x80, s31, s19, $0xb8;
	[tilespmem:$0x1CC00] =	vst v63  }
0xf6: {  	_ =	swait.ge [sflag:s23], $0x2000  }
0xf7: {  	[sflag:s23] =	ssyncset.done $0x0  }
0xf8: {  	s1 =	sadd.s32 $0x2880, s29;
	[sflag:s23] =	ssyncadd.s32 $0xFFFFE000  }
0xf9: {  	[spmem:s2] =	stream.indirect.scatter.add.f32 [tilespmem:s21], [sflag:$0x3], $0x80, s1, s19, $0xb8;
	[tilespmem:$0x1CC00] =	vst v63  }
0xfa: {  	_ =	swait.ge [sflag:s17], $0x2000  }
0xfb: {  	[sflag:s17] =	ssyncset.done $0x0  }
0xfc: {  	[sflag:s17] =	ssyncadd.s32 $0xFFFFE000  }
0xfd: {  	[tilespmem:s21], [sflag:$0x2] =	stream.indirect.gather [hbm4b:s4+s19], $0x80, s24, s19, $0xb8;
	[tilespmem:$0x1CC00] =	vst v63  }
0xfe: {  	_ =	swait.ge [sflag:s22], $0x2000  }
0xff: {  	[sflag:s22] =	ssyncset.done $0x0  }
0x100: {  	[sflag:s22] =	ssyncadd.s32 $0xFFFFE000  }
0x101: {  	[spmem:s2] =	stream.indirect.scatter.add.f32 [tilespmem:s20], [sflag:$0x3], $0x80, s25, s19, $0xb8;
	[tilespmem:$0x1CC00] =	vst v63  }
0x102: {  	_ =	swait.ge [sflag:s17], $0x2000  }
0x103: {  	[sflag:s17] =	ssyncset.done $0x0  }
0x104: {  	[sflag:s17] =	ssyncadd.s32 $0xFFFFE000  }
0x105: {  	[tilespmem:s20], [sflag:$0x1] =	stream.indirect.gather [hbm4b:s4+s19], $0x80, s24, s19, $0xb8;
	[tilespmem:$0x1CC00] =	vst v63  }
0x106: {  	_ =	swait.ge [sflag:s23], $0x2000  }
0x107: {  	[sflag:s23] =	ssyncset.done $0x0  }
0x108: {  	[sflag:s23] =	ssyncadd.s32 $0xFFFFE000  }
0x109: {  	[spmem:s2] =	stream.indirect.scatter.add.f32 [tilespmem:s21], [sflag:$0x3], $0x80, s26, s19, $0xb8;
	[tilespmem:$0x1CC00] =	vst v63  }
0x10a: {  	_ =	swait.ge [sflag:s17], $0x2000  }
0x10b: {  	[sflag:s17] =	ssyncset.done $0x0  }
0x10c: {  	[sflag:s17] =	ssyncadd.s32 $0xFFFFE000  }
0x10d: {  	_ =	swait.ge [sflag:s22], $0x2000  }
0x10e: {  	[sflag:s22] =	ssyncset.done $0x0  }
0x10f: {  	s31 =	simm.s32 $0x0;
	[sflag:s22] =	ssyncadd.s32 $0xFFFFE000  }
0x110: {  	[tilespmem:s31], [sflag:$0x3] =	stream.linear.gather [hbm4b:s13+s31], $0x2800, $0x38;
	[tilespmem:$0x1CC00] =	vst v63  }
0x111: {  	_ =	swait.ge [sflag:s17], $0x2800  }
0x112: {  	[sflag:s17] =	ssyncset.done $0x0  }
0x113: {  	[sflag:s17] =	ssyncadd.s32 $0xFFFFD800  }
0x114: {  	[tilespmem:s18], [sflag:$0x3] =	stream.linear.gather [hbm4b:s10+s31], $0x2800, $0x38;
	[tilespmem:$0x1CC00] =	vst v63  }
0x115: {  	_ =	swait.ge [sflag:s17], $0x2800  }
0x116: {  	[sflag:s17] =	ssyncset.done $0x0  }
0x117: {  	[sflag:s17] =	ssyncadd.s32 $0xFFFFD800  }
0x118: {  	[tilespmem:s20], [sflag:$0x1] =	stream.indirect.gather [hbm4b:s4+s19], $0x80, s31, s19, $0xb8;
	[tilespmem:$0x1CC00] =	vst v63  }
0x119: {  	s1 =	simm.s32 $0x80  }
0x11a: {  	[tilespmem:s21], [sflag:$0x2] =	stream.indirect.gather [hbm4b:s4+s19], $0x80, s1, s19, $0xb8;
	[tilespmem:$0x1CC00] =	vst v63  }
0x11b: {  	_ =	swait.ge [sflag:s22], $0x2000  }
0x11c: {  	[sflag:s22] =	ssyncset.done $0x0  }
0x11d: {  	s31 =	simm.s32 $0x2800;
	[sflag:s22] =	ssyncadd.s32 $0xFFFFE000  }
0x11e: {  	[spmem:s2] =	stream.indirect.scatter.add.f32 [tilespmem:s20], [sflag:$0x3], $0x80, s31, s19, $0xb8;
	[tilespmem:$0x1CC00] =	vst v63  }
0x11f: {  	_ =	swait.ge [sflag:s17], $0x2000  }
0x120: {  	[sflag:s17] =	ssyncset.done $0x0  }
0x121: {  	s1 =	simm.s32 $0x100;
	[sflag:s17] =	ssyncadd.s32 $0xFFFFE000  }
0x122: {  	[tilespmem:s20], [sflag:$0x1] =	stream.indirect.gather [hbm4b:s4+s19], $0x80, s1, s19, $0xb8;
	[tilespmem:$0x1CC00] =	vst v63  }
0x123: {  	_ =	swait.ge [sflag:s23], $0x2000  }
0x124: {  	[sflag:s23] =	ssyncset.done $0x0  }
0x125: {  	s31 =	simm.s32 $0x2880;
	[sflag:s23] =	ssyncadd.s32 $0xFFFFE000  }
0x126: {  	[spmem:s2] =	stream.indirect.scatter.add.f32 [tilespmem:s21], [sflag:$0x3], $0x80, s31, s19, $0xb8;
	[tilespmem:$0x1CC00] =	vst v63  }
0x127: {  	_ =	swait.ge [sflag:s17], $0x2000  }
0x128: {  	s30 =	simm.s32 $0x800;
	s29 =	simm.s32 $0x100;
	[sflag:s17] =	ssyncset.done $0x0  }
.LBB2_8:
0x129: {  	s0 =	sadd.s32 $0x80, s29  }
0x12a: {  	[sflag:s17] =	ssyncadd.s32 $0xFFFFE000;
	s1 =	smov.u32 s30;
	s31 =	sadd.s32 $0x400, s30  }
0x12b: {  	[tilespmem:s21], [sflag:$0x2] =	stream.indirect.gather [hbm4b:s4+s19], $0x80, s0, s19, $0xb8;
	[tilespmem:$0x1CC00] =	vst v63  }
0x12c: {  	p0 =	sne.s32 s30, $0x9800;
	_ =	swait.ge [sflag:s22], $0x2000  }
0x12d: {  	[sflag:s22] =	ssyncset.done $0x0  }
0x12e: {  	s0 =	sadd.s32 $0x2800, s29;
	[sflag:s22] =	ssyncadd.s32 $0xFFFFE000  }
0x12f: {  	[spmem:s2] =	stream.indirect.scatter.add.f32 [tilespmem:s20], [sflag:$0x3], $0x80, s0, s19, $0xb8;
	[tilespmem:$0x1CC00] =	vst v63  }
0x130: {  	_ =	swait.ge [sflag:s17], $0x2000  }
0x131: {  	[sflag:s17] =	ssyncset.done $0x0  }
0x132: {  	s0 =	sadd.s32 $0x100, s29;
	[sflag:s17] =	ssyncadd.s32 $0xFFFFE000  }
0x133: {  	[tilespmem:s20], [sflag:$0x1] =	stream.indirect.gather [hbm4b:s4+s19], $0x80, s0, s19, $0xb8;
	[tilespmem:$0x1CC00] =	vst v63  }
0x134: {  	_ =	swait.ge [sflag:s23], $0x2000  }
.Ltmp3:
0x135: {  	[sflag:s23] =	ssyncset.done $0x0;
	(pc) =	sbr.rel @p0 .LBB2_8-.Ltmp3, $4  }
0x136: {  	s0 =	sadd.s32 $0x2880, s29;
	[sflag:s23] =	ssyncadd.s32 $0xFFFFE000  }
0x137: {  	[spmem:s2] =	stream.indirect.scatter.add.f32 [tilespmem:s21], [sflag:$0x3], $0x80, s0, s19, $0xb8;
	[tilespmem:$0x1CC00] =	vst v63  }
0x138: {  	_ =	swait.ge [sflag:s17], $0x2000  }
0x139: {  	s30 =	smov.u32 s31;
	s29 =	sshra.s32 s1, $0x2;
	[sflag:s17] =	ssyncset.done $0x0  }
0x13a: {  	s0 =	sadd.s32 $0x80, s29;
	[sflag:s17] =	ssyncadd.s32 $0xFFFFE000  }
0x13b: {  	[tilespmem:s21], [sflag:$0x2] =	stream.indirect.gather [hbm4b:s4+s19], $0x80, s0, s19, $0xb8;
	[tilespmem:$0x1CC00] =	vst v63  }
0x13c: {  	_ =	swait.ge [sflag:s22], $0x2000  }
0x13d: {  	[sflag:s22] =	ssyncset.done $0x0  }
0x13e: {  	s1 =	sadd.s32 $0x2800, s29;
	[sflag:s22] =	ssyncadd.s32 $0xFFFFE000  }
0x13f: {  	[spmem:s2] =	stream.indirect.scatter.add.f32 [tilespmem:s20], [sflag:$0x3], $0x80, s1, s19, $0xb8;
	[tilespmem:$0x1CC00] =	vst v63  }
0x140: {  	_ =	swait.ge [sflag:s17], $0x2000  }
0x141: {  	[sflag:s17] =	ssyncset.done $0x0  }
0x142: {  	s30 =	sadd.s32 $0x100, s29;
	[sflag:s17] =	ssyncadd.s32 $0xFFFFE000  }
0x143: {  	[tilespmem:s20], [sflag:$0x1] =	stream.indirect.gather [hbm4b:s4+s19], $0x80, s30, s19, $0xb8;
	[tilespmem:$0x1CC00] =	vst v63  }
0x144: {  	_ =	swait.ge [sflag:s23], $0x2000  }
0x145: {  	[sflag:s23] =	ssyncset.done $0x0  }
0x146: {  	s31 =	sadd.s32 $0x2880, s29;
	[sflag:s23] =	ssyncadd.s32 $0xFFFFE000  }
0x147: {  	[spmem:s2] =	stream.indirect.scatter.add.f32 [tilespmem:s21], [sflag:$0x3], $0x80, s31, s19, $0xb8;
	[tilespmem:$0x1CC00] =	vst v63  }
0x148: {  	_ =	swait.ge [sflag:s17], $0x2000  }
0x149: {  	[sflag:s17] =	ssyncset.done $0x0  }
0x14a: {  	[sflag:s17] =	ssyncadd.s32 $0xFFFFE000  }
0x14b: {  	[tilespmem:s21], [sflag:$0x2] =	stream.indirect.gather [hbm4b:s4+s19], $0x80, s24, s19, $0xb8;
	[tilespmem:$0x1CC00] =	vst v63  }
0x14c: {  	_ =	swait.ge [sflag:s22], $0x2000  }
0x14d: {  	[sflag:s22] =	ssyncset.done $0x0  }
0x14e: {  	[sflag:s22] =	ssyncadd.s32 $0xFFFFE000  }
0x14f: {  	[spmem:s2] =	stream.indirect.scatter.add.f32 [tilespmem:s20], [sflag:$0x3], $0x80, s25, s19, $0xb8;
	[tilespmem:$0x1CC00] =	vst v63  }
0x150: {  	_ =	swait.ge [sflag:s17], $0x2000  }
0x151: {  	[sflag:s17] =	ssyncset.done $0x0  }
0x152: {  	[sflag:s17] =	ssyncadd.s32 $0xFFFFE000  }
0x153: {  	[tilespmem:s20], [sflag:$0x1] =	stream.indirect.gather [hbm4b:s4+s19], $0x80, s24, s19, $0xb8;
	[tilespmem:$0x1CC00] =	vst v63  }
0x154: {  	_ =	swait.ge [sflag:s23], $0x2000  }
0x155: {  	[sflag:s23] =	ssyncset.done $0x0  }
0x156: {  	[sflag:s23] =	ssyncadd.s32 $0xFFFFE000  }
0x157: {  	[spmem:s2] =	stream.indirect.scatter.add.f32 [tilespmem:s21], [sflag:$0x3], $0x80, s26, s19, $0xb8;
	[tilespmem:$0x1CC00] =	vst v63  }
0x158: {  	_ =	swait.ge [sflag:s17], $0x2000  }
0x159: {  	[sflag:s17] =	ssyncset.done $0x0  }
0x15a: {  	[sflag:s17] =	ssyncadd.s32 $0xFFFFE000  }
0x15b: {  	_ =	swait.ge [sflag:s22], $0x2000  }
0x15c: {  	[sflag:s22] =	ssyncset.done $0x0  }
0x15d: {  	s28 =	sadd.s32 $0x1, s28;
	[sflag:s22] =	ssyncadd.s32 $0xFFFFE000  }
0x15e: {  	p0 =	sne.s32 s28, s15;
	[bflag:$0x0] =	sbarrier.arrive $0xFFFF  }
0x15f: {  	[hbm:s14], [sflag:s6] =	dma.local [spmem:s16], $0x2780  }
.Ltmp4:
0x160: {  	_ =	swait.ge [sflag:s17], $0x2780;
	(pc) =	sbr.rel @p0 .LBB2_1-.Ltmp4, $3  }
0x161: {  	[sflag:s17] =	ssyncset.done $0x0  }
0x162: {  	[sflag:s17] =	ssyncadd.s32 $0xFFFFD880  }
0x163: {  	[bflag:$0x0] =	sbarrier.arrive $0xFFFF;
	_ =	sdelay $0x1  }
0x164: {  	_ =	sfence.sel $0x180000  }
0x165: {  	[bflag:$0x0] =	sbarrier.arrive $0xFFFF  }
0x166: {  	_ =	strace $0x9000004A  }
0x167: {  	s0 =	stileid.u32;
	[bflag:$0x2] =	sbarrier.arrive $0xFFFF  }
0x168: {  	p0 =	sne.s32 s0, $0x0;
	s0 =	rddreg [dreg:$0x2]  }
0x169: {  	s0 =	sadd.s32 @!p0 $0x100000, s0  }
0x16a: {  	[sflag:s0] =	ssyncadd.tile.s32 @!p0 $0x1;
	_ =	shalt  }
.Lfunc_end2:
_tile_overlayer_lowered:
.L_overlay_start_2:
0x16b: {  	(tag) =	ssettag $0x2  }
0x16c: {  	s0 =	rddreg [dreg:$0x0];
	s2 =	stileid.u32  }
0x16d: {  	s1 =	rddreg [dreg:$0x1];
	p0 =	sne.s32 s2, $0x0  }
0x16e: {  	s3 =	rddreg [dreg:$0x2];
	[bflag:$0x3] =	sbarrier.arrive $0xFFFF;
	s2 =	simm.s32 @!p0 $0x1C03  }
0x16f: {  	[timem:s3], [sflag:s2] =	dma.local @!p0 [hbm:s0], s1  }
0x170: {  	s0 =	simm.s32 @!p0 $0x3  }
0x171: {  	_ =	swait.ge @!p0 [sflag:s0], s1  }
0x172: {  	s1 =	ssub.s32 @!p0 $0x0, s1;
	[sflag:s0] =	ssyncset.done @!p0 $0x0  }
0x173: {  	[sflag:s0] =	ssyncadd.s32 @!p0 s1  }
0x174: {  	[bflag:$0x3] =	sbarrier.arrive $0xFFFF  }
0x175: {  	_ =	shalt  }

// kernel: kernel.8.cloned.1.call-start
scs
__scs_entry_jumppad:
0x0: {  	(pc) =	sbr.rel $0x88, $3  }
0x1: {  	(tag) =	ssettag $0x0;
	lr =	simm.s32 $0x1  }
0x2: {  	[smem:$0x3F91] =	sst lr;
	_ =	strace $0xD0000000  }
0x3: {  	_ = 	snop  }
0x4: {  	_ = 	snop  }
0x5: {  	_ = 	snop  }
0x6: {  	_ = 	snop  }
0x7: {  	_ = 	snop  }
__scs_overlays_trampoline_lowered:
0x8: {  	[smem:$0x3FA0] =	sst s0  }
0x9: {  	[smem:$0x3FA1] =	sst s1  }
0xa: {  	[smem:$0x3FA2] =	sst s2  }
0xb: {  	[smem:$0x3FA3] =	sst s3  }
0xc: {  	[smem:$0x3FA4] =	sst s4  }
0xd: {  	[smem:$0x3FA5] =	sst s5  }
0xe: {  	[smem:$0x3FA6] =	sst s6  }
0xf: {  	[smem:$0x3FA7] =	sst s7  }
0x10: {  	[smem:$0x3FA8] =	sst s8  }
0x11: {  	[smem:$0x3FA9] =	sst s9;
	s0 =	simm.s32 @!p0 $0x0  }
0x12: {  	s1 =	sld [smem:$0x3F8F];
	s0 =	simm.s32 @p0 $0x1  }
0x13: {  	[smem:$0x3FAA] =	sst s0;
	s0 =	simm.s32 @!p1 $0x0  }
0x14: {  	s2 =	sld [smem:$0x3F8E];
	s0 =	simm.s32 @p1 $0x1  }
0x15: {  	[smem:$0x3FAB] =	sst s0;
	s0 =	simm.s32 @!p2 $0x0  }
0x16: {  	s3 =	sld [smem:$0x3FDB];
	s0 =	simm.s32 @p2 $0x1  }
0x17: {  	s4 =	simm.s32 $0x1BF5;
	[smem:$0x3FAD] =	sst s0  }
0x18: {  	s0 =	sld [smem:$0x3F90];
	_ =	swait.ge [sflag:s4], $0x0  }
0x19: {  	s7 =	sld [smem:$0x3F91]  }
0x1a: {  	s8 =	sadd.s32 $0xFFFFE003, lr  }
0x1b: {  	s9 =	sadd.s32 $0xFFFFFEF7, lr;
	s5 =	simm.s32 $0xFFFFFFFF;
	p2 =	slt.u32 s8, $0xFFFFF086  }
0x1c: {  	p1 =	slt.u32 s9, $0xF7A;
	s5 =	simm.s32 @!p2 $0x0  }
0x1d: {  	s5 =	simm.s32 @p1 $0x1;
	p0 =	seq.s32 s7, s2  }
0x1e: {  	s7 =	smul.u32 @!p0 $0xF7A, s2;
	p2 =	seq.s32 @!p0 s5, $0x0  }
0x1f: {  	s9 =	smul.u32 $0xF7A, s1;
	s8 =	simm.s32 @!p0 $0x1BF5;
	p2 =	por !p2, p0  }
0x20: {  	[sflag:s8] =	ssyncset.s32 @!p0 $0xFFFFF086;
	s6 =	sadd.s32 @!p0 s3, s7;
	s7 =	simm.s32 @!p0 $0x108  }
0x21: {  	s3 =	sadd.s32 s3, s9;
	s6 =	sadd.s32 @!p0 $0x88, s6;
	s7 =	simm.s32 @p2 $0x1082  }
0x22: {  	[simem:s7], [sflag:s8] =	dma.local @!p0 [hbm:s6], $0xF7A  }
0x23: {  	s9 =	sor.u32 $0xD0000000, s2;
	s6 =	simm.s32 $0x108;
	_ =	swait.ge @!p0 [sflag:s8], $0x0  }
0x24: {  	s3 =	sadd.s32 $0x88, s3;
	s6 =	simm.s32 @!p1 $0x1082;
	[sflag:s4] =	ssyncset.s32 $0xFFFFF086  }
0x25: {  	[simem:s6], [sflag:s4] =	dma.local [hbm:s3], $0xF7A  }
0x26: {  	[smem:$0x3F91] =	sst s1;
	(tag) =	ssettag s2;
	_ =	strace s9  }
0x27: {  	s1 =	sld [smem:$0x3FA1]  }
0x28: {  	s2 =	sld [smem:$0x3FA2]  }
0x29: {  	s4 =	sld [smem:$0x3FA4]  }
0x2a: {  	p0 =	seq.s32 s5, $0x0;
	s5 =	sld [smem:$0x3FA5]  }
0x2b: {  	s6 =	sld [smem:$0x3FA6]  }
0x2c: {  	s7 =	sld [smem:$0x3FA7]  }
0x2d: {  	s3 =	simm.s32 $0x108;
	s8 =	sld [smem:$0x3FA8]  }
0x2e: {  	s3 =	simm.s32 @!p0 $0x1082;
	s9 =	sld [smem:$0x3FA9]  }
0x2f: {  	lr =	sadd.s32 s0, s3;
	s0 =	sld [smem:$0x3FA0]  }
0x30: {  	s3 =	sld [smem:$0x3FA3]  }
0x31: {  	[smem:$0x3FAC] =	sst s10  }
0x32: {  	s10 =	sld [smem:$0x3FAA];
	_ =	sdelay $0x3  }
0x33: {  	p0 =	seq.s32 s10, $0x1;
	s10 =	sld [smem:$0x3FAC];
	_ =	sdelay $0x3  }
0x34: {  	[smem:$0x3FAC] =	sst s10  }
0x35: {  	s10 =	sld [smem:$0x3FAB];
	_ =	sdelay $0x3  }
0x36: {  	p1 =	seq.s32 s10, $0x1;
	s10 =	sld [smem:$0x3FAC];
	_ =	sdelay $0x3  }
0x37: {  	[smem:$0x3FAC] =	sst s10  }
0x38: {  	s10 =	sld [smem:$0x3FAD]  }
0x39: {  	_ = 	snop;
	(pc) =	sbr.ind lr, $3  }
0x3a: {  	_ = 	snop  }
0x3b: {  	_ = 	snop  }
0x3c: {  	p2 =	seq.s32 s10, $0x1;
	s10 =	sld [smem:$0x3FAC]  }
0x3d: {  	_ =	shalt  }
0x3e: {  	_ =	shalt  }
0x3f: {  	_ =	shalt  }
0x40: {  	_ =	shalt  }
0x41: {  	_ =	shalt  }
0x42: {  	_ =	shalt  }
0x43: {  	_ =	shalt  }
0x44: {  	_ =	shalt  }
0x45: {  	_ =	shalt  }
0x46: {  	_ =	shalt  }
0x47: {  	_ =	shalt  }
0x48: {  	_ =	shalt  }
0x49: {  	_ =	shalt  }
0x4a: {  	_ =	shalt  }
0x4b: {  	_ =	shalt  }
0x4c: {  	_ =	shalt  }
0x4d: {  	_ =	shalt  }
0x4e: {  	_ =	shalt  }
0x4f: {  	_ =	shalt  }
0x50: {  	_ =	shalt  }
0x51: {  	_ =	shalt  }
0x52: {  	_ =	shalt  }
0x53: {  	_ =	shalt  }
0x54: {  	_ =	shalt  }
0x55: {  	_ =	shalt  }
0x56: {  	_ =	shalt  }
0x57: {  	_ =	shalt  }
0x58: {  	_ =	shalt  }
0x59: {  	_ =	shalt  }
0x5a: {  	_ =	shalt  }
0x5b: {  	_ =	shalt  }
0x5c: {  	_ =	shalt  }
0x5d: {  	_ =	shalt  }
0x5e: {  	_ =	shalt  }
0x5f: {  	_ =	shalt  }
0x60: {  	_ =	shalt  }
0x61: {  	_ =	shalt  }
0x62: {  	_ =	shalt  }
0x63: {  	_ =	shalt  }
0x64: {  	_ =	shalt  }
0x65: {  	_ =	shalt  }
0x66: {  	_ =	shalt  }
0x67: {  	_ =	shalt  }
0x68: {  	_ =	shalt  }
0x69: {  	_ =	shalt  }
0x6a: {  	_ =	shalt  }
0x6b: {  	_ =	shalt  }
0x6c: {  	_ =	shalt  }
0x6d: {  	_ =	shalt  }
0x6e: {  	_ =	shalt  }
0x6f: {  	_ =	shalt  }
0x70: {  	_ =	shalt  }
0x71: {  	_ =	shalt  }
0x72: {  	_ =	shalt  }
0x73: {  	_ =	shalt  }
0x74: {  	_ =	shalt  }
0x75: {  	_ =	shalt  }
0x76: {  	_ =	shalt  }
0x77: {  	_ =	shalt  }
0x78: {  	_ =	shalt  }
0x79: {  	_ =	shalt  }
0x7a: {  	_ =	shalt  }
0x7b: {  	_ =	shalt  }
0x7c: {  	_ =	shalt  }
0x7d: {  	_ =	shalt  }
0x7e: {  	_ =	shalt  }
0x7f: {  	_ =	shalt  }
0x80: {  	_ =	shalt  }
0x81: {  	_ =	shalt  }
0x82: {  	_ =	shalt  }
0x83: {  	_ =	shalt  }
0x84: {  	_ =	shalt  }
0x85: {  	_ =	shalt  }
0x86: {  	_ =	shalt  }
0x87: {  	_ =	shalt  }
.Lfunc_end0:
.L_simem_size_0:
called_computation_lowered:
.L_overlay_start_0:
0x88: {  	s2 =	sld [smem:$0x3FD9]  }
0x89: {  	s3 =	sld [smem:$0x3FFE];
	_ =	sdelay $0x1  }
0x8a: {  	s1 =	srdreg.scid  }
0x8b: {  	s0 =	sand.u32 $0x1, s1  }
0x8c: {  	s17 =	sshll.u32 s0, $0xA;
	s2 =	sadd.s32 s3, s2  }
0x8d: {  	s2 =	sadd.s32 s2, s17  }
0x8e: {  	[smem:$0x3FB8] =	sst s2  }
0x8f: {  	_ = 	snop  }
0x90: {  	s2 =	sld [smem:$0x3FD0];
	(tm) =	ssettm $0x1  }
0x91: {  	s18 =	sld [smem:$0x3FFB];
	_ =	sdelay $0x3  }
0x92: {  	_ =	strace s18  }
0x93: {  	s3 =	sld [smem:$0x3FFC];
	_ =	sdelay $0x3  }
0x94: {  	_ =	strace s3  }
0x95: {  	s3 =	sld [smem:$0x3FFD];
	_ =	sdelay $0x3  }
0x96: {  	_ =	strace s3  }
0x97: {  	_ =	strace $0x8FFFFFFF  }
0x98: {  	s19 =	sld [smem:$0x3FDB];
	_ =	sdelay $0x1  }
0x99: {  	s4 =	simm.s32 $_scs_section_size  }
0x9a: {  	s5 =	simm.s32 $_size__tile_overlayer_lowered;
	s6 =	simm.s32 $_tile_overlayer_lowered  }
0x9b: {  	s22 =	simm.s32 $0x1BFF;
	s21 =	sshll.u32 s6, $0x1;
	s3 =	sadd.s32 s4, s19  }
0x9c: {  	s7 =	simm.s32 $0x0;
	s20 =	sshll.u32 s5, $0x1;
	s5 =	sadd.s32 s21, s3  }
0x9d: {  	[timem:s7], [sflag:s22] =	dma.local [hbm:s5], s20  }
0x9e: {  	_ =	swait.ge [sflag:s22], s20  }
0x9f: {  	s4 =	ssub.s32 $0x0, s20;
	[sflag:s22] =	ssyncset.done $0x0  }
0xa0: {  	[sflag:s22] =	ssyncadd.s32 s4;
	_ =	sdelay $0x1  }
0xa1: {  	s23 =	simm.s32 $0x1B8B  }
0xa2: {  	_ =	swait.ge [sflag:s23], $0x1  }
0xa3: {  	[sflag:s23] =	ssyncset.done $0x0  }
0xa4: {  	s25 =	simm.s32 $0x1B8E;
	s24 =	sld [smem:$0x3FFE];
	[sflag:s23] =	ssyncadd.s32 $0xFFFFFFFF  }
0xa5: {  	s26 =	simm.s32 $execute0_lowered;
	[smem:$0x3FD2] =	sst s25  }
0xa6: {  	s5 =	sshll.u32 s26, $0x1;
	_ =	strace $0x80000046;
	[dreg:$0x1] =	wrdreg $0xFFFFFFFF  }
0xa7: {  	s28 =	simm.s32 $_size_execute0_lowered;
	s3 =	sadd.s32 s3, s5;
	[dreg:$0x0] =	wrdreg $0x0  }
0xa8: {  	s5 =	sshll.u32 s28, $0x1;
	[dreg:$0x2] =	wrdreg s3  }
0xa9: {  	[dreg:$0x3] =	wrdreg s5  }
0xaa: {  	[dreg:$0x4] =	wrdreg $0xC0  }
0xab: {  	_ =	task [dreg:s7], $0x5FFFF  }
0xac: {  	[dreg:$0x1] =	wrdreg $0xFFFFFFFF  }
0xad: {  	[dreg:$0x0] =	wrdreg $0x60  }
0xae: {  	[dreg:$0x2] =	wrdreg s2  }
0xaf: {  	[dreg:$0x3] =	wrdreg s24  }
0xb0: {  	[dreg:$0x4] =	wrdreg $0x90000  }
0xb1: {  	[dreg:$0x5] =	wrdreg $0x9  }
0xb2: {  	_ =	task.clear_ibuf [dreg:s7], $0x6FFFF;
	_ =	strace $0x90000046  }
0xb3: {  	s29 =	simm.s32 $0x9;
	_ =	strace $0x80000048  }
0xb4: {  	_ =	swait.ge [sflag:s29], $0x1  }
0xb5: {  	[sflag:s29] =	ssyncadd.s32 $0xFFFFFFFF  }
0xb6: {  	_ =	strace $0x90000048  }
0xb7: {  	_ =	sfence  }
0xb8: {  	s30 =	sld [smem:$0x0];
	_ =	sdelay $0x2  }
0xb9: {  	s31 =	sshll.u32 s1, $0xD;
	s1 =	sshrl.u32 s1, $0x2  }
0xba: {  	s3 =	sand.u32 $0x4000, s31;
	s1 =	sadd.s32 s1, s30  }
0xbb: {  	s0 =	sor.u32 s3, s0;
	s1 =	sshll.u32 s1, $0x11  }
0xbc: {  	s0 =	sor.u32 s1, s0  }
0xbd: {  	s0 =	sadd.s32 $0x8F2B, s0  }
0xbe: {  	[sflag:s0] =	ssyncadd.remote.s32 $0x1  }
0xbf: {  	_ =	sfence.sel $0xFFFF  }
0xc0: {  	[dreg:$0x0] =	wrdreg $0xFFFFFFFF;
	(pc) =	sbr.abs _section_cstart, $3  }
0xc1: {  	[dreg:$0x1] =	wrdreg $0xFFFFFFFF  }
0xc2: {  	_ =	task.clear_ibuf [dreg:s7], $0x2FFFF;
	_ =	strace $0x9FFFFFFF  }
0xc3: {  	(tm) =	ssettm $0x7FFFFFFF  }
tec
execute0_lowered:
.L_overlay_start_1:
0x0: {  	(tag) =	ssettag $0x1  }
0x1: {  	s1 =	rddreg [dreg:$0x0]  }
0x2: {  	s5 =	rddreg [dreg:$0x1]  }
0x3: {  	s3 =	rddreg [dreg:$0x2]  }
0x4: {  	s0 =	srdreg.scid;
	s2 =	rddreg [dreg:$0x3];
	s4 =	simm.s32 $0x0  }
0x5: {  	s16 =	simm.s32 $0x40;
	s17 =	simm.s32 $0x5000;
	s6 =	sand.u32 $0x1, s0  }
0x6: {  	s18 =	simm.s32 $0x7000;
	s0 =	stileid.u32;
	s7 =	smul.u32 $0x50000, s6  }
0x7: {  	s19 =	simm.s32 $0x1;
	s20 =	simm.s32 $0x2;
	s8 =	smul.u32 $0x5000, s0  }
0x8: {  	s21 =	simm.s32 $0x2780;
	s22 =	simm.s32 $0x4F00;
	s9 =	smul.u32 $0x13C00, s0  }
0x9: {  	s23 =	simm.s32 $0x4F80;
	[smem:$0x7FF] =	sst s4;
	s10 =	smul.u32 $0x13C000, s6  }
0xa: {  	_ =	strace $0x80000047;
	s6 =	ssub.s32 $0x2, s6;
	s28 =	smul.u32 $0x4F000, s0  }
0xb: {  	s31 =	sshll.u32 s0, $0x6;
	s29 =	sshrl.u32 s6, $0x1;
	s7 =	sadd.s32 s8, s7  }
0xc: {  	s24 =	sshrl.u32 s8, $0x3;
	s25 =	sshrl.u32 s9, $0x3;
	s26 =	sadd.s32 s9, s10  }
0xd: {  	s14 =	ssub.s32 s6, s29;
	s30 =	sshrl.u32 s28, $0x2;
	s6 =	sor.u32 $0x1C03, s31  }
0xe: {  	s7 =	sshrl.u32 s7, $0x3;
	s12 =	sadd.s32 s24, s5;
	s8 =	sshrl.u32 s26, $0x3  }
0xf: {  	s15 =	sadd.s32 s30, s3;
	s24 =	simm.s32 $0x0;
	s11 =	sadd.s32 s7, s5  }
0x10: {  	s7 =	sadd.s32 s25, s5;
	s13 =	sadd.s32 s8, s5;
	s8 =	sadd.s32 $0x16C00, s12  }
0x11: {  	s10 =	sadd.s32 $0x17100, s12;
	s12 =	smax.u32 s14, $0x1;
	s14 =	simm.s32 $0x3  }
0x12: {  	s5 =	sadd.s32 $0x20C00, s7;
	s7 =	sadd.s32 $0x2C00, s11;
	s9 =	sadd.s32 $0x3100, s11  }
0x13: {  	s11 =	sadd.s32 $0x48400, s13;
	s13 =	sshrl.u32 s15, $0x3;
	s15 =	simm.s32 $0x2800  }
.LBB2_1:
0x14: {  	[spmem:s13], [sflag:s6] =	dma.local [hbm:s5], $0x2780  }
0x15: {  	_ =	swait.ge [sflag:s14], $0x2780  }
0x16: {  	[sflag:s14] =	ssyncset.done $0x0  }
0x17: {  	[sflag:s14] =	ssyncadd.s32 $0xFFFFD880  }
0x18: {  	[bflag:$0x0] =	sbarrier.arrive $0xFFFF  }
0x19: {  	[tilespmem:s4], [sflag:$0x3] =	stream.linear.gather [hbm4b:s7+s4], $0x2800, $0x38;
	[tilespmem:$0x1CC00] =	vst v63  }
0x1a: {  	_ =	swait.ge [sflag:s14], $0x2800  }
0x1b: {  	[sflag:s14] =	ssyncset.done $0x0  }
0x1c: {  	[sflag:s14] =	ssyncadd.s32 $0xFFFFD800  }
0x1d: {  	[tilespmem:s15], [sflag:$0x3] =	stream.linear.gather [hbm4b:s8+s4], $0x2800, $0x38;
	[tilespmem:$0x1CC00] =	vst v63  }
0x1e: {  	_ =	swait.ge [sflag:s14], $0x2800  }
0x1f: {  	[sflag:s14] =	ssyncset.done $0x0  }
0x20: {  	[sflag:s14] =	ssyncadd.s32 $0xFFFFD800  }
0x21: {  	[tilespmem:s17], [sflag:$0x1] =	stream.indirect.gather [hbm4b:s1+s16], $0x80, s4, s16, $0xb8;
	[tilespmem:$0x1CC00] =	vst v63  }
0x22: {  	s25 =	simm.s32 $0x80  }
0x23: {  	[tilespmem:s18], [sflag:$0x2] =	stream.indirect.gather [hbm4b:s1+s16], $0x80, s25, s16, $0xb8;
	[tilespmem:$0x1CC00] =	vst v63  }
0x24: {  	_ =	swait.ge [sflag:s19], $0x2000  }
0x25: {  	[sflag:s19] =	ssyncset.done $0x0  }
0x26: {  	s29 =	simm.s32 $0x2800;
	[sflag:s19] =	ssyncadd.s32 $0xFFFFE000  }
0x27: {  	[spmem:s3] =	stream.indirect.scatter.add.f32 [tilespmem:s17], [sflag:$0x3], $0x80, s29, s16, $0xb8;
	[tilespmem:$0x1CC00] =	vst v63  }
0x28: {  	_ =	swait.ge [sflag:s14], $0x2000  }
0x29: {  	[sflag:s14] =	ssyncset.done $0x0  }
0x2a: {  	s30 =	simm.s32 $0x100;
	[sflag:s14] =	ssyncadd.s32 $0xFFFFE000  }
0x2b: {  	[tilespmem:s17], [sflag:$0x1] =	stream.indirect.gather [hbm4b:s1+s16], $0x80, s30, s16, $0xb8;
	[tilespmem:$0x1CC00] =	vst v63  }
0x2c: {  	_ =	swait.ge [sflag:s20], $0x2000  }
0x2d: {  	[sflag:s20] =	ssyncset.done $0x0  }
0x2e: {  	s31 =	simm.s32 $0x2880;
	[sflag:s20] =	ssyncadd.s32 $0xFFFFE000  }
0x2f: {  	[spmem:s3] =	stream.indirect.scatter.add.f32 [tilespmem:s18], [sflag:$0x3], $0x80, s31, s16, $0xb8;
	[tilespmem:$0x1CC00] =	vst v63  }
0x30: {  	_ =	swait.ge [sflag:s14], $0x2000  }
0x31: {  	s26 =	simm.s32 $0x800;
	s25 =	simm.s32 $0x100;
	[sflag:s14] =	ssyncset.done $0x0  }
.LBB2_2:
0x32: {  	s28 =	sadd.s32 $0x80, s25  }
0x33: {  	[sflag:s14] =	ssyncadd.s32 $0xFFFFE000;
	s29 =	smov.u32 s26;
	s30 =	sadd.s32 $0x400, s26  }
0x34: {  	[tilespmem:s18], [sflag:$0x2] =	stream.indirect.gather [hbm4b:s1+s16], $0x80, s28, s16, $0xb8;
	[tilespmem:$0x1CC00] =	vst v63  }
0x35: {  	p0 =	sne.s32 s26, $0x9800;
	_ =	swait.ge [sflag:s19], $0x2000  }
0x36: {  	[sflag:s19] =	ssyncset.done $0x0  }
0x37: {  	s26 =	sadd.s32 $0x2800, s25;
	[sflag:s19] =	ssyncadd.s32 $0xFFFFE000  }
0x38: {  	[spmem:s3] =	stream.indirect.scatter.add.f32 [tilespmem:s17], [sflag:$0x3], $0x80, s26, s16, $0xb8;
	[tilespmem:$0x1CC00] =	vst v63  }
0x39: {  	_ =	swait.ge [sflag:s14], $0x2000  }
0x3a: {  	[sflag:s14] =	ssyncset.done $0x0  }
0x3b: {  	s26 =	sadd.s32 $0x100, s25;
	[sflag:s14] =	ssyncadd.s32 $0xFFFFE000  }
0x3c: {  	[tilespmem:s17], [sflag:$0x1] =	stream.indirect.gather [hbm4b:s1+s16], $0x80, s26, s16, $0xb8;
	[tilespmem:$0x1CC00] =	vst v63  }
0x3d: {  	_ =	swait.ge [sflag:s20], $0x2000  }
.Ltmp0:
0x3e: {  	[sflag:s20] =	ssyncset.done $0x0;
	(pc) =	sbr.rel @p0 .LBB2_2-.Ltmp0, $4  }
0x3f: {  	s25 =	sadd.s32 $0x2880, s25;
	[sflag:s20] =	ssyncadd.s32 $0xFFFFE000  }
0x40: {  	[spmem:s3] =	stream.indirect.scatter.add.f32 [tilespmem:s18], [sflag:$0x3], $0x80, s25, s16, $0xb8;
	[tilespmem:$0x1CC00] =	vst v63  }
0x41: {  	_ =	swait.ge [sflag:s14], $0x2000  }
0x42: {  	s26 =	smov.u32 s30;
	s25 =	sshra.s32 s29, $0x2;
	[sflag:s14] =	ssyncset.done $0x0  }
0x43: {  	s26 =	sadd.s32 $0x80, s25;
	[sflag:s14] =	ssyncadd.s32 $0xFFFFE000  }
0x44: {  	[tilespmem:s18], [sflag:$0x2] =	stream.indirect.gather [hbm4b:s1+s16], $0x80, s26, s16, $0xb8;
	[tilespmem:$0x1CC00] =	vst v63  }
0x45: {  	_ =	swait.ge [sflag:s19], $0x2000  }
0x46: {  	[sflag:s19] =	ssyncset.done $0x0  }
0x47: {  	s29 =	sadd.s32 $0x2800, s25;
	[sflag:s19] =	ssyncadd.s32 $0xFFFFE000  }
0x48: {  	[spmem:s3] =	stream.indirect.scatter.add.f32 [tilespmem:s17], [sflag:$0x3], $0x80, s29, s16, $0xb8;
	[tilespmem:$0x1CC00] =	vst v63  }
0x49: {  	_ =	swait.ge [sflag:s14], $0x2000  }
0x4a: {  	[sflag:s14] =	ssyncset.done $0x0  }
0x4b: {  	s30 =	sadd.s32 $0x100, s25;
	[sflag:s14] =	ssyncadd.s32 $0xFFFFE000  }
0x4c: {  	[tilespmem:s17], [sflag:$0x1] =	stream.indirect.gather [hbm4b:s1+s16], $0x80, s30, s16, $0xb8;
	[tilespmem:$0x1CC00] =	vst v63  }
0x4d: {  	_ =	swait.ge [sflag:s20], $0x2000  }
0x4e: {  	[sflag:s20] =	ssyncset.done $0x0  }
0x4f: {  	s31 =	sadd.s32 $0x2880, s25;
	[sflag:s20] =	ssyncadd.s32 $0xFFFFE000  }
0x50: {  	[spmem:s3] =	stream.indirect.scatter.add.f32 [tilespmem:s18], [sflag:$0x3], $0x80, s31, s16, $0xb8;
	[tilespmem:$0x1CC00] =	vst v63  }
0x51: {  	_ =	swait.ge [sflag:s14], $0x2000  }
0x52: {  	[sflag:s14] =	ssyncset.done $0x0  }
0x53: {  	[sflag:s14] =	ssyncadd.s32 $0xFFFFE000  }
0x54: {  	[tilespmem:s18], [sflag:$0x2] =	stream.indirect.gather [hbm4b:s1+s16], $0x80, s21, s16, $0xb8;
	[tilespmem:$0x1CC00] =	vst v63  }
0x55: {  	_ =	swait.ge [sflag:s19], $0x2000  }
0x56: {  	[sflag:s19] =	ssyncset.done $0x0  }
0x57: {  	[sflag:s19] =	ssyncadd.s32 $0xFFFFE000  }
0x58: {  	[spmem:s3] =	stream.indirect.scatter.add.f32 [tilespmem:s17], [sflag:$0x3], $0x80, s22, s16, $0xb8;
	[tilespmem:$0x1CC00] =	vst v63  }
0x59: {  	_ =	swait.ge [sflag:s14], $0x2000  }
0x5a: {  	[sflag:s14] =	ssyncset.done $0x0  }
0x5b: {  	[sflag:s14] =	ssyncadd.s32 $0xFFFFE000  }
0x5c: {  	[tilespmem:s17], [sflag:$0x1] =	stream.indirect.gather [hbm4b:s1+s16], $0x80, s21, s16, $0xb8;
	[tilespmem:$0x1CC00] =	vst v63  }
0x5d: {  	_ =	swait.ge [sflag:s20], $0x2000  }
0x5e: {  	[sflag:s20] =	ssyncset.done $0x0  }
0x5f: {  	[sflag:s20] =	ssyncadd.s32 $0xFFFFE000  }
0x60: {  	[spmem:s3] =	stream.indirect.scatter.add.f32 [tilespmem:s18], [sflag:$0x3], $0x80, s23, s16, $0xb8;
	[tilespmem:$0x1CC00] =	vst v63  }
0x61: {  	_ =	swait.ge [sflag:s14], $0x2000  }
0x62: {  	[sflag:s14] =	ssyncset.done $0x0  }
0x63: {  	[sflag:s14] =	ssyncadd.s32 $0xFFFFE000  }
0x64: {  	_ =	swait.ge [sflag:s19], $0x2000  }
0x65: {  	[sflag:s19] =	ssyncset.done $0x0  }
0x66: {  	s26 =	simm.s32 $0x0;
	[sflag:s19] =	ssyncadd.s32 $0xFFFFE000  }
0x67: {  	[tilespmem:s26], [sflag:$0x3] =	stream.linear.gather [hbm4b:s9+s26], $0x2800, $0x38;
	[tilespmem:$0x1CC00] =	vst v63  }
0x68: {  	_ =	swait.ge [sflag:s14], $0x2800  }
0x69: {  	[sflag:s14] =	ssyncset.done $0x0  }
0x6a: {  	[sflag:s14] =	ssyncadd.s32 $0xFFFFD800  }
0x6b: {  	[tilespmem:s15], [sflag:$0x3] =	stream.linear.gather [hbm4b:s10+s26], $0x2800, $0x38;
	[tilespmem:$0x1CC00] =	vst v63  }
0x6c: {  	_ =	swait.ge [sflag:s14], $0x2800  }
0x6d: {  	[sflag:s14] =	ssyncset.done $0x0  }
0x6e: {  	[sflag:s14] =	ssyncadd.s32 $0xFFFFD800  }
0x6f: {  	[tilespmem:s17], [sflag:$0x1] =	stream.indirect.gather [hbm4b:s1+s16], $0x80, s26, s16, $0xb8;
	[tilespmem:$0x1CC00] =	vst v63  }
0x70: {  	s28 =	simm.s32 $0x80  }
0x71: {  	[tilespmem:s18], [sflag:$0x2] =	stream.indirect.gather [hbm4b:s1+s16], $0x80, s28, s16, $0xb8;
	[tilespmem:$0x1CC00] =	vst v63  }
0x72: {  	_ =	swait.ge [sflag:s19], $0x2000  }
0x73: {  	[sflag:s19] =	ssyncset.done $0x0  }
0x74: {  	s29 =	simm.s32 $0x2800;
	[sflag:s19] =	ssyncadd.s32 $0xFFFFE000  }
0x75: {  	[spmem:s3] =	stream.indirect.scatter.add.f32 [tilespmem:s17], [sflag:$0x3], $0x80, s29, s16, $0xb8;
	[tilespmem:$0x1CC00] =	vst v63  }
0x76: {  	_ =	swait.ge [sflag:s14], $0x2000  }
0x77: {  	[sflag:s14] =	ssyncset.done $0x0  }
0x78: {  	s30 =	simm.s32 $0x100;
	[sflag:s14] =	ssyncadd.s32 $0xFFFFE000  }
0x79: {  	[tilespmem:s17], [sflag:$0x1] =	stream.indirect.gather [hbm4b:s1+s16], $0x80, s30, s16, $0xb8;
	[tilespmem:$0x1CC00] =	vst v63  }
0x7a: {  	_ =	swait.ge [sflag:s20], $0x2000  }
0x7b: {  	[sflag:s20] =	ssyncset.done $0x0  }
0x7c: {  	s31 =	simm.s32 $0x2880;
	[sflag:s20] =	ssyncadd.s32 $0xFFFFE000  }
0x7d: {  	[spmem:s3] =	stream.indirect.scatter.add.f32 [tilespmem:s18], [sflag:$0x3], $0x80, s31, s16, $0xb8;
	[tilespmem:$0x1CC00] =	vst v63  }
0x7e: {  	_ =	swait.ge [sflag:s14], $0x2000  }
0x7f: {  	s25 =	simm.s32 $0x100;
	s26 =	simm.s32 $0x800;
	[sflag:s14] =	ssyncset.done $0x0  }
.LBB2_4:
0x80: {  	s28 =	sadd.s32 $0x80, s25  }
0x81: {  	[sflag:s14] =	ssyncadd.s32 $0xFFFFE000;
	s29 =	smov.u32 s26;
	s30 =	sadd.s32 $0x400, s26  }
0x82: {  	[tilespmem:s18], [sflag:$0x2] =	stream.indirect.gather [hbm4b:s1+s16], $0x80, s28, s16, $0xb8;
	[tilespmem:$0x1CC00] =	vst v63  }
0x83: {  	p0 =	sne.s32 s26, $0x9800;
	_ =	swait.ge [sflag:s19], $0x2000  }
0x84: {  	[sflag:s19] =	ssyncset.done $0x0  }
0x85: {  	s26 =	sadd.s32 $0x2800, s25;
	[sflag:s19] =	ssyncadd.s32 $0xFFFFE000  }
0x86: {  	[spmem:s3] =	stream.indirect.scatter.add.f32 [tilespmem:s17], [sflag:$0x3], $0x80, s26, s16, $0xb8;
	[tilespmem:$0x1CC00] =	vst v63  }
0x87: {  	_ =	swait.ge [sflag:s14], $0x2000  }
0x88: {  	[sflag:s14] =	ssyncset.done $0x0  }
0x89: {  	s26 =	sadd.s32 $0x100, s25;
	[sflag:s14] =	ssyncadd.s32 $0xFFFFE000  }
0x8a: {  	[tilespmem:s17], [sflag:$0x1] =	stream.indirect.gather [hbm4b:s1+s16], $0x80, s26, s16, $0xb8;
	[tilespmem:$0x1CC00] =	vst v63  }
0x8b: {  	_ =	swait.ge [sflag:s20], $0x2000  }
.Ltmp1:
0x8c: {  	[sflag:s20] =	ssyncset.done $0x0;
	(pc) =	sbr.rel @p0 .LBB2_4-.Ltmp1, $4  }
0x8d: {  	s25 =	sadd.s32 $0x2880, s25;
	[sflag:s20] =	ssyncadd.s32 $0xFFFFE000  }
0x8e: {  	[spmem:s3] =	stream.indirect.scatter.add.f32 [tilespmem:s18], [sflag:$0x3], $0x80, s25, s16, $0xb8;
	[tilespmem:$0x1CC00] =	vst v63  }
0x8f: {  	_ =	swait.ge [sflag:s14], $0x2000  }
0x90: {  	s26 =	smov.u32 s30;
	s25 =	sshra.s32 s29, $0x2;
	[sflag:s14] =	ssyncset.done $0x0  }
0x91: {  	s26 =	sadd.s32 $0x80, s25;
	[sflag:s14] =	ssyncadd.s32 $0xFFFFE000  }
0x92: {  	[tilespmem:s18], [sflag:$0x2] =	stream.indirect.gather [hbm4b:s1+s16], $0x80, s26, s16, $0xb8;
	[tilespmem:$0x1CC00] =	vst v63  }
0x93: {  	_ =	swait.ge [sflag:s19], $0x2000  }
0x94: {  	[sflag:s19] =	ssyncset.done $0x0  }
0x95: {  	s29 =	sadd.s32 $0x2800, s25;
	[sflag:s19] =	ssyncadd.s32 $0xFFFFE000  }
0x96: {  	[spmem:s3] =	stream.indirect.scatter.add.f32 [tilespmem:s17], [sflag:$0x3], $0x80, s29, s16, $0xb8;
	[tilespmem:$0x1CC00] =	vst v63  }
0x97: {  	_ =	swait.ge [sflag:s14], $0x2000  }
0x98: {  	[sflag:s14] =	ssyncset.done $0x0  }
0x99: {  	s30 =	sadd.s32 $0x100, s25;
	[sflag:s14] =	ssyncadd.s32 $0xFFFFE000  }
0x9a: {  	[tilespmem:s17], [sflag:$0x1] =	stream.indirect.gather [hbm4b:s1+s16], $0x80, s30, s16, $0xb8;
	[tilespmem:$0x1CC00] =	vst v63  }
0x9b: {  	_ =	swait.ge [sflag:s20], $0x2000  }
0x9c: {  	[sflag:s20] =	ssyncset.done $0x0  }
0x9d: {  	s31 =	sadd.s32 $0x2880, s25;
	[sflag:s20] =	ssyncadd.s32 $0xFFFFE000  }
0x9e: {  	[spmem:s3] =	stream.indirect.scatter.add.f32 [tilespmem:s18], [sflag:$0x3], $0x80, s31, s16, $0xb8;
	[tilespmem:$0x1CC00] =	vst v63  }
0x9f: {  	_ =	swait.ge [sflag:s14], $0x2000  }
0xa0: {  	[sflag:s14] =	ssyncset.done $0x0  }
0xa1: {  	[sflag:s14] =	ssyncadd.s32 $0xFFFFE000  }
0xa2: {  	[tilespmem:s18], [sflag:$0x2] =	stream.indirect.gather [hbm4b:s1+s16], $0x80, s21, s16, $0xb8;
	[tilespmem:$0x1CC00] =	vst v63  }
0xa3: {  	_ =	swait.ge [sflag:s19], $0x2000  }
0xa4: {  	[sflag:s19] =	ssyncset.done $0x0  }
0xa5: {  	[sflag:s19] =	ssyncadd.s32 $0xFFFFE000  }
0xa6: {  	[spmem:s3] =	stream.indirect.scatter.add.f32 [tilespmem:s17], [sflag:$0x3], $0x80, s22, s16, $0xb8;
	[tilespmem:$0x1CC00] =	vst v63  }
0xa7: {  	_ =	swait.ge [sflag:s14], $0x2000  }
0xa8: {  	[sflag:s14] =	ssyncset.done $0x0  }
0xa9: {  	[sflag:s14] =	ssyncadd.s32 $0xFFFFE000  }
0xaa: {  	[tilespmem:s17], [sflag:$0x1] =	stream.indirect.gather [hbm4b:s1+s16], $0x80, s21, s16, $0xb8;
	[tilespmem:$0x1CC00] =	vst v63  }
0xab: {  	_ =	swait.ge [sflag:s20], $0x2000  }
0xac: {  	[sflag:s20] =	ssyncset.done $0x0  }
0xad: {  	[sflag:s20] =	ssyncadd.s32 $0xFFFFE000  }
0xae: {  	[spmem:s3] =	stream.indirect.scatter.add.f32 [tilespmem:s18], [sflag:$0x3], $0x80, s23, s16, $0xb8;
	[tilespmem:$0x1CC00] =	vst v63  }
0xaf: {  	_ =	swait.ge [sflag:s14], $0x2000  }
0xb0: {  	[sflag:s14] =	ssyncset.done $0x0  }
0xb1: {  	[sflag:s14] =	ssyncadd.s32 $0xFFFFE000  }
0xb2: {  	_ =	swait.ge [sflag:s19], $0x2000  }
0xb3: {  	[sflag:s19] =	ssyncset.done $0x0  }
0xb4: {  	s24 =	sadd.s32 $0x1, s24;
	[sflag:s19] =	ssyncadd.s32 $0xFFFFE000  }
0xb5: {  	p0 =	sne.s32 s24, s12;
	[bflag:$0x0] =	sbarrier.arrive $0xFFFF  }
0xb6: {  	[hbm:s11], [sflag:s6] =	dma.local [spmem:s13], $0x2780  }
.Ltmp2:
0xb7: {  	_ =	swait.ge [sflag:s14], $0x2780;
	(pc) =	sbr.rel @p0 .LBB2_1-.Ltmp2, $3  }
0xb8: {  	[sflag:s14] =	ssyncset.done $0x0  }
0xb9: {  	[sflag:s14] =	ssyncadd.s32 $0xFFFFD880  }
0xba: {  	[bflag:$0x0] =	sbarrier.arrive $0xFFFF;
	_ =	sdelay $0x1  }
0xbb: {  	_ =	sfence.sel $0x180000  }
0xbc: {  	[bflag:$0x0] =	sbarrier.arrive $0xFFFF  }
0xbd: {  	p0 =	sne.s32 s0, $0x0;
	_ =	strace $0x90000047  }
0xbe: {  	s0 =	sadd.s32 @!p0 $0x100000, s2;
	[bflag:$0x2] =	sbarrier.arrive $0xFFFF  }
0xbf: {  	[sflag:s0] =	ssyncadd.tile.s32 @!p0 $0x1;
	_ =	shalt  }
.Lfunc_end2:
_tile_overlayer_lowered:
.L_overlay_start_2:
0xc0: {  	(tag) =	ssettag $0x2  }
0xc1: {  	s0 =	rddreg [dreg:$0x0];
	s2 =	stileid.u32  }
0xc2: {  	s1 =	rddreg [dreg:$0x1];
	p0 =	sne.s32 s2, $0x0  }
0xc3: {  	s3 =	rddreg [dreg:$0x2];
	[bflag:$0x3] =	sbarrier.arrive $0xFFFF;
	s2 =	simm.s32 @!p0 $0x1C03  }
0xc4: {  	[timem:s3], [sflag:s2] =	dma.local @!p0 [hbm:s0], s1  }
0xc5: {  	s0 =	simm.s32 @!p0 $0x3  }
0xc6: {  	_ =	swait.ge @!p0 [sflag:s0], s1  }
0xc7: {  	s1 =	ssub.s32 @!p0 $0x0, s1;
	[sflag:s0] =	ssyncset.done @!p0 $0x0  }
0xc8: {  	[sflag:s0] =	ssyncadd.s32 @!p0 s1  }
0xc9: {  	[bflag:$0x3] =	sbarrier.arrive $0xFFFF  }
0xca: {  	_ =	shalt  }

</sc_bundles>
